<compile_context>
chip_gen: v7x
topology: tpu7x:2x2x1
jax: 0.10.2.dev20260603
libtpu: 0.0.44.dev20260713+nightly
codegen_flags: <defaults>
</compile_context>

<pallas_src>
import functools
import math

import jax
import jax.numpy as jnp
from jax import lax
from jax.experimental import pallas as pl
from jax.experimental.pallas import tpu as pltpu
from jax.experimental.pallas import tpu_sc as plsc

N = 10000
E = 320000
H = 128
NH = 8
DH = 16
NVF = 128
INNER = 512

NC = 2
NS = 16
NW = NC * NS
EPT = E // NW
CE = 80
NCH = EPT // CE
CF = 1000

@functools.cache
def _sc_mesh():
    return plsc.VectorSubcoreMesh(
        core_axis_name="c", subcore_axis_name="s",
        num_cores=NC, num_subcores=NS)


def _ln(x, eps=1e-6):
    mu = jnp.mean(x, axis=-1, keepdims=True)
    var = jnp.mean((x - mu) ** 2, axis=-1, keepdims=True)
    return (x - mu) * lax.rsqrt(var + eps)


def _silu(x):
    return x * jax.nn.sigmoid(x)


def _gelu_tanh(x):
    return 0.5 * x * (1.0 + jnp.tanh(0.7978845608028654 * (x + 0.044715 * x * x * x)))



def _n1_body(x_ref, th_ref, wada_ref, bada_ref, wqkv_ref, mod_ref, q_ref,
             k_ref, v_ref):
    mod = jnp.dot(_silu(th_ref[...]), wada_ref[...],
                  preferred_element_type=jnp.float32) + bada_ref[...]
    mod_ref[...] = mod
    shift = mod[:, 0:H]
    scale = mod[:, H:2 * H]
    xm = _ln(x_ref[...]) * (1.0 + scale) + shift
    qkv = jnp.dot(xm, wqkv_ref[...], preferred_element_type=jnp.float32)
    q_ref[...] = qkv[:, 0:H]
    k_ref[...] = qkv[:, H:2 * H]
    v_ref[...] = qkv[:, 2 * H:3 * H]


def _tc_n1(x, t_emb_h, W_ada, b_ada, W_qkv):
    BN = 2000
    grid = (N // BN,)
    return pl.pallas_call(
        _n1_body,
        grid=grid,
        in_specs=[
            pl.BlockSpec((BN, H), lambda i: (i, 0)),
            pl.BlockSpec((BN, H), lambda i: (i, 0)),
            pl.BlockSpec((H, 6 * H), lambda i: (0, 0)),
            pl.BlockSpec((1, 6 * H), lambda i: (0, 0)),
            pl.BlockSpec((H, 3 * H), lambda i: (0, 0)),
        ],
        out_specs=[
            pl.BlockSpec((BN, 6 * H), lambda i: (i, 0)),
            pl.BlockSpec((BN, H), lambda i: (i, 0)),
            pl.BlockSpec((BN, H), lambda i: (i, 0)),
            pl.BlockSpec((BN, H), lambda i: (i, 0)),
        ],
        out_shape=[
            jax.ShapeDtypeStruct((N, 6 * H), jnp.float32),
            jax.ShapeDtypeStruct((N, H), jnp.float32),
            jax.ShapeDtypeStruct((N, H), jnp.float32),
            jax.ShapeDtypeStruct((N, H), jnp.float32),
        ],
    )(x, t_emb_h, W_ada, b_ada.reshape(1, 6 * H), W_qkv)



def _gather_combine_body(op, a_hbm, b_hbm, src_hbm, tgt_hbm, out_hbm,
                         sidx, tidx, av, bv):
    wid = lax.axis_index("s") * NC + lax.axis_index("c")

    def chunk(i, _):
        base = wid * EPT + i * CE
        pltpu.sync_copy(src_hbm.at[pl.ds(base, CE)], sidx)
        pltpu.sync_copy(tgt_hbm.at[pl.ds(base, CE)], tidx)
        pltpu.sync_copy(a_hbm.at[sidx], av)
        pltpu.sync_copy(b_hbm.at[tidx], bv)

        def row(r, _):
            for h in range(NH):
                sl = pl.ds(h * DH, DH)
                if op == "mul":
                    av[r, sl] = av[r, sl] * bv[r, sl]
                else:
                    av[r, sl] = av[r, sl] + bv[r, sl]
            return 0

        lax.fori_loop(0, CE, row, 0, unroll=2)
        pltpu.sync_copy(av, out_hbm.at[pl.ds(base, CE)])
        return 0

    lax.fori_loop(0, NCH, chunk, 0)


def _sc_gather_combine(op, table_a, table_b, src, tgt):
    body = functools.partial(_gather_combine_body, op)
    return pl.kernel(
        body,
        out_type=jax.ShapeDtypeStruct((E, H), jnp.float32),
        mesh=_sc_mesh(),
        scratch_types=[
            pltpu.VMEM((CE,), jnp.int32),
            pltpu.VMEM((CE,), jnp.int32),
            pltpu.VMEM((CE, H), jnp.float32),
            pltpu.VMEM((CE, H), jnp.float32),
        ],
    )(table_a, table_b, src, tgt)



def _e1_body(ea_ref, dist_ref, te_ref, t_ref, wadae_ref, badae_ref,
             wemb_ref, bemb_ref, wle0_ref, wle1_ref, w_ref, e16_ref):
    BE = ea_ref.shape[0]
    mod2 = jnp.dot(_silu(te_ref[...]), wadae_ref[...],
                   preferred_element_type=jnp.float32) + badae_ref[...]
    e_shift = mod2[:, 0:H]
    e_scale = mod2[:, H:2 * H]
    ea = (jnp.dot(ea_ref[...], wemb_ref[0:H, :],
                  preferred_element_type=jnp.float32)
          + jnp.dot(dist_ref[...], wemb_ref[H:H + NVF, :],
                    preferred_element_type=jnp.float32)
          + bemb_ref[...])
    eam = _ln(ea) * (1.0 + e_scale) + e_shift
    e_attn = _gelu_tanh(jnp.dot(eam, wle0_ref[...],
                                preferred_element_type=jnp.float32))
    le1 = jnp.dot(eam, wle1_ref[...], preferred_element_type=jnp.float32)
    prod = t_ref[...] * e_attn
    gi = lax.broadcasted_iota(jnp.int32, (H, NH), 0) // DH
    gh = lax.broadcasted_iota(jnp.int32, (H, NH), 1)
    G = (gi == gh).astype(jnp.float32)
    alpha = jnp.dot(prod, G, preferred_element_type=jnp.float32) * (1.0 / math.sqrt(DH))
    e = jnp.exp(alpha)
    e16_ref[...] = jnp.concatenate([e, e], axis=1)
    w_ref[...] = le1 * jnp.dot(e, G.T, preferred_element_type=jnp.float32)
    del BE


def _tc_e1(edge_attr, dist, t_emb_e, T, W_ada_e, b_ada_e, W_edge_emb,
           b_edge_emb, W_le0, W_le1):
    BE = 2000
    grid = (E // BE,)
    return pl.pallas_call(
        _e1_body,
        grid=grid,
        in_specs=[
            pl.BlockSpec((BE, H), lambda i: (i, 0)),
            pl.BlockSpec((BE, NVF), lambda i: (i, 0)),
            pl.BlockSpec((BE, H), lambda i: (i, 0)),
            pl.BlockSpec((BE, H), lambda i: (i, 0)),
            pl.BlockSpec((H, 2 * H), lambda i: (0, 0)),
            pl.BlockSpec((1, 2 * H), lambda i: (0, 0)),
            pl.BlockSpec((H + NVF, H), lambda i: (0, 0)),
            pl.BlockSpec((1, H), lambda i: (0, 0)),
            pl.BlockSpec((H, H), lambda i: (0, 0)),
            pl.BlockSpec((H, H), lambda i: (0, 0)),
        ],
        out_specs=[
            pl.BlockSpec((BE, H), lambda i: (i, 0)),
            pl.BlockSpec((BE, DH), lambda i: (i, 0)),
        ],
        out_shape=[
            jax.ShapeDtypeStruct((E, H), jnp.float32),
            jax.ShapeDtypeStruct((E, DH), jnp.float32),
        ],
    )(edge_attr, dist, t_emb_e, T, W_ada_e[:, 0:2 * H],
      b_ada_e[0:2 * H].reshape(1, 2 * H), W_edge_emb,
      b_edge_emb.reshape(1, H), W_le0, W_le1)




ACC = N * NH + 2 * DH

def _scc_body(wf_hbm, tgt_hbm, S_out, acc, wv, tv):
    cid = lax.axis_index("c")
    sid = lax.axis_index("s")

    zeros16 = jnp.zeros((DH,), jnp.float32)

    def zstep(j, _):
        acc[pl.ds(j * DH, DH)] = zeros16
        return 0

    lax.fori_loop(0, ACC // DH, zstep, 0)
    lower8 = lax.iota(jnp.int32, DH) < NH

    def chunk(i, _):
        base = cid * (E // NC) + i * CF
        pltpu.sync_copy(tgt_hbm.at[pl.ds(base, CF)], tv.at[pl.ds(0, CF)])
        pltpu.sync_copy(wf_hbm.at[pl.ds(sid * (E * NH) + base * NH, CF * NH)],
                        wv.at[pl.ds(0, CF * NH)])

        def edge(j, _):
            tl = tv[pl.ds(j, DH)][0]
            pay = wv[pl.ds(j * NH, DH)]
            vsel = jnp.where(lower8, pay, 0.0)
            sl = pl.ds(DH + tl * NH, DH)
            acc[sl] = acc[sl] + vsel
            return 0

        lax.fori_loop(0, CF, edge, 0, unroll=2)
        return 0

    lax.fori_loop(0, E // NC // CF, chunk, 0)
    pltpu.sync_copy(acc.at[pl.ds(DH, N * NH)],
                    S_out.at[pl.ds((cid * NS + sid) * (N * NH), N * NH)])


def _sc_scatter_S(w_flat, tgt):
    return pl.kernel(
        _scc_body,
        out_type=jax.ShapeDtypeStruct((NC * NS * N * NH,), jnp.float32),
        mesh=_sc_mesh(),
        scratch_types=[
            pltpu.VMEM((ACC,), jnp.float32),
            pltpu.VMEM((CF * NH + DH,), jnp.float32),
            pltpu.VMEM((CF + DH,), jnp.int32),
        ],
    )(w_flat, tgt)


def _scs_body(ef_hbm, tgt_hbm, s_out, acc, ev, tv):
    wid = lax.axis_index("s") * NC + lax.axis_index("c")

    zeros16 = jnp.zeros((DH,), jnp.float32)

    def zstep(j, _):
        acc[pl.ds(j * DH, DH)] = zeros16
        return 0

    lax.fori_loop(0, ACC // DH, zstep, 0)
    lower8 = lax.iota(jnp.int32, DH) < NH

    def chunk(i, _):
        base = wid * EPT + i * CF
        pltpu.sync_copy(tgt_hbm.at[pl.ds(base, CF)], tv.at[pl.ds(0, CF)])
        pltpu.sync_copy(ef_hbm.at[pl.ds(base * DH, CF * DH)],
                        ev.at[pl.ds(0, CF * DH)])

        def edge(j, _):
            tl = tv[pl.ds(j, DH)][0]
            pay = ev[pl.ds(j * DH, DH)]
            vsel = jnp.where(lower8, pay, 0.0)
            sl = pl.ds(DH + tl * NH, DH)
            acc[sl] = acc[sl] + vsel
            return 0

        lax.fori_loop(0, CF, edge, 0, unroll=2)
        return 0

    lax.fori_loop(0, EPT // CF, chunk, 0)
    pltpu.sync_copy(acc.at[pl.ds(DH, N * NH)],
                    s_out.at[pl.ds(wid * (N * NH), N * NH)])


def _sc_scatter_s(e_flat, tgt):
    return pl.kernel(
        _scs_body,
        out_type=jax.ShapeDtypeStruct((NW * N * NH,), jnp.float32),
        mesh=_sc_mesh(),
        scratch_types=[
            pltpu.VMEM((ACC,), jnp.float32),
            pltpu.VMEM((CF * DH + DH,), jnp.float32),
            pltpu.VMEM((CF + DH,), jnp.int32),
        ],
    )(e_flat, tgt)



def _sred_body(sg_ref, out_ref):
    out_ref[...] = jnp.sum(sg_ref[...], axis=0, keepdims=True)


def _tc_sred(s_g):
    CHK = 16000
    grid = ((N * NH) // CHK,)
    return pl.pallas_call(
        _sred_body,
        grid=grid,
        in_specs=[pl.BlockSpec((NW, CHK), lambda i: (0, i))],
        out_specs=pl.BlockSpec((1, CHK), lambda i: (0, i)),
        out_shape=jax.ShapeDtypeStruct((1, N * NH), jnp.float32),
    )(s_g)



def _n2_body(x_ref, v_ref, S_ref, ss_ref, mod_ref, g2_ref, b2_ref,
             wn2e_ref, w1_ref, w3_ref, w2_ref, hout_ref, p_ref):
    S = S_ref[0] + S_ref[1]
    s8 = ss_ref[...]
    gi = lax.broadcasted_iota(jnp.int32, (NH, H), 1) // DH
    gh = lax.broadcasted_iota(jnp.int32, (NH, H), 0)
    GT = (gi == gh).astype(jnp.float32)
    denom = jnp.dot(s8, GT, preferred_element_type=jnp.float32) + 1e-16
    out = v_ref[...] * S / denom
    mod = mod_ref[...]
    gate_msa = mod[:, 2 * H:3 * H]
    shift_mlp = mod[:, 3 * H:4 * H]
    scale_mlp = mod[:, 4 * H:5 * H]
    gate_mlp = mod[:, 5 * H:6 * H]
    h_node = x_ref[...] + gate_msa * out
    h_node = (_ln(h_node) * g2_ref[...] + b2_ref[...]) * (1.0 + scale_mlp) + shift_mlp
    a = _silu(jnp.dot(h_node, w1_ref[...], preferred_element_type=jnp.float32))
    b = jnp.dot(h_node, w3_ref[...], preferred_element_type=jnp.float32)
    sw = jnp.dot(a * b, w2_ref[...], preferred_element_type=jnp.float32)
    hout_ref[...] = h_node + gate_mlp * sw
    p_ref[...] = jnp.dot(out, wn2e_ref[...], preferred_element_type=jnp.float32)


def _tc_n2(x, V, S2, ss2, mod, g2, b2, W_n2e, W1, W3, W2):
    BN = 2000
    grid = (N // BN,)
    return pl.pallas_call(
        _n2_body,
        grid=grid,
        in_specs=[
            pl.BlockSpec((BN, H), lambda i: (i, 0)),
            pl.BlockSpec((BN, H), lambda i: (i, 0)),
            pl.BlockSpec((NC, BN, H), lambda i: (0, i, 0)),
            pl.BlockSpec((BN, NH), lambda i: (i, 0)),
            pl.BlockSpec((BN, 6 * H), lambda i: (i, 0)),
            pl.BlockSpec((1, H), lambda i: (0, 0)),
            pl.BlockSpec((1, H), lambda i: (0, 0)),
            pl.BlockSpec((H, H), lambda i: (0, 0)),
            pl.BlockSpec((H, INNER), lambda i: (0, 0)),
            pl.BlockSpec((H, INNER), lambda i: (0, 0)),
            pl.BlockSpec((INNER, H), lambda i: (0, 0)),
        ],
        out_specs=[
            pl.BlockSpec((BN, H), lambda i: (i, 0)),
            pl.BlockSpec((BN, H), lambda i: (i, 0)),
        ],
        out_shape=[
            jax.ShapeDtypeStruct((N, H), jnp.float32),
            jax.ShapeDtypeStruct((N, H), jnp.float32),
        ],
    )(x, V, S2, ss2, mod, g2.reshape(1, H), b2.reshape(1, H), W_n2e, W1, W3, W2)



def _e2_body(eattr_ref, dist_ref, te_ref, hep_ref, wadae_ref, badae_ref,
             wemb_ref, bemb_ref, bn2e_ref, we1_ref, we3_ref, we2_ref,
             heo_ref):
    mod4 = jnp.dot(_silu(te_ref[...]), wadae_ref[...],
                   preferred_element_type=jnp.float32) + badae_ref[...]
    e_gate_msa = mod4[:, 0:H]
    e_shift_mlp = mod4[:, H:2 * H]
    e_scale_mlp = mod4[:, 2 * H:3 * H]
    e_gate_mlp = mod4[:, 3 * H:4 * H]
    ea = (jnp.dot(eattr_ref[...], wemb_ref[0:H, :],
                  preferred_element_type=jnp.float32)
          + jnp.dot(dist_ref[...], wemb_ref[H:H + NVF, :],
                    preferred_element_type=jnp.float32)
          + bemb_ref[...])
    h_edge = hep_ref[...] + bn2e_ref[...]
    h_edge = eattr_ref[...] + e_gate_msa * h_edge
    h_edge = _ln(h_edge) * (1.0 + e_scale_mlp) + e_shift_mlp
    a = _silu(jnp.dot(h_edge, we1_ref[...], preferred_element_type=jnp.float32))
    b = jnp.dot(h_edge, we3_ref[...], preferred_element_type=jnp.float32)
    sw = jnp.dot(a * b, we2_ref[...], preferred_element_type=jnp.float32)
    heo_ref[...] = ea + h_edge + e_gate_mlp * sw


def _tc_e2(edge_attr, dist, t_emb_e, hep, W_ada_e, b_ada_e, W_edge_emb,
           b_edge_emb, b_n2e, We1, We3, We2):
    BE = 2000
    grid = (E // BE,)
    return pl.pallas_call(
        _e2_body,
        grid=grid,
        in_specs=[
            pl.BlockSpec((BE, H), lambda i: (i, 0)),
            pl.BlockSpec((BE, NVF), lambda i: (i, 0)),
            pl.BlockSpec((BE, H), lambda i: (i, 0)),
            pl.BlockSpec((BE, H), lambda i: (i, 0)),
            pl.BlockSpec((H, 4 * H), lambda i: (0, 0)),
            pl.BlockSpec((1, 4 * H), lambda i: (0, 0)),
            pl.BlockSpec((H + NVF, H), lambda i: (0, 0)),
            pl.BlockSpec((1, H), lambda i: (0, 0)),
            pl.BlockSpec((1, H), lambda i: (0, 0)),
            pl.BlockSpec((H, INNER), lambda i: (0, 0)),
            pl.BlockSpec((H, INNER), lambda i: (0, 0)),
            pl.BlockSpec((INNER, H), lambda i: (0, 0)),
        ],
        out_specs=[pl.BlockSpec((BE, H), lambda i: (i, 0))],
        out_shape=[jax.ShapeDtypeStruct((E, H), jnp.float32)],
    )(edge_attr, dist, t_emb_e, hep, W_ada_e[:, 2 * H:6 * H],
      b_ada_e[2 * H:6 * H].reshape(1, 4 * H), W_edge_emb,
      b_edge_emb.reshape(1, H), b_n2e.reshape(1, H), We1, We3, We2)[0]



def kernel(batch, x, t_emb_h, edge_attr, edge_index, t_emb_e, dist,
           W_edge_emb, b_edge_emb, W_ada, b_ada, W_ada_e, b_ada_e,
           W_qkv, W_le0, W_le1, W_n2e, b_n2e, g2, b2,
           W1, W3, W2, We1, We3, We2):
    del batch
    src = edge_index[0]
    tgt = edge_index[1]

    mod, Q, K, V = _tc_n1(x, t_emb_h, W_ada, b_ada, W_qkv)
    T = _sc_gather_combine("mul", Q, K, src, tgt)
    w, e16 = _tc_e1(edge_attr, dist, t_emb_e, T, W_ada_e, b_ada_e,
                    W_edge_emb, b_edge_emb, W_le0, W_le1)
    w_flat = jnp.transpose(w.reshape(E, NS, NH), (1, 0, 2)).reshape(NS * E * NH)
    e_flat = e16.reshape(E * DH)
    S_g = _sc_scatter_S(w_flat, tgt)
    s_g = _sc_scatter_s(e_flat, tgt)
    S2 = jnp.transpose(S_g.reshape(NC, NS, N, NH), (0, 2, 1, 3)).reshape(NC, N, H)
    ss2 = _tc_sred(s_g.reshape(NW, N * NH)).reshape(N, NH)
    h_out, P = _tc_n2(x, V, S2, ss2, mod, g2, b2, W_n2e, W1, W3, W2)
    hep = _sc_gather_combine("add", P, P, src, tgt)
    h_edge_out = _tc_e2(edge_attr, dist, t_emb_e, hep, W_ada_e, b_ada_e,
                        W_edge_emb, b_edge_emb, b_n2e, We1, We3, We2)
    return (h_out, h_edge_out)

# --- scband reference (transcript-rebuilt; emitter-appended) ---
"""Pipeline reference for scband-di-te-mpnn-16441134809189 (READ-ONLY COPY).

The authoritative reference and input builder live on the scoring server;
editing this copy changes nothing except your own understanding.
"""

import math
import jax, jax.numpy as jnp
import numpy as np

N = 10000
E = 320000
H = 128
NH = 8
DH = 16
NVF = 128
INNER = 512


def _ln(x, eps=1e-6):
    mu = jnp.mean(x, axis=-1, keepdims=True)
    var = jnp.mean((x - mu) ** 2, axis=-1, keepdims=True)
    return (x - mu) * jax.lax.rsqrt(var + eps)


def _modulate(x, shift, scale):
    return x * (1.0 + scale) + shift


def _swiglu(x, w1, w3, w2):
    return jnp.dot(jax.nn.silu(jnp.dot(x, w1)) * jnp.dot(x, w3), w2)


def _seg_softmax(a, seg, n):
    m = jax.ops.segment_max(a, seg, num_segments=n)
    e = jnp.exp(a - m[seg])
    s = jax.ops.segment_sum(e, seg, num_segments=n)
    return e / (s[seg] + 1e-16)


def _forward(x, t_emb_h, edge_attr, t_emb_e, dist, src, tgt,
             W_edge_emb, b_edge_emb, W_ada, b_ada, W_ada_e, b_ada_e,
             W_qkv, W_le0, W_le1, W_n2e, b_n2e, g2, b2,
             W1, W3, W2, We1, We3, We2):
    h_in_node = x
    h_in_edge = edge_attr
    mod = jnp.dot(jax.nn.silu(t_emb_h), W_ada) + b_ada
    shift_msa, scale_msa, gate_msa, shift_mlp, scale_mlp, gate_mlp = jnp.split(mod, 6, axis=1)
    mod_e = jnp.dot(jax.nn.silu(t_emb_e), W_ada_e) + b_ada_e
    e_shift_msa, e_scale_msa, e_gate_msa, e_shift_mlp, e_scale_mlp, e_gate_mlp = jnp.split(mod_e, 6, axis=1)
    ea = jnp.dot(jnp.concatenate([edge_attr, dist], axis=-1), W_edge_emb) + b_edge_emb
    xm = _modulate(_ln(x), shift_msa, scale_msa)
    prev_ea = ea
    eam = _modulate(_ln(ea), e_shift_msa, e_scale_msa)
    qkv = jnp.dot(xm, W_qkv)
    Q, K, V = jnp.split(qkv, 3, axis=-1)
    Q = Q.reshape(-1, NH, DH)
    K = K.reshape(-1, NH, DH)
    V = V.reshape(-1, NH, DH)
    q_i = Q[src]
    k_j = K[tgt]
    v_j = V[tgt]
    e_attn = jax.nn.gelu(jnp.dot(eam, W_le0), approximate=True).reshape(-1, NH, DH)
    alpha = jnp.sum(q_i * k_j * e_attn, axis=-1) / math.sqrt(DH)
    alpha = _seg_softmax(alpha, tgt, N)
    msg = v_j * jnp.dot(eam, W_le1).reshape(-1, NH, DH) * alpha[:, :, None]
    out = jax.ops.segment_sum(msg, tgt, num_segments=N).reshape(N, H)
    h_edge = jnp.dot(out[src] + out[tgt], W_n2e) + b_n2e
    h_node = h_in_node + gate_msa * out
    h_node = _modulate(_ln(h_node) * g2 + b2, shift_mlp, scale_mlp)
    h_out = h_node + gate_mlp * _swiglu(h_node, W1, W3, W2)
    h_edge = h_in_edge + e_gate_msa * h_edge
    h_edge = _modulate(_ln(h_edge), e_shift_mlp, e_scale_mlp)
    h_edge_out = prev_ea + h_edge + e_gate_mlp * _swiglu(h_edge, We1, We3, We2)
    return (h_out, h_edge_out)


def setup_inputs(seed: int = 0) -> dict:
    key = jax.random.key(seed)
    ks = jax.random.split(key, 32)
    def p(i, shape, s=0.02):
        return jax.random.normal(ks[i], shape, dtype=jnp.float32) * s
    inp = {}
    inp['batch'] = jnp.sort(jax.random.randint(ks[0], (N,), 0, 64, dtype=jnp.int32))
    inp['x'] = jax.random.normal(ks[1], (N, H), dtype=jnp.float32)
    inp['t_emb_h'] = jax.random.normal(ks[2], (N, H), dtype=jnp.float32)
    inp['edge_attr'] = jax.random.normal(ks[3], (E, H), dtype=jnp.float32)
    inp['edge_index'] = jax.random.randint(ks[4], (2, E), 0, N, dtype=jnp.int32)
    inp['t_emb_e'] = jax.random.normal(ks[5], (E, H), dtype=jnp.float32)
    inp['dist'] = jax.random.normal(ks[6], (E, NVF), dtype=jnp.float32)
    inp['W_edge_emb'] = p(7, (H + NVF, H))
    inp['b_edge_emb'] = jnp.zeros((H,), jnp.float32)
    inp['W_ada'] = p(8, (H, 6 * H))
    inp['b_ada'] = jnp.zeros((6 * H,), jnp.float32)
    inp['W_ada_e'] = p(9, (H, 6 * H))
    inp['b_ada_e'] = jnp.zeros((6 * H,), jnp.float32)
    inp['W_qkv'] = p(10, (H, 3 * H))
    inp['W_le0'] = p(11, (H, H))
    inp['W_le1'] = p(12, (H, H))
    inp['W_n2e'] = p(13, (H, H))
    inp['b_n2e'] = jnp.zeros((H,), jnp.float32)
    inp['g2'] = jnp.ones((H,), jnp.float32)
    inp['b2'] = jnp.zeros((H,), jnp.float32)
    inp['W1'] = p(14, (H, INNER))
    inp['W3'] = p(15, (H, INNER))
    inp['W2'] = p(16, (INNER, H))
    inp['We1'] = p(17, (H, INNER))
    inp['We3'] = p(18, (H, INNER))
    inp['We2'] = p(19, (INNER, H))
    return inp


def reference(batch, x, t_emb_h, edge_attr, edge_index, t_emb_e, dist,
              W_edge_emb, b_edge_emb, W_ada, b_ada, W_ada_e, b_ada_e,
              W_qkv, W_le0, W_le1, W_n2e, b_n2e, g2, b2,
              W1, W3, W2, We1, We3, We2):
    src = edge_index[0]
    tgt = edge_index[1]
    return _forward(x, t_emb_h, edge_attr, t_emb_e, dist, src, tgt,
                    W_edge_emb, b_edge_emb, W_ada, b_ada, W_ada_e, b_ada_e,
                    W_qkv, W_le0, W_le1, W_n2e, b_n2e, g2, b2,
                    W1, W3, W2, We1, We3, We2)

if __name__ == "__main__":
    import jax
    _d = setup_inputs()
    print(jax.jit(kernel)(*tuple(_d.values())))

</pallas_src>

<mosaic_0001>
#map = affine_map<(d0, d1) -> (0)>
module attributes {stable_mosaic.version = 14 : i64} {
  func.func @_scs_body(%arg0: i32, %arg1: i32, %arg2: memref<5120000xf32, #tpu.memory_space<hbm>>, %arg3: memref<320000xi32, #tpu.memory_space<hbm>>, %arg4: memref<2560000xf32, #tpu.memory_space<hbm>>, %arg5: memref<80032xf32, #tpu.memory_space<vmem>>, %arg6: memref<16016xf32, #tpu.memory_space<vmem>>, %arg7: memref<1016xi32, #tpu.memory_space<vmem>>) attributes {dimension_semantics = [#tpu.dimension_semantics<core_parallel>, #tpu.dimension_semantics<subcore_parallel>], iteration_bounds = array<i64: 2, 16>, scalar_prefetch = 0 : i64, scratch_operands = 3 : i64, tpu.core_type = #tpu.core_type<sc_vector_subcore>, window_params = [{transform_indices = #map}, {transform_indices = #map}, {transform_indices = #map}]} {
    %mul3A = arith.constant 2 : i32
    %mul3A_0 = arith.muli %arg1, %mul3A : i32
    %add3A = arith.addi %mul3A_0, %arg0 : i32
    %broadcast_in_dim3A = arith.constant 0.000000e+00 : f32
    %broadcast_in_dim3A_1 = vector.broadcast %broadcast_in_dim3A : f32 to vector<16xf32>
    %scan3A = arith.constant 0 : i32
    %scan3A_2 = arith.constant 0 : i32
    %scan3A_3 = arith.constant 5002 : i32
    %scan3A_4 = arith.addi %scan3A_2, %scan3A_3 : i32
    %scan3A_5 = arith.constant 1 : i32
    %scan3A_6 = scf.for %scan3A_19 = %scan3A_2 to %scan3A_4 step %scan3A_5 iter_args(%scan3A_20 = %scan3A) -> (i32)  : i32 {
      %mul3A_21 = arith.constant 16 : i32
      %mul3A_22 = arith.muli %scan3A_19, %mul3A_21 : i32
      %swap3A = arith.index_cast %mul3A_22 : i32 to index
      %swap3A_23 = tpu.vector_load %arg5[%swap3A] {strides = array<i32>} : memref<80032xf32, #tpu.memory_space<vmem>>, vector<16xf32>,
      %swap3A_24 = vector.shape_cast %swap3A_23 : vector<16xf32> to vector<16xf32>
      %swap3A_25 = vector.shape_cast %broadcast_in_dim3A_1 : vector<16xf32> to vector<16xf32>
      tpu.vector_store %arg5[%swap3A], %swap3A_25 {strides = array<i32>} : memref<80032xf32, #tpu.memory_space<vmem>>, vector<16xf32>,
      %scan3A_26 = arith.constant 0 : i32
      scf.yield %scan3A_26 : i32
    }
    %scan3A_7 = arith.constant 5002 : i32
    %iota3A = tpu.iota {dimensions = array<i32: 0>} : vector<16xi32>
    %lt3A = arith.constant 8 : i32
    %lt3A_8 = vector.broadcast %lt3A : i32 to vector<16xi32>
    %lt3A_9 = arith.cmpi slt, %iota3A, %lt3A_8 : vector<16xi32>
    %scan3A_10 = arith.constant 0 : i32
    %scan3A_11 = arith.constant 0 : i32
    %scan3A_12 = arith.constant 10 : i32
    %scan3A_13 = arith.addi %scan3A_11, %scan3A_12 : i32
    %scan3A_14 = arith.constant 1 : i32
    %scan3A_15 = scf.for %scan3A_19 = %scan3A_11 to %scan3A_13 step %scan3A_14 iter_args(%scan3A_20 = %scan3A_10) -> (i32)  : i32 {
      %mul3A_21 = arith.constant 10000 : i32
      %mul3A_22 = arith.muli %add3A, %mul3A_21 : i32
      %mul3A_23 = arith.constant 1000 : i32
      %mul3A_24 = arith.muli %scan3A_19, %mul3A_23 : i32
      %add3A_25 = arith.addi %mul3A_22, %mul3A_24 : i32
      "tpu.region"() ({
        %run_scoped3A = tpu.sem_alloc : memref<!tpu.dma_semaphore, #tpu.memory_space<semaphore_mem>>
        %dma_start3A = arith.constant 0 : i32
        %dma_start3A_36 = tpu.memref_slice %arg7[%dma_start3A] : memref<1016xi32, #tpu.memory_space<vmem>> -> memref<1000xi32, #tpu.memory_space<vmem>>
        %dma_start3A_37 = tpu.memref_slice %arg3[%add3A_25] : memref<320000xi32, #tpu.memory_space<hbm>> -> memref<1000xi32, #tpu.memory_space<hbm>>
        %dma_start3A_38 = arith.constant 0 : i32
        %dma_start3A_39 = tpu.memref_slice %arg7[%dma_start3A_38] : memref<1016xi32, #tpu.memory_space<vmem>> -> memref<1000xi32, #tpu.memory_space<vmem>>
        %dma_start3A_40 = tpu.memref_slice %arg3[%add3A_25] : memref<320000xi32, #tpu.memory_space<hbm>> -> memref<1000xi32, #tpu.memory_space<hbm>>
        tpu.enqueue_dma source(%dma_start3A_40 : memref<1000xi32, #tpu.memory_space<hbm>>) target(%dma_start3A_39 : memref<1000xi32, #tpu.memory_space<vmem>>) target_semaphore(%run_scoped3A : memref<!tpu.dma_semaphore, #tpu.memory_space<semaphore_mem>>)
        %dma_wait3A = arith.constant 0 : i32
        %dma_wait3A_41 = tpu.memref_slice %arg7[%dma_wait3A] : memref<1016xi32, #tpu.memory_space<vmem>> -> memref<1000xi32, #tpu.memory_space<vmem>>
        %dma_wait3A_42 = tpu.memref_slice %arg3[%add3A_25] : memref<320000xi32, #tpu.memory_space<hbm>> -> memref<1000xi32, #tpu.memory_space<hbm>>
        %dma_wait3A_43 = arith.constant 0 : i32
        %dma_wait3A_44 = tpu.memref_slice %arg7[%dma_wait3A_43] : memref<1016xi32, #tpu.memory_space<vmem>> -> memref<1000xi32, #tpu.memory_space<vmem>>
        %dma_wait3A_45 = tpu.memref_slice %arg3[%add3A_25] : memref<320000xi32, #tpu.memory_space<hbm>> -> memref<1000xi32, #tpu.memory_space<hbm>>
        tpu.wait_dma2 semaphore(%run_scoped3A : memref<!tpu.dma_semaphore, #tpu.memory_space<semaphore_mem>>) src(%dma_wait3A_45 : memref<1000xi32, #tpu.memory_space<hbm>>) dst(%dma_wait3A_44 : memref<1000xi32, #tpu.memory_space<vmem>>)
        tpu.yield
      }) : () -> ()
      %mul3A_26 = arith.constant 16 : i32
      %mul3A_27 = arith.muli %add3A_25, %mul3A_26 : i32
      "tpu.region"() ({
        %run_scoped3A = tpu.sem_alloc : memref<!tpu.dma_semaphore, #tpu.memory_space<semaphore_mem>>
        %dma_start3A = arith.constant 0 : i32
        %dma_start3A_36 = tpu.memref_slice %arg6[%dma_start3A] : memref<16016xf32, #tpu.memory_space<vmem>> -> memref<16000xf32, #tpu.memory_space<vmem>>
        %dma_start3A_37 = tpu.memref_slice %arg2[%mul3A_27] : memref<5120000xf32, #tpu.memory_space<hbm>> -> memref<16000xf32, #tpu.memory_space<hbm>>
        %dma_start3A_38 = arith.constant 0 : i32
        %dma_start3A_39 = tpu.memref_slice %arg6[%dma_start3A_38] : memref<16016xf32, #tpu.memory_space<vmem>> -> memref<16000xf32, #tpu.memory_space<vmem>>
        %dma_start3A_40 = tpu.memref_slice %arg2[%mul3A_27] : memref<5120000xf32, #tpu.memory_space<hbm>> -> memref<16000xf32, #tpu.memory_space<hbm>>
        tpu.enqueue_dma source(%dma_start3A_40 : memref<16000xf32, #tpu.memory_space<hbm>>) target(%dma_start3A_39 : memref<16000xf32, #tpu.memory_space<vmem>>) target_semaphore(%run_scoped3A : memref<!tpu.dma_semaphore, #tpu.memory_space<semaphore_mem>>)
        %dma_wait3A = arith.constant 0 : i32
        %dma_wait3A_41 = tpu.memref_slice %arg6[%dma_wait3A] : memref<16016xf32, #tpu.memory_space<vmem>> -> memref<16000xf32, #tpu.memory_space<vmem>>
        %dma_wait3A_42 = tpu.memref_slice %arg2[%mul3A_27] : memref<5120000xf32, #tpu.memory_space<hbm>> -> memref<16000xf32, #tpu.memory_space<hbm>>
        %dma_wait3A_43 = arith.constant 0 : i32
        %dma_wait3A_44 = tpu.memref_slice %arg6[%dma_wait3A_43] : memref<16016xf32, #tpu.memory_space<vmem>> -> memref<16000xf32, #tpu.memory_space<vmem>>
        %dma_wait3A_45 = tpu.memref_slice %arg2[%mul3A_27] : memref<5120000xf32, #tpu.memory_space<hbm>> -> memref<16000xf32, #tpu.memory_space<hbm>>
        tpu.wait_dma2 semaphore(%run_scoped3A : memref<!tpu.dma_semaphore, #tpu.memory_space<semaphore_mem>>) src(%dma_wait3A_45 : memref<16000xf32, #tpu.memory_space<hbm>>) dst(%dma_wait3A_44 : memref<16000xf32, #tpu.memory_space<vmem>>)
        tpu.yield
      }) : () -> ()
      %scan3A_28 = arith.constant 0 : i32
      %scan3A_29 = arith.constant 0 : i32
      %scan3A_30 = arith.constant 1000 : i32
      %scan3A_31 = arith.addi %scan3A_29, %scan3A_30 : i32
      %scan3A_32 = arith.constant 2 : i32
      %scan3A_33 = scf.for %scan3A_36 = %scan3A_29 to %scan3A_31 step %scan3A_32 iter_args(%scan3A_37 = %scan3A_28) -> (i32)  : i32 {
        %get3A = arith.index_cast %scan3A_36 : i32 to index
        %get3A_38 = tpu.vector_load %arg7[%get3A] {strides = array<i32>} : memref<1016xi32, #tpu.memory_space<vmem>>, vector<16xi32>,
        %get3A_39 = vector.shape_cast %get3A_38 : vector<16xi32> to vector<16xi32>
        %slice3A = vector.extract_strided_slice %get3A_39 {offsets = [0], sizes = [1], strides = [1]} : vector<16xi32> to vector<1xi32>
        %squeeze3A = vector.extract %slice3A[0] : i32 from vector<1xi32>
        %mul3A_40 = arith.constant 16 : i32
        %mul3A_41 = arith.muli %scan3A_36, %mul3A_40 : i32
        %get3A_42 = arith.index_cast %mul3A_41 : i32 to index
        %get3A_43 = tpu.vector_load %arg6[%get3A_42] {strides = array<i32>} : memref<16016xf32, #tpu.memory_space<vmem>>, vector<16xf32>,
        %get3A_44 = vector.shape_cast %get3A_43 : vector<16xf32> to vector<16xf32>
        %jit3A = arith.constant 0.000000e+00 : f32
        %broadcast_in_dim3A_45 = vector.broadcast %jit3A : f32 to vector<16xf32>
        %select_n3A = arith.select %lt3A_9, %get3A_44, %broadcast_in_dim3A_45 : vector<16xi1>, vector<16xf32>
        %mul3A_46 = arith.constant 8 : i32
        %mul3A_47 = arith.muli %squeeze3A, %mul3A_46 : i32
        %add3A_48 = arith.constant 16 : i32
        %add3A_49 = arith.addi %add3A_48, %mul3A_47 : i32
        %get3A_50 = arith.index_cast %add3A_49 : i32 to index
        %get3A_51 = tpu.vector_load %arg5[%get3A_50] {strides = array<i32>} : memref<80032xf32, #tpu.memory_space<vmem>>, vector<16xf32>,
        %get3A_52 = vector.shape_cast %get3A_51 : vector<16xf32> to vector<16xf32>
        %add3A_53 = arith.addf %get3A_52, %select_n3A : vector<16xf32>
        %swap3A = arith.index_cast %add3A_49 : i32 to index
        %swap3A_54 = tpu.vector_load %arg5[%swap3A] {strides = array<i32>} : memref<80032xf32, #tpu.memory_space<vmem>>, vector<16xf32>,
        %swap3A_55 = vector.shape_cast %swap3A_54 : vector<16xf32> to vector<16xf32>
        %swap3A_56 = vector.shape_cast %add3A_53 : vector<16xf32> to vector<16xf32>
        tpu.vector_store %arg5[%swap3A], %swap3A_56 {strides = array<i32>} : memref<80032xf32, #tpu.memory_space<vmem>>, vector<16xf32>,
        %scan3A_57 = arith.constant 0 : i32
        %scan3A_58 = arith.constant 1 : i32
        %scan3A_59 = arith.addi %scan3A_36, %scan3A_58 : i32
        %get3A_60 = arith.index_cast %scan3A_59 : i32 to index
        %get3A_61 = tpu.vector_load %arg7[%get3A_60] {strides = array<i32>} : memref<1016xi32, #tpu.memory_space<vmem>>, vector<16xi32>,
        %get3A_62 = vector.shape_cast %get3A_61 : vector<16xi32> to vector<16xi32>
        %slice3A_63 = vector.extract_strided_slice %get3A_62 {offsets = [0], sizes = [1], strides = [1]} : vector<16xi32> to vector<1xi32>
        %squeeze3A_64 = vector.extract %slice3A_63[0] : i32 from vector<1xi32>
        %mul3A_65 = arith.constant 16 : i32
        %mul3A_66 = arith.muli %scan3A_59, %mul3A_65 : i32
        %get3A_67 = arith.index_cast %mul3A_66 : i32 to index
        %get3A_68 = tpu.vector_load %arg6[%get3A_67] {strides = array<i32>} : memref<16016xf32, #tpu.memory_space<vmem>>, vector<16xf32>,
        %get3A_69 = vector.shape_cast %get3A_68 : vector<16xf32> to vector<16xf32>
        %jit3A_70 = arith.constant 0.000000e+00 : f32
        %broadcast_in_dim3A_71 = vector.broadcast %jit3A_70 : f32 to vector<16xf32>
        %select_n3A_72 = arith.select %lt3A_9, %get3A_69, %broadcast_in_dim3A_71 : vector<16xi1>, vector<16xf32>
        %mul3A_73 = arith.constant 8 : i32
        %mul3A_74 = arith.muli %squeeze3A_64, %mul3A_73 : i32
        %add3A_75 = arith.constant 16 : i32
        %add3A_76 = arith.addi %add3A_75, %mul3A_74 : i32
        %get3A_77 = arith.index_cast %add3A_76 : i32 to index
        %get3A_78 = tpu.vector_load %arg5[%get3A_77] {strides = array<i32>} : memref<80032xf32, #tpu.memory_space<vmem>>, vector<16xf32>,
        %get3A_79 = vector.shape_cast %get3A_78 : vector<16xf32> to vector<16xf32>
        %add3A_80 = arith.addf %get3A_79, %select_n3A_72 : vector<16xf32>
        %swap3A_81 = arith.index_cast %add3A_76 : i32 to index
        %swap3A_82 = tpu.vector_load %arg5[%swap3A_81] {strides = array<i32>} : memref<80032xf32, #tpu.memory_space<vmem>>, vector<16xf32>,
        %swap3A_83 = vector.shape_cast %swap3A_82 : vector<16xf32> to vector<16xf32>
        %swap3A_84 = vector.shape_cast %add3A_80 : vector<16xf32> to vector<16xf32>
        tpu.vector_store %arg5[%swap3A_81], %swap3A_84 {strides = array<i32>} : memref<80032xf32, #tpu.memory_space<vmem>>, vector<16xf32>,
        %scan3A_85 = arith.constant 0 : i32
        scf.yield %scan3A_85 : i32
      }
      %scan3A_34 = arith.constant 1000 : i32
      %scan3A_35 = arith.constant 0 : i32
      scf.yield %scan3A_35 : i32
    }
    %scan3A_16 = arith.constant 10 : i32
    %mul3A_17 = arith.constant 80000 : i32
    %mul3A_18 = arith.muli %add3A, %mul3A_17 : i32
    "tpu.region"() ({
      %run_scoped3A = tpu.sem_alloc : memref<!tpu.dma_semaphore, #tpu.memory_space<semaphore_mem>>
      %dma_start3A = arith.constant 16 : i32
      %dma_start3A_19 = tpu.memref_slice %arg5[%dma_start3A] : memref<80032xf32, #tpu.memory_space<vmem>> -> memref<80000xf32, #tpu.memory_space<vmem>>
      %dma_start3A_20 = tpu.memref_slice %arg4[%mul3A_18] : memref<2560000xf32, #tpu.memory_space<hbm>> -> memref<80000xf32, #tpu.memory_space<hbm>>
      %dma_start3A_21 = tpu.memref_slice %arg4[%mul3A_18] : memref<2560000xf32, #tpu.memory_space<hbm>> -> memref<80000xf32, #tpu.memory_space<hbm>>
      %dma_start3A_22 = arith.constant 16 : i32
      %dma_start3A_23 = tpu.memref_slice %arg5[%dma_start3A_22] : memref<80032xf32, #tpu.memory_space<vmem>> -> memref<80000xf32, #tpu.memory_space<vmem>>
      tpu.enqueue_dma source(%dma_start3A_23 : memref<80000xf32, #tpu.memory_space<vmem>>) target(%dma_start3A_21 : memref<80000xf32, #tpu.memory_space<hbm>>) target_semaphore(%run_scoped3A : memref<!tpu.dma_semaphore, #tpu.memory_space<semaphore_mem>>)
      %dma_wait3A = arith.constant 16 : i32
      %dma_wait3A_24 = tpu.memref_slice %arg5[%dma_wait3A] : memref<80032xf32, #tpu.memory_space<vmem>> -> memref<80000xf32, #tpu.memory_space<vmem>>
      %dma_wait3A_25 = tpu.memref_slice %arg4[%mul3A_18] : memref<2560000xf32, #tpu.memory_space<hbm>> -> memref<80000xf32, #tpu.memory_space<hbm>>
      %dma_wait3A_26 = tpu.memref_slice %arg4[%mul3A_18] : memref<2560000xf32, #tpu.memory_space<hbm>> -> memref<80000xf32, #tpu.memory_space<hbm>>
      %dma_wait3A_27 = arith.constant 16 : i32
      %dma_wait3A_28 = tpu.memref_slice %arg5[%dma_wait3A_27] : memref<80032xf32, #tpu.memory_space<vmem>> -> memref<80000xf32, #tpu.memory_space<vmem>>
      tpu.wait_dma2 semaphore(%run_scoped3A : memref<!tpu.dma_semaphore, #tpu.memory_space<semaphore_mem>>) src(%dma_wait3A_28 : memref<80000xf32, #tpu.memory_space<vmem>>) dst(%dma_wait3A_26 : memref<80000xf32, #tpu.memory_space<hbm>>)
      tpu.yield
    }) : () -> ()
    return
  }
}

#map = affine_map<(d0, d1) -> (0, 0)>
#map1 = affine_map<(d0, d1) -> (0)>
module attributes {stable_mosaic.version = 14 : i64} {
  func.func @_gather_combine_body(%arg0: i32, %arg1: i32, %arg2: memref<10000x128xf32, #tpu.memory_space<hbm>>, %arg3: memref<10000x128xf32, #tpu.memory_space<hbm>>, %arg4: memref<320000xi32, #tpu.memory_space<hbm>>, %arg5: memref<320000xi32, #tpu.memory_space<hbm>>, %arg6: memref<320000x128xf32, #tpu.memory_space<hbm>>, %arg7: memref<80xi32, #tpu.memory_space<vmem>>, %arg8: memref<80xi32, #tpu.memory_space<vmem>>, %arg9: memref<80x128xf32, #tpu.memory_space<vmem>>, %arg10: memref<80x128xf32, #tpu.memory_space<vmem>>) attributes {dimension_semantics = [#tpu.dimension_semantics<core_parallel>, #tpu.dimension_semantics<subcore_parallel>], iteration_bounds = array<i64: 2, 16>, scalar_prefetch = 0 : i64, scratch_operands = 4 : i64, tpu.core_type = #tpu.core_type<sc_vector_subcore>, window_params = [{transform_indices = #map}, {transform_indices = #map}, {transform_indices = #map1}, {transform_indices = #map1}, {transform_indices = #map}]} {
    %mul3A = arith.constant 2 : i32
    %mul3A_0 = arith.muli %arg1, %mul3A : i32
    %add3A = arith.addi %mul3A_0, %arg0 : i32
    %scan3A = arith.constant 0 : i32
    %scan3A_1 = arith.constant 0 : i32
    %scan3A_2 = arith.constant 125 : i32
    %scan3A_3 = arith.addi %scan3A_1, %scan3A_2 : i32
    %scan3A_4 = arith.constant 1 : i32
    %scan3A_5 = scf.for %scan3A_7 = %scan3A_1 to %scan3A_3 step %scan3A_4 iter_args(%scan3A_8 = %scan3A) -> (i32)  : i32 {
      %mul3A_9 = arith.constant 10000 : i32
      %mul3A_10 = arith.muli %add3A, %mul3A_9 : i32
      %mul3A_11 = arith.constant 80 : i32
      %mul3A_12 = arith.muli %scan3A_7, %mul3A_11 : i32
      %add3A_13 = arith.addi %mul3A_10, %mul3A_12 : i32
      "tpu.region"() ({
        %run_scoped3A = tpu.sem_alloc : memref<!tpu.dma_semaphore, #tpu.memory_space<semaphore_mem>>
        %dma_start3A = tpu.memref_slice %arg4[%add3A_13] : memref<320000xi32, #tpu.memory_space<hbm>> -> memref<80xi32, #tpu.memory_space<hbm>>
        %dma_start3A_22 = tpu.memref_slice %arg4[%add3A_13] : memref<320000xi32, #tpu.memory_space<hbm>> -> memref<80xi32, #tpu.memory_space<hbm>>
        tpu.enqueue_dma source(%dma_start3A_22 : memref<80xi32, #tpu.memory_space<hbm>>) target(%arg7 : memref<80xi32, #tpu.memory_space<vmem>>) target_semaphore(%run_scoped3A : memref<!tpu.dma_semaphore, #tpu.memory_space<semaphore_mem>>)
        %dma_wait3A = tpu.memref_slice %arg4[%add3A_13] : memref<320000xi32, #tpu.memory_space<hbm>> -> memref<80xi32, #tpu.memory_space<hbm>>
        %dma_wait3A_23 = tpu.memref_slice %arg4[%add3A_13] : memref<320000xi32, #tpu.memory_space<hbm>> -> memref<80xi32, #tpu.memory_space<hbm>>
        tpu.wait_dma2 semaphore(%run_scoped3A : memref<!tpu.dma_semaphore, #tpu.memory_space<semaphore_mem>>) src(%dma_wait3A_23 : memref<80xi32, #tpu.memory_space<hbm>>) dst(%arg7 : memref<80xi32, #tpu.memory_space<vmem>>)
        tpu.yield
      }) : () -> ()
      "tpu.region"() ({
        %run_scoped3A = tpu.sem_alloc : memref<!tpu.dma_semaphore, #tpu.memory_space<semaphore_mem>>
        %dma_start3A = tpu.memref_slice %arg5[%add3A_13] : memref<320000xi32, #tpu.memory_space<hbm>> -> memref<80xi32, #tpu.memory_space<hbm>>
        %dma_start3A_22 = tpu.memref_slice %arg5[%add3A_13] : memref<320000xi32, #tpu.memory_space<hbm>> -> memref<80xi32, #tpu.memory_space<hbm>>
        tpu.enqueue_dma source(%dma_start3A_22 : memref<80xi32, #tpu.memory_space<hbm>>) target(%arg8 : memref<80xi32, #tpu.memory_space<vmem>>) target_semaphore(%run_scoped3A : memref<!tpu.dma_semaphore, #tpu.memory_space<semaphore_mem>>)
        %dma_wait3A = tpu.memref_slice %arg5[%add3A_13] : memref<320000xi32, #tpu.memory_space<hbm>> -> memref<80xi32, #tpu.memory_space<hbm>>
        %dma_wait3A_23 = tpu.memref_slice %arg5[%add3A_13] : memref<320000xi32, #tpu.memory_space<hbm>> -> memref<80xi32, #tpu.memory_space<hbm>>
        tpu.wait_dma2 semaphore(%run_scoped3A : memref<!tpu.dma_semaphore, #tpu.memory_space<semaphore_mem>>) src(%dma_wait3A_23 : memref<80xi32, #tpu.memory_space<hbm>>) dst(%arg8 : memref<80xi32, #tpu.memory_space<vmem>>)
        tpu.yield
      }) : () -> ()
      "tpu.region"() ({
        %run_scoped3A = tpu.sem_alloc : memref<!tpu.dma_semaphore, #tpu.memory_space<semaphore_mem>>
        %dma_start3A = arith.constant 0 : i32
        %dma_start3A_22 = arith.constant 0 : i32
        %dma_start3A_23 = tpu.memref_slice %arg2[%dma_start3A, %dma_start3A_22] : memref<10000x128xf32, #tpu.memory_space<hbm>> -> memref<10000x128xf32, #tpu.memory_space<hbm>>
        tpu.enqueue_indirect_dma source(%dma_start3A_23 : memref<10000x128xf32, #tpu.memory_space<hbm>>) target(%arg9 : memref<80x128xf32, #tpu.memory_space<vmem>>) offsets(%arg7 : memref<80xi32, #tpu.memory_space<vmem>>) semaphore(%run_scoped3A : memref<!tpu.dma_semaphore, #tpu.memory_space<semaphore_mem>>)
        %dma_wait3A = arith.constant 0 : i32
        %dma_wait3A_24 = arith.constant 0 : i32
        %dma_wait3A_25 = tpu.memref_slice %arg2[%dma_wait3A, %dma_wait3A_24] : memref<10000x128xf32, #tpu.memory_space<hbm>> -> memref<10000x128xf32, #tpu.memory_space<hbm>>
        tpu.wait_indirect_dma semaphore(%run_scoped3A : memref<!tpu.dma_semaphore, #tpu.memory_space<semaphore_mem>>) src(%dma_wait3A_25 : memref<10000x128xf32, #tpu.memory_space<hbm>>) dst(%arg9 : memref<80x128xf32, #tpu.memory_space<vmem>>)
        tpu.yield
      }) : () -> ()
      "tpu.region"() ({
        %run_scoped3A = tpu.sem_alloc : memref<!tpu.dma_semaphore, #tpu.memory_space<semaphore_mem>>
        %dma_start3A = arith.constant 0 : i32
        %dma_start3A_22 = arith.constant 0 : i32
        %dma_start3A_23 = tpu.memref_slice %arg3[%dma_start3A, %dma_start3A_22] : memref<10000x128xf32, #tpu.memory_space<hbm>> -> memref<10000x128xf32, #tpu.memory_space<hbm>>
        tpu.enqueue_indirect_dma source(%dma_start3A_23 : memref<10000x128xf32, #tpu.memory_space<hbm>>) target(%arg10 : memref<80x128xf32, #tpu.memory_space<vmem>>) offsets(%arg8 : memref<80xi32, #tpu.memory_space<vmem>>) semaphore(%run_scoped3A : memref<!tpu.dma_semaphore, #tpu.memory_space<semaphore_mem>>)
        %dma_wait3A = arith.constant 0 : i32
        %dma_wait3A_24 = arith.constant 0 : i32
        %dma_wait3A_25 = tpu.memref_slice %arg3[%dma_wait3A, %dma_wait3A_24] : memref<10000x128xf32, #tpu.memory_space<hbm>> -> memref<10000x128xf32, #tpu.memory_space<hbm>>
        tpu.wait_indirect_dma semaphore(%run_scoped3A : memref<!tpu.dma_semaphore, #tpu.memory_space<semaphore_mem>>) src(%dma_wait3A_25 : memref<10000x128xf32, #tpu.memory_space<hbm>>) dst(%arg10 : memref<80x128xf32, #tpu.memory_space<vmem>>)
        tpu.yield
      }) : () -> ()
      %scan3A_14 = arith.constant 0 : i32
      %scan3A_15 = arith.constant 0 : i32
      %scan3A_16 = arith.constant 80 : i32
      %scan3A_17 = arith.addi %scan3A_15, %scan3A_16 : i32
      %scan3A_18 = arith.constant 2 : i32
      %scan3A_19 = scf.for %scan3A_22 = %scan3A_15 to %scan3A_17 step %scan3A_18 iter_args(%scan3A_23 = %scan3A_14) -> (i32)  : i32 {
        %get3A = arith.index_cast %scan3A_22 : i32 to index
        %get3A_24 = arith.constant 0 : index
        %get3A_25 = tpu.vector_load %arg9[%get3A, %get3A_24] {strides = array<i32>} : memref<80x128xf32, #tpu.memory_space<vmem>>, vector<1x16xf32>,
        %get3A_26 = vector.shape_cast %get3A_25 : vector<1x16xf32> to vector<16xf32>
        %get3A_27 = arith.index_cast %scan3A_22 : i32 to index
        %get3A_28 = arith.constant 0 : index
        %get3A_29 = tpu.vector_load %arg10[%get3A_27, %get3A_28] {strides = array<i32>} : memref<80x128xf32, #tpu.memory_space<vmem>>, vector<1x16xf32>,
        %get3A_30 = vector.shape_cast %get3A_29 : vector<1x16xf32> to vector<16xf32>
        %mul3A_31 = arith.mulf %get3A_26, %get3A_30 : vector<16xf32>
        %swap3A = arith.index_cast %scan3A_22 : i32 to index
        %swap3A_32 = arith.constant 0 : index
        %swap3A_33 = tpu.vector_load %arg9[%swap3A, %swap3A_32] {strides = array<i32>} : memref<80x128xf32, #tpu.memory_space<vmem>>, vector<1x16xf32>,
        %swap3A_34 = vector.shape_cast %swap3A_33 : vector<1x16xf32> to vector<16xf32>
        %swap3A_35 = vector.shape_cast %mul3A_31 : vector<16xf32> to vector<1x16xf32>
        tpu.vector_store %arg9[%swap3A, %swap3A_32], %swap3A_35 {strides = array<i32>} : memref<80x128xf32, #tpu.memory_space<vmem>>, vector<1x16xf32>,
        %get3A_36 = arith.index_cast %scan3A_22 : i32 to index
        %get3A_37 = arith.constant 16 : index
        %get3A_38 = tpu.vector_load %arg9[%get3A_36, %get3A_37] {strides = array<i32>} : memref<80x128xf32, #tpu.memory_space<vmem>>, vector<1x16xf32>,
        %get3A_39 = vector.shape_cast %get3A_38 : vector<1x16xf32> to vector<16xf32>
        %get3A_40 = arith.index_cast %scan3A_22 : i32 to index
        %get3A_41 = arith.constant 16 : index
        %get3A_42 = tpu.vector_load %arg10[%get3A_40, %get3A_41] {strides = array<i32>} : memref<80x128xf32, #tpu.memory_space<vmem>>, vector<1x16xf32>,
        %get3A_43 = vector.shape_cast %get3A_42 : vector<1x16xf32> to vector<16xf32>
        %mul3A_44 = arith.mulf %get3A_39, %get3A_43 : vector<16xf32>
        %swap3A_45 = arith.index_cast %scan3A_22 : i32 to index
        %swap3A_46 = arith.constant 16 : index
        %swap3A_47 = tpu.vector_load %arg9[%swap3A_45, %swap3A_46] {strides = array<i32>} : memref<80x128xf32, #tpu.memory_space<vmem>>, vector<1x16xf32>,
        %swap3A_48 = vector.shape_cast %swap3A_47 : vector<1x16xf32> to vector<16xf32>
        %swap3A_49 = vector.shape_cast %mul3A_44 : vector<16xf32> to vector<1x16xf32>
        tpu.vector_store %arg9[%swap3A_45, %swap3A_46], %swap3A_49 {strides = array<i32>} : memref<80x128xf32, #tpu.memory_space<vmem>>, vector<1x16xf32>,
        %get3A_50 = arith.index_cast %scan3A_22 : i32 to index
        %get3A_51 = arith.constant 32 : index
        %get3A_52 = tpu.vector_load %arg9[%get3A_50, %get3A_51] {strides = array<i32>} : memref<80x128xf32, #tpu.memory_space<vmem>>, vector<1x16xf32>,
        %get3A_53 = vector.shape_cast %get3A_52 : vector<1x16xf32> to vector<16xf32>
        %get3A_54 = arith.index_cast %scan3A_22 : i32 to index
        %get3A_55 = arith.constant 32 : index
        %get3A_56 = tpu.vector_load %arg10[%get3A_54, %get3A_55] {strides = array<i32>} : memref<80x128xf32, #tpu.memory_space<vmem>>, vector<1x16xf32>,
        %get3A_57 = vector.shape_cast %get3A_56 : vector<1x16xf32> to vector<16xf32>
        %mul3A_58 = arith.mulf %get3A_53, %get3A_57 : vector<16xf32>
        %swap3A_59 = arith.index_cast %scan3A_22 : i32 to index
        %swap3A_60 = arith.constant 32 : index
        %swap3A_61 = tpu.vector_load %arg9[%swap3A_59, %swap3A_60] {strides = array<i32>} : memref<80x128xf32, #tpu.memory_space<vmem>>, vector<1x16xf32>,
        %swap3A_62 = vector.shape_cast %swap3A_61 : vector<1x16xf32> to vector<16xf32>
        %swap3A_63 = vector.shape_cast %mul3A_58 : vector<16xf32> to vector<1x16xf32>
        tpu.vector_store %arg9[%swap3A_59, %swap3A_60], %swap3A_63 {strides = array<i32>} : memref<80x128xf32, #tpu.memory_space<vmem>>, vector<1x16xf32>,
        %get3A_64 = arith.index_cast %scan3A_22 : i32 to index
        %get3A_65 = arith.constant 48 : index
        %get3A_66 = tpu.vector_load %arg9[%get3A_64, %get3A_65] {strides = array<i32>} : memref<80x128xf32, #tpu.memory_space<vmem>>, vector<1x16xf32>,
        %get3A_67 = vector.shape_cast %get3A_66 : vector<1x16xf32> to vector<16xf32>
        %get3A_68 = arith.index_cast %scan3A_22 : i32 to index
        %get3A_69 = arith.constant 48 : index
        %get3A_70 = tpu.vector_load %arg10[%get3A_68, %get3A_69] {strides = array<i32>} : memref<80x128xf32, #tpu.memory_space<vmem>>, vector<1x16xf32>,
        %get3A_71 = vector.shape_cast %get3A_70 : vector<1x16xf32> to vector<16xf32>
        %mul3A_72 = arith.mulf %get3A_67, %get3A_71 : vector<16xf32>
        %swap3A_73 = arith.index_cast %scan3A_22 : i32 to index
        %swap3A_74 = arith.constant 48 : index
        %swap3A_75 = tpu.vector_load %arg9[%swap3A_73, %swap3A_74] {strides = array<i32>} : memref<80x128xf32, #tpu.memory_space<vmem>>, vector<1x16xf32>,
        %swap3A_76 = vector.shape_cast %swap3A_75 : vector<1x16xf32> to vector<16xf32>
        %swap3A_77 = vector.shape_cast %mul3A_72 : vector<16xf32> to vector<1x16xf32>
        tpu.vector_store %arg9[%swap3A_73, %swap3A_74], %swap3A_77 {strides = array<i32>} : memref<80x128xf32, #tpu.memory_space<vmem>>, vector<1x16xf32>,
        %get3A_78 = arith.index_cast %scan3A_22 : i32 to index
        %get3A_79 = arith.constant 64 : index
        %get3A_80 = tpu.vector_load %arg9[%get3A_78, %get3A_79] {strides = array<i32>} : memref<80x128xf32, #tpu.memory_space<vmem>>, vector<1x16xf32>,
        %get3A_81 = vector.shape_cast %get3A_80 : vector<1x16xf32> to vector<16xf32>
        %get3A_82 = arith.index_cast %scan3A_22 : i32 to index
        %get3A_83 = arith.constant 64 : index
        %get3A_84 = tpu.vector_load %arg10[%get3A_82, %get3A_83] {strides = array<i32>} : memref<80x128xf32, #tpu.memory_space<vmem>>, vector<1x16xf32>,
        %get3A_85 = vector.shape_cast %get3A_84 : vector<1x16xf32> to vector<16xf32>
        %mul3A_86 = arith.mulf %get3A_81, %get3A_85 : vector<16xf32>
        %swap3A_87 = arith.index_cast %scan3A_22 : i32 to index
        %swap3A_88 = arith.constant 64 : index
        %swap3A_89 = tpu.vector_load %arg9[%swap3A_87, %swap3A_88] {strides = array<i32>} : memref<80x128xf32, #tpu.memory_space<vmem>>, vector<1x16xf32>,
        %swap3A_90 = vector.shape_cast %swap3A_89 : vector<1x16xf32> to vector<16xf32>
        %swap3A_91 = vector.shape_cast %mul3A_86 : vector<16xf32> to vector<1x16xf32>
        tpu.vector_store %arg9[%swap3A_87, %swap3A_88], %swap3A_91 {strides = array<i32>} : memref<80x128xf32, #tpu.memory_space<vmem>>, vector<1x16xf32>,
        %get3A_92 = arith.index_cast %scan3A_22 : i32 to index
        %get3A_93 = arith.constant 80 : index
        %get3A_94 = tpu.vector_load %arg9[%get3A_92, %get3A_93] {strides = array<i32>} : memref<80x128xf32, #tpu.memory_space<vmem>>, vector<1x16xf32>,
        %get3A_95 = vector.shape_cast %get3A_94 : vector<1x16xf32> to vector<16xf32>
        %get3A_96 = arith.index_cast %scan3A_22 : i32 to index
        %get3A_97 = arith.constant 80 : index
        %get3A_98 = tpu.vector_load %arg10[%get3A_96, %get3A_97] {strides = array<i32>} : memref<80x128xf32, #tpu.memory_space<vmem>>, vector<1x16xf32>,
        %get3A_99 = vector.shape_cast %get3A_98 : vector<1x16xf32> to vector<16xf32>
        %mul3A_100 = arith.mulf %get3A_95, %get3A_99 : vector<16xf32>
        %swap3A_101 = arith.index_cast %scan3A_22 : i32 to index
        %swap3A_102 = arith.constant 80 : index
        %swap3A_103 = tpu.vector_load %arg9[%swap3A_101, %swap3A_102] {strides = array<i32>} : memref<80x128xf32, #tpu.memory_space<vmem>>, vector<1x16xf32>,
        %swap3A_104 = vector.shape_cast %swap3A_103 : vector<1x16xf32> to vector<16xf32>
        %swap3A_105 = vector.shape_cast %mul3A_100 : vector<16xf32> to vector<1x16xf32>
        tpu.vector_store %arg9[%swap3A_101, %swap3A_102], %swap3A_105 {strides = array<i32>} : memref<80x128xf32, #tpu.memory_space<vmem>>, vector<1x16xf32>,
        %get3A_106 = arith.index_cast %scan3A_22 : i32 to index
        %get3A_107 = arith.constant 96 : index
        %get3A_108 = tpu.vector_load %arg9[%get3A_106, %get3A_107] {strides = array<i32>} : memref<80x128xf32, #tpu.memory_space<vmem>>, vector<1x16xf32>,
        %get3A_109 = vector.shape_cast %get3A_108 : vector<1x16xf32> to vector<16xf32>
        %get3A_110 = arith.index_cast %scan3A_22 : i32 to index
        %get3A_111 = arith.constant 96 : index
        %get3A_112 = tpu.vector_load %arg10[%get3A_110, %get3A_111] {strides = array<i32>} : memref<80x128xf32, #tpu.memory_space<vmem>>, vector<1x16xf32>,
        %get3A_113 = vector.shape_cast %get3A_112 : vector<1x16xf32> to vector<16xf32>
        %mul3A_114 = arith.mulf %get3A_109, %get3A_113 : vector<16xf32>
        %swap3A_115 = arith.index_cast %scan3A_22 : i32 to index
        %swap3A_116 = arith.constant 96 : index
        %swap3A_117 = tpu.vector_load %arg9[%swap3A_115, %swap3A_116] {strides = array<i32>} : memref<80x128xf32, #tpu.memory_space<vmem>>, vector<1x16xf32>,
        %swap3A_118 = vector.shape_cast %swap3A_117 : vector<1x16xf32> to vector<16xf32>
        %swap3A_119 = vector.shape_cast %mul3A_114 : vector<16xf32> to vector<1x16xf32>
        tpu.vector_store %arg9[%swap3A_115, %swap3A_116], %swap3A_119 {strides = array<i32>} : memref<80x128xf32, #tpu.memory_space<vmem>>, vector<1x16xf32>,
        %get3A_120 = arith.index_cast %scan3A_22 : i32 to index
        %get3A_121 = arith.constant 112 : index
        %get3A_122 = tpu.vector_load %arg9[%get3A_120, %get3A_121] {strides = array<i32>} : memref<80x128xf32, #tpu.memory_space<vmem>>, vector<1x16xf32>,
        %get3A_123 = vector.shape_cast %get3A_122 : vector<1x16xf32> to vector<16xf32>
        %get3A_124 = arith.index_cast %scan3A_22 : i32 to index
        %get3A_125 = arith.constant 112 : index
        %get3A_126 = tpu.vector_load %arg10[%get3A_124, %get3A_125] {strides = array<i32>} : memref<80x128xf32, #tpu.memory_space<vmem>>, vector<1x16xf32>,
        %get3A_127 = vector.shape_cast %get3A_126 : vector<1x16xf32> to vector<16xf32>
        %mul3A_128 = arith.mulf %get3A_123, %get3A_127 : vector<16xf32>
        %swap3A_129 = arith.index_cast %scan3A_22 : i32 to index
        %swap3A_130 = arith.constant 112 : index
        %swap3A_131 = tpu.vector_load %arg9[%swap3A_129, %swap3A_130] {strides = array<i32>} : memref<80x128xf32, #tpu.memory_space<vmem>>, vector<1x16xf32>,
        %swap3A_132 = vector.shape_cast %swap3A_131 : vector<1x16xf32> to vector<16xf32>
        %swap3A_133 = vector.shape_cast %mul3A_128 : vector<16xf32> to vector<1x16xf32>
        tpu.vector_store %arg9[%swap3A_129, %swap3A_130], %swap3A_133 {strides = array<i32>} : memref<80x128xf32, #tpu.memory_space<vmem>>, vector<1x16xf32>,
        %scan3A_134 = arith.constant 0 : i32
        %scan3A_135 = arith.constant 1 : i32
        %scan3A_136 = arith.addi %scan3A_22, %scan3A_135 : i32
        %get3A_137 = arith.index_cast %scan3A_136 : i32 to index
        %get3A_138 = arith.constant 0 : index
        %get3A_139 = tpu.vector_load %arg9[%get3A_137, %get3A_138] {strides = array<i32>} : memref<80x128xf32, #tpu.memory_space<vmem>>, vector<1x16xf32>,
        %get3A_140 = vector.shape_cast %get3A_139 : vector<1x16xf32> to vector<16xf32>
        %get3A_141 = arith.index_cast %scan3A_136 : i32 to index
        %get3A_142 = arith.constant 0 : index
        %get3A_143 = tpu.vector_load %arg10[%get3A_141, %get3A_142] {strides = array<i32>} : memref<80x128xf32, #tpu.memory_space<vmem>>, vector<1x16xf32>,
        %get3A_144 = vector.shape_cast %get3A_143 : vector<1x16xf32> to vector<16xf32>
        %mul3A_145 = arith.mulf %get3A_140, %get3A_144 : vector<16xf32>
        %swap3A_146 = arith.index_cast %scan3A_136 : i32 to index
        %swap3A_147 = arith.constant 0 : index
        %swap3A_148 = tpu.vector_load %arg9[%swap3A_146, %swap3A_147] {strides = array<i32>} : memref<80x128xf32, #tpu.memory_space<vmem>>, vector<1x16xf32>,
        %swap3A_149 = vector.shape_cast %swap3A_148 : vector<1x16xf32> to vector<16xf32>
        %swap3A_150 = vector.shape_cast %mul3A_145 : vector<16xf32> to vector<1x16xf32>
        tpu.vector_store %arg9[%swap3A_146, %swap3A_147], %swap3A_150 {strides = array<i32>} : memref<80x128xf32, #tpu.memory_space<vmem>>, vector<1x16xf32>,
        %get3A_151 = arith.index_cast %scan3A_136 : i32 to index
        %get3A_152 = arith.constant 16 : index
        %get3A_153 = tpu.vector_load %arg9[%get3A_151, %get3A_152] {strides = array<i32>} : memref<80x128xf32, #tpu.memory_space<vmem>>, vector<1x16xf32>,
        %get3A_154 = vector.shape_cast %get3A_153 : vector<1x16xf32> to vector<16xf32>
        %get3A_155 = arith.index_cast %scan3A_136 : i32 to index
        %get3A_156 = arith.constant 16 : index
        %get3A_157 = tpu.vector_load %arg10[%get3A_155, %get3A_156] {strides = array<i32>} : memref<80x128xf32, #tpu.memory_space<vmem>>, vector<1x16xf32>,
        %get3A_158 = vector.shape_cast %get3A_157 : vector<1x16xf32> to vector<16xf32>
        %mul3A_159 = arith.mulf %get3A_154, %get3A_158 : vector<16xf32>
        %swap3A_160 = arith.index_cast %scan3A_136 : i32 to index
        %swap3A_161 = arith.constant 16 : index
        %swap3A_162 = tpu.vector_load %arg9[%swap3A_160, %swap3A_161] {strides = array<i32>} : memref<80x128xf32, #tpu.memory_space<vmem>>, vector<1x16xf32>,
        %swap3A_163 = vector.shape_cast %swap3A_162 : vector<1x16xf32> to vector<16xf32>
        %swap3A_164 = vector.shape_cast %mul3A_159 : vector<16xf32> to vector<1x16xf32>
        tpu.vector_store %arg9[%swap3A_160, %swap3A_161], %swap3A_164 {strides = array<i32>} : memref<80x128xf32, #tpu.memory_space<vmem>>, vector<1x16xf32>,
        %get3A_165 = arith.index_cast %scan3A_136 : i32 to index
        %get3A_166 = arith.constant 32 : index
        %get3A_167 = tpu.vector_load %arg9[%get3A_165, %get3A_166] {strides = array<i32>} : memref<80x128xf32, #tpu.memory_space<vmem>>, vector<1x16xf32>,
        %get3A_168 = vector.shape_cast %get3A_167 : vector<1x16xf32> to vector<16xf32>
        %get3A_169 = arith.index_cast %scan3A_136 : i32 to index
        %get3A_170 = arith.constant 32 : index
        %get3A_171 = tpu.vector_load %arg10[%get3A_169, %get3A_170] {strides = array<i32>} : memref<80x128xf32, #tpu.memory_space<vmem>>, vector<1x16xf32>,
        %get3A_172 = vector.shape_cast %get3A_171 : vector<1x16xf32> to vector<16xf32>
        %mul3A_173 = arith.mulf %get3A_168, %get3A_172 : vector<16xf32>
        %swap3A_174 = arith.index_cast %scan3A_136 : i32 to index
        %swap3A_175 = arith.constant 32 : index
        %swap3A_176 = tpu.vector_load %arg9[%swap3A_174, %swap3A_175] {strides = array<i32>} : memref<80x128xf32, #tpu.memory_space<vmem>>, vector<1x16xf32>,
        %swap3A_177 = vector.shape_cast %swap3A_176 : vector<1x16xf32> to vector<16xf32>
        %swap3A_178 = vector.shape_cast %mul3A_173 : vector<16xf32> to vector<1x16xf32>
        tpu.vector_store %arg9[%swap3A_174, %swap3A_175], %swap3A_178 {strides = array<i32>} : memref<80x128xf32, #tpu.memory_space<vmem>>, vector<1x16xf32>,
        %get3A_179 = arith.index_cast %scan3A_136 : i32 to index
        %get3A_180 = arith.constant 48 : index
        %get3A_181 = tpu.vector_load %arg9[%get3A_179, %get3A_180] {strides = array<i32>} : memref<80x128xf32, #tpu.memory_space<vmem>>, vector<1x16xf32>,
        %get3A_182 = vector.shape_cast %get3A_181 : vector<1x16xf32> to vector<16xf32>
        %get3A_183 = arith.index_cast %scan3A_136 : i32 to index
        %get3A_184 = arith.constant 48 : index
        %get3A_185 = tpu.vector_load %arg10[%get3A_183, %get3A_184] {strides = array<i32>} : memref<80x128xf32, #tpu.memory_space<vmem>>, vector<1x16xf32>,
        %get3A_186 = vector.shape_cast %get3A_185 : vector<1x16xf32> to vector<16xf32>
        %mul3A_187 = arith.mulf %get3A_182, %get3A_186 : vector<16xf32>
        %swap3A_188 = arith.index_cast %scan3A_136 : i32 to index
        %swap3A_189 = arith.constant 48 : index
        %swap3A_190 = tpu.vector_load %arg9[%swap3A_188, %swap3A_189] {strides = array<i32>} : memref<80x128xf32, #tpu.memory_space<vmem>>, vector<1x16xf32>,
        %swap3A_191 = vector.shape_cast %swap3A_190 : vector<1x16xf32> to vector<16xf32>
        %swap3A_192 = vector.shape_cast %mul3A_187 : vector<16xf32> to vector<1x16xf32>
        tpu.vector_store %arg9[%swap3A_188, %swap3A_189], %swap3A_192 {strides = array<i32>} : memref<80x128xf32, #tpu.memory_space<vmem>>, vector<1x16xf32>,
        %get3A_193 = arith.index_cast %scan3A_136 : i32 to index
        %get3A_194 = arith.constant 64 : index
        %get3A_195 = tpu.vector_load %arg9[%get3A_193, %get3A_194] {strides = array<i32>} : memref<80x128xf32, #tpu.memory_space<vmem>>, vector<1x16xf32>,
        %get3A_196 = vector.shape_cast %get3A_195 : vector<1x16xf32> to vector<16xf32>
        %get3A_197 = arith.index_cast %scan3A_136 : i32 to index
        %get3A_198 = arith.constant 64 : index
        %get3A_199 = tpu.vector_load %arg10[%get3A_197, %get3A_198] {strides = array<i32>} : memref<80x128xf32, #tpu.memory_space<vmem>>, vector<1x16xf32>,
        %get3A_200 = vector.shape_cast %get3A_199 : vector<1x16xf32> to vector<16xf32>
        %mul3A_201 = arith.mulf %get3A_196, %get3A_200 : vector<16xf32>
        %swap3A_202 = arith.index_cast %scan3A_136 : i32 to index
        %swap3A_203 = arith.constant 64 : index
        %swap3A_204 = tpu.vector_load %arg9[%swap3A_202, %swap3A_203] {strides = array<i32>} : memref<80x128xf32, #tpu.memory_space<vmem>>, vector<1x16xf32>,
        %swap3A_205 = vector.shape_cast %swap3A_204 : vector<1x16xf32> to vector<16xf32>
        %swap3A_206 = vector.shape_cast %mul3A_201 : vector<16xf32> to vector<1x16xf32>
        tpu.vector_store %arg9[%swap3A_202, %swap3A_203], %swap3A_206 {strides = array<i32>} : memref<80x128xf32, #tpu.memory_space<vmem>>, vector<1x16xf32>,
        %get3A_207 = arith.index_cast %scan3A_136 : i32 to index
        %get3A_208 = arith.constant 80 : index
        %get3A_209 = tpu.vector_load %arg9[%get3A_207, %get3A_208] {strides = array<i32>} : memref<80x128xf32, #tpu.memory_space<vmem>>, vector<1x16xf32>,
        %get3A_210 = vector.shape_cast %get3A_209 : vector<1x16xf32> to vector<16xf32>
        %get3A_211 = arith.index_cast %scan3A_136 : i32 to index
        %get3A_212 = arith.constant 80 : index
        %get3A_213 = tpu.vector_load %arg10[%get3A_211, %get3A_212] {strides = array<i32>} : memref<80x128xf32, #tpu.memory_space<vmem>>, vector<1x16xf32>,
        %get3A_214 = vector.shape_cast %get3A_213 : vector<1x16xf32> to vector<16xf32>
        %mul3A_215 = arith.mulf %get3A_210, %get3A_214 : vector<16xf32>
        %swap3A_216 = arith.index_cast %scan3A_136 : i32 to index
        %swap3A_217 = arith.constant 80 : index
        %swap3A_218 = tpu.vector_load %arg9[%swap3A_216, %swap3A_217] {strides = array<i32>} : memref<80x128xf32, #tpu.memory_space<vmem>>, vector<1x16xf32>,
        %swap3A_219 = vector.shape_cast %swap3A_218 : vector<1x16xf32> to vector<16xf32>
        %swap3A_220 = vector.shape_cast %mul3A_215 : vector<16xf32> to vector<1x16xf32>
        tpu.vector_store %arg9[%swap3A_216, %swap3A_217], %swap3A_220 {strides = array<i32>} : memref<80x128xf32, #tpu.memory_space<vmem>>, vector<1x16xf32>,
        %get3A_221 = arith.index_cast %scan3A_136 : i32 to index
        %get3A_222 = arith.constant 96 : index
        %get3A_223 = tpu.vector_load %arg9[%get3A_221, %get3A_222] {strides = array<i32>} : memref<80x128xf32, #tpu.memory_space<vmem>>, vector<1x16xf32>,
        %get3A_224 = vector.shape_cast %get3A_223 : vector<1x16xf32> to vector<16xf32>
        %get3A_225 = arith.index_cast %scan3A_136 : i32 to index
        %get3A_226 = arith.constant 96 : index
        %get3A_227 = tpu.vector_load %arg10[%get3A_225, %get3A_226] {strides = array<i32>} : memref<80x128xf32, #tpu.memory_space<vmem>>, vector<1x16xf32>,
        %get3A_228 = vector.shape_cast %get3A_227 : vector<1x16xf32> to vector<16xf32>
        %mul3A_229 = arith.mulf %get3A_224, %get3A_228 : vector<16xf32>
        %swap3A_230 = arith.index_cast %scan3A_136 : i32 to index
        %swap3A_231 = arith.constant 96 : index
        %swap3A_232 = tpu.vector_load %arg9[%swap3A_230, %swap3A_231] {strides = array<i32>} : memref<80x128xf32, #tpu.memory_space<vmem>>, vector<1x16xf32>,
        %swap3A_233 = vector.shape_cast %swap3A_232 : vector<1x16xf32> to vector<16xf32>
        %swap3A_234 = vector.shape_cast %mul3A_229 : vector<16xf32> to vector<1x16xf32>
        tpu.vector_store %arg9[%swap3A_230, %swap3A_231], %swap3A_234 {strides = array<i32>} : memref<80x128xf32, #tpu.memory_space<vmem>>, vector<1x16xf32>,
        %get3A_235 = arith.index_cast %scan3A_136 : i32 to index
        %get3A_236 = arith.constant 112 : index
        %get3A_237 = tpu.vector_load %arg9[%get3A_235, %get3A_236] {strides = array<i32>} : memref<80x128xf32, #tpu.memory_space<vmem>>, vector<1x16xf32>,
        %get3A_238 = vector.shape_cast %get3A_237 : vector<1x16xf32> to vector<16xf32>
        %get3A_239 = arith.index_cast %scan3A_136 : i32 to index
        %get3A_240 = arith.constant 112 : index
        %get3A_241 = tpu.vector_load %arg10[%get3A_239, %get3A_240] {strides = array<i32>} : memref<80x128xf32, #tpu.memory_space<vmem>>, vector<1x16xf32>,
        %get3A_242 = vector.shape_cast %get3A_241 : vector<1x16xf32> to vector<16xf32>
        %mul3A_243 = arith.mulf %get3A_238, %get3A_242 : vector<16xf32>
        %swap3A_244 = arith.index_cast %scan3A_136 : i32 to index
        %swap3A_245 = arith.constant 112 : index
        %swap3A_246 = tpu.vector_load %arg9[%swap3A_244, %swap3A_245] {strides = array<i32>} : memref<80x128xf32, #tpu.memory_space<vmem>>, vector<1x16xf32>,
        %swap3A_247 = vector.shape_cast %swap3A_246 : vector<1x16xf32> to vector<16xf32>
        %swap3A_248 = vector.shape_cast %mul3A_243 : vector<16xf32> to vector<1x16xf32>
        tpu.vector_store %arg9[%swap3A_244, %swap3A_245], %swap3A_248 {strides = array<i32>} : memref<80x128xf32, #tpu.memory_space<vmem>>, vector<1x16xf32>,
        %scan3A_249 = arith.constant 0 : i32
        scf.yield %scan3A_249 : i32
      }
      %scan3A_20 = arith.constant 80 : i32
      "tpu.region"() ({
        %run_scoped3A = tpu.sem_alloc : memref<!tpu.dma_semaphore, #tpu.memory_space<semaphore_mem>>
        %dma_start3A = arith.constant 0 : i32
        %dma_start3A_22 = tpu.memref_slice %arg6[%add3A_13, %dma_start3A] : memref<320000x128xf32, #tpu.memory_space<hbm>> -> memref<80x128xf32, #tpu.memory_space<hbm>>
        %dma_start3A_23 = arith.constant 0 : i32
        %dma_start3A_24 = tpu.memref_slice %arg6[%add3A_13, %dma_start3A_23] : memref<320000x128xf32, #tpu.memory_space<hbm>> -> memref<80x128xf32, #tpu.memory_space<hbm>>
        tpu.enqueue_dma source(%arg9 : memref<80x128xf32, #tpu.memory_space<vmem>>) target(%dma_start3A_24 : memref<80x128xf32, #tpu.memory_space<hbm>>) target_semaphore(%run_scoped3A : memref<!tpu.dma_semaphore, #tpu.memory_space<semaphore_mem>>)
        %dma_wait3A = arith.constant 0 : i32
        %dma_wait3A_25 = tpu.memref_slice %arg6[%add3A_13, %dma_wait3A] : memref<320000x128xf32, #tpu.memory_space<hbm>> -> memref<80x128xf32, #tpu.memory_space<hbm>>
        %dma_wait3A_26 = arith.constant 0 : i32
        %dma_wait3A_27 = tpu.memref_slice %arg6[%add3A_13, %dma_wait3A_26] : memref<320000x128xf32, #tpu.memory_space<hbm>> -> memref<80x128xf32, #tpu.memory_space<hbm>>
        tpu.wait_dma2 semaphore(%run_scoped3A : memref<!tpu.dma_semaphore, #tpu.memory_space<semaphore_mem>>) src(%arg9 : memref<80x128xf32, #tpu.memory_space<vmem>>) dst(%dma_wait3A_27 : memref<80x128xf32, #tpu.memory_space<hbm>>)
        tpu.yield
      }) : () -> ()
      %scan3A_21 = arith.constant 0 : i32
      scf.yield %scan3A_21 : i32
    }
    %scan3A_6 = arith.constant 125 : i32
    return
  }
}

#map = affine_map<(d0, d1) -> (0)>
module attributes {stable_mosaic.version = 14 : i64} {
  func.func @_scc_body(%arg0: i32, %arg1: i32, %arg2: memref<40960000xf32, #tpu.memory_space<hbm>>, %arg3: memref<320000xi32, #tpu.memory_space<hbm>>, %arg4: memref<2560000xf32, #tpu.memory_space<hbm>>, %arg5: memref<80032xf32, #tpu.memory_space<vmem>>, %arg6: memref<8016xf32, #tpu.memory_space<vmem>>, %arg7: memref<1016xi32, #tpu.memory_space<vmem>>) attributes {dimension_semantics = [#tpu.dimension_semantics<core_parallel>, #tpu.dimension_semantics<subcore_parallel>], iteration_bounds = array<i64: 2, 16>, scalar_prefetch = 0 : i64, scratch_operands = 3 : i64, tpu.core_type = #tpu.core_type<sc_vector_subcore>, window_params = [{transform_indices = #map}, {transform_indices = #map}, {transform_indices = #map}]} {
    %broadcast_in_dim3A = arith.constant 0.000000e+00 : f32
    %broadcast_in_dim3A_0 = vector.broadcast %broadcast_in_dim3A : f32 to vector<16xf32>
    %scan3A = arith.constant 0 : i32
    %scan3A_1 = arith.constant 0 : i32
    %scan3A_2 = arith.constant 5002 : i32
    %scan3A_3 = arith.addi %scan3A_1, %scan3A_2 : i32
    %scan3A_4 = arith.constant 1 : i32
    %scan3A_5 = scf.for %scan3A_19 = %scan3A_1 to %scan3A_3 step %scan3A_4 iter_args(%scan3A_20 = %scan3A) -> (i32)  : i32 {
      %mul3A_21 = arith.constant 16 : i32
      %mul3A_22 = arith.muli %scan3A_19, %mul3A_21 : i32
      %swap3A = arith.index_cast %mul3A_22 : i32 to index
      %swap3A_23 = tpu.vector_load %arg5[%swap3A] {strides = array<i32>} : memref<80032xf32, #tpu.memory_space<vmem>>, vector<16xf32>,
      %swap3A_24 = vector.shape_cast %swap3A_23 : vector<16xf32> to vector<16xf32>
      %swap3A_25 = vector.shape_cast %broadcast_in_dim3A_0 : vector<16xf32> to vector<16xf32>
      tpu.vector_store %arg5[%swap3A], %swap3A_25 {strides = array<i32>} : memref<80032xf32, #tpu.memory_space<vmem>>, vector<16xf32>,
      %scan3A_26 = arith.constant 0 : i32
      scf.yield %scan3A_26 : i32
    }
    %scan3A_6 = arith.constant 5002 : i32
    %iota3A = tpu.iota {dimensions = array<i32: 0>} : vector<16xi32>
    %lt3A = arith.constant 8 : i32
    %lt3A_7 = vector.broadcast %lt3A : i32 to vector<16xi32>
    %lt3A_8 = arith.cmpi slt, %iota3A, %lt3A_7 : vector<16xi32>
    %scan3A_9 = arith.constant 0 : i32
    %scan3A_10 = arith.constant 0 : i32
    %scan3A_11 = arith.constant 160 : i32
    %scan3A_12 = arith.addi %scan3A_10, %scan3A_11 : i32
    %scan3A_13 = arith.constant 1 : i32
    %scan3A_14 = scf.for %scan3A_19 = %scan3A_10 to %scan3A_12 step %scan3A_13 iter_args(%scan3A_20 = %scan3A_9) -> (i32)  : i32 {
      %mul3A_21 = arith.constant 160000 : i32
      %mul3A_22 = arith.muli %arg0, %mul3A_21 : i32
      %mul3A_23 = arith.constant 1000 : i32
      %mul3A_24 = arith.muli %scan3A_19, %mul3A_23 : i32
      %add3A_25 = arith.addi %mul3A_22, %mul3A_24 : i32
      "tpu.region"() ({
        %run_scoped3A = tpu.sem_alloc : memref<!tpu.dma_semaphore, #tpu.memory_space<semaphore_mem>>
        %dma_start3A = arith.constant 0 : i32
        %dma_start3A_39 = tpu.memref_slice %arg7[%dma_start3A] : memref<1016xi32, #tpu.memory_space<vmem>> -> memref<1000xi32, #tpu.memory_space<vmem>>
        %dma_start3A_40 = tpu.memref_slice %arg3[%add3A_25] : memref<320000xi32, #tpu.memory_space<hbm>> -> memref<1000xi32, #tpu.memory_space<hbm>>
        %dma_start3A_41 = arith.constant 0 : i32
        %dma_start3A_42 = tpu.memref_slice %arg7[%dma_start3A_41] : memref<1016xi32, #tpu.memory_space<vmem>> -> memref<1000xi32, #tpu.memory_space<vmem>>
        %dma_start3A_43 = tpu.memref_slice %arg3[%add3A_25] : memref<320000xi32, #tpu.memory_space<hbm>> -> memref<1000xi32, #tpu.memory_space<hbm>>
        tpu.enqueue_dma source(%dma_start3A_43 : memref<1000xi32, #tpu.memory_space<hbm>>) target(%dma_start3A_42 : memref<1000xi32, #tpu.memory_space<vmem>>) target_semaphore(%run_scoped3A : memref<!tpu.dma_semaphore, #tpu.memory_space<semaphore_mem>>)
        %dma_wait3A = arith.constant 0 : i32
        %dma_wait3A_44 = tpu.memref_slice %arg7[%dma_wait3A] : memref<1016xi32, #tpu.memory_space<vmem>> -> memref<1000xi32, #tpu.memory_space<vmem>>
        %dma_wait3A_45 = tpu.memref_slice %arg3[%add3A_25] : memref<320000xi32, #tpu.memory_space<hbm>> -> memref<1000xi32, #tpu.memory_space<hbm>>
        %dma_wait3A_46 = arith.constant 0 : i32
        %dma_wait3A_47 = tpu.memref_slice %arg7[%dma_wait3A_46] : memref<1016xi32, #tpu.memory_space<vmem>> -> memref<1000xi32, #tpu.memory_space<vmem>>
        %dma_wait3A_48 = tpu.memref_slice %arg3[%add3A_25] : memref<320000xi32, #tpu.memory_space<hbm>> -> memref<1000xi32, #tpu.memory_space<hbm>>
        tpu.wait_dma2 semaphore(%run_scoped3A : memref<!tpu.dma_semaphore, #tpu.memory_space<semaphore_mem>>) src(%dma_wait3A_48 : memref<1000xi32, #tpu.memory_space<hbm>>) dst(%dma_wait3A_47 : memref<1000xi32, #tpu.memory_space<vmem>>)
        tpu.yield
      }) : () -> ()
      %mul3A_26 = arith.constant 2560000 : i32
      %mul3A_27 = arith.muli %arg1, %mul3A_26 : i32
      %mul3A_28 = arith.constant 8 : i32
      %mul3A_29 = arith.muli %add3A_25, %mul3A_28 : i32
      %add3A_30 = arith.addi %mul3A_27, %mul3A_29 : i32
      "tpu.region"() ({
        %run_scoped3A = tpu.sem_alloc : memref<!tpu.dma_semaphore, #tpu.memory_space<semaphore_mem>>
        %dma_start3A = arith.constant 0 : i32
        %dma_start3A_39 = tpu.memref_slice %arg6[%dma_start3A] : memref<8016xf32, #tpu.memory_space<vmem>> -> memref<8000xf32, #tpu.memory_space<vmem>>
        %dma_start3A_40 = tpu.memref_slice %arg2[%add3A_30] : memref<40960000xf32, #tpu.memory_space<hbm>> -> memref<8000xf32, #tpu.memory_space<hbm>>
        %dma_start3A_41 = arith.constant 0 : i32
        %dma_start3A_42 = tpu.memref_slice %arg6[%dma_start3A_41] : memref<8016xf32, #tpu.memory_space<vmem>> -> memref<8000xf32, #tpu.memory_space<vmem>>
        %dma_start3A_43 = tpu.memref_slice %arg2[%add3A_30] : memref<40960000xf32, #tpu.memory_space<hbm>> -> memref<8000xf32, #tpu.memory_space<hbm>>
        tpu.enqueue_dma source(%dma_start3A_43 : memref<8000xf32, #tpu.memory_space<hbm>>) target(%dma_start3A_42 : memref<8000xf32, #tpu.memory_space<vmem>>) target_semaphore(%run_scoped3A : memref<!tpu.dma_semaphore, #tpu.memory_space<semaphore_mem>>)
        %dma_wait3A = arith.constant 0 : i32
        %dma_wait3A_44 = tpu.memref_slice %arg6[%dma_wait3A] : memref<8016xf32, #tpu.memory_space<vmem>> -> memref<8000xf32, #tpu.memory_space<vmem>>
        %dma_wait3A_45 = tpu.memref_slice %arg2[%add3A_30] : memref<40960000xf32, #tpu.memory_space<hbm>> -> memref<8000xf32, #tpu.memory_space<hbm>>
        %dma_wait3A_46 = arith.constant 0 : i32
        %dma_wait3A_47 = tpu.memref_slice %arg6[%dma_wait3A_46] : memref<8016xf32, #tpu.memory_space<vmem>> -> memref<8000xf32, #tpu.memory_space<vmem>>
        %dma_wait3A_48 = tpu.memref_slice %arg2[%add3A_30] : memref<40960000xf32, #tpu.memory_space<hbm>> -> memref<8000xf32, #tpu.memory_space<hbm>>
        tpu.wait_dma2 semaphore(%run_scoped3A : memref<!tpu.dma_semaphore, #tpu.memory_space<semaphore_mem>>) src(%dma_wait3A_48 : memref<8000xf32, #tpu.memory_space<hbm>>) dst(%dma_wait3A_47 : memref<8000xf32, #tpu.memory_space<vmem>>)
        tpu.yield
      }) : () -> ()
      %scan3A_31 = arith.constant 0 : i32
      %scan3A_32 = arith.constant 0 : i32
      %scan3A_33 = arith.constant 1000 : i32
      %scan3A_34 = arith.addi %scan3A_32, %scan3A_33 : i32
      %scan3A_35 = arith.constant 2 : i32
      %scan3A_36 = scf.for %scan3A_39 = %scan3A_32 to %scan3A_34 step %scan3A_35 iter_args(%scan3A_40 = %scan3A_31) -> (i32)  : i32 {
        %get3A = arith.index_cast %scan3A_39 : i32 to index
        %get3A_41 = tpu.vector_load %arg7[%get3A] {strides = array<i32>} : memref<1016xi32, #tpu.memory_space<vmem>>, vector<16xi32>,
        %get3A_42 = vector.shape_cast %get3A_41 : vector<16xi32> to vector<16xi32>
        %slice3A = vector.extract_strided_slice %get3A_42 {offsets = [0], sizes = [1], strides = [1]} : vector<16xi32> to vector<1xi32>
        %squeeze3A = vector.extract %slice3A[0] : i32 from vector<1xi32>
        %mul3A_43 = arith.constant 8 : i32
        %mul3A_44 = arith.muli %scan3A_39, %mul3A_43 : i32
        %get3A_45 = arith.index_cast %mul3A_44 : i32 to index
        %get3A_46 = tpu.vector_load %arg6[%get3A_45] {strides = array<i32>} : memref<8016xf32, #tpu.memory_space<vmem>>, vector<16xf32>,
        %get3A_47 = vector.shape_cast %get3A_46 : vector<16xf32> to vector<16xf32>
        %jit3A = arith.constant 0.000000e+00 : f32
        %broadcast_in_dim3A_48 = vector.broadcast %jit3A : f32 to vector<16xf32>
        %select_n3A = arith.select %lt3A_8, %get3A_47, %broadcast_in_dim3A_48 : vector<16xi1>, vector<16xf32>
        %mul3A_49 = arith.constant 8 : i32
        %mul3A_50 = arith.muli %squeeze3A, %mul3A_49 : i32
        %add3A_51 = arith.constant 16 : i32
        %add3A_52 = arith.addi %add3A_51, %mul3A_50 : i32
        %get3A_53 = arith.index_cast %add3A_52 : i32 to index
        %get3A_54 = tpu.vector_load %arg5[%get3A_53] {strides = array<i32>} : memref<80032xf32, #tpu.memory_space<vmem>>, vector<16xf32>,
        %get3A_55 = vector.shape_cast %get3A_54 : vector<16xf32> to vector<16xf32>
        %add3A_56 = arith.addf %get3A_55, %select_n3A : vector<16xf32>
        %swap3A = arith.index_cast %add3A_52 : i32 to index
        %swap3A_57 = tpu.vector_load %arg5[%swap3A] {strides = array<i32>} : memref<80032xf32, #tpu.memory_space<vmem>>, vector<16xf32>,
        %swap3A_58 = vector.shape_cast %swap3A_57 : vector<16xf32> to vector<16xf32>
        %swap3A_59 = vector.shape_cast %add3A_56 : vector<16xf32> to vector<16xf32>
        tpu.vector_store %arg5[%swap3A], %swap3A_59 {strides = array<i32>} : memref<80032xf32, #tpu.memory_space<vmem>>, vector<16xf32>,
        %scan3A_60 = arith.constant 0 : i32
        %scan3A_61 = arith.constant 1 : i32
        %scan3A_62 = arith.addi %scan3A_39, %scan3A_61 : i32
        %get3A_63 = arith.index_cast %scan3A_62 : i32 to index
        %get3A_64 = tpu.vector_load %arg7[%get3A_63] {strides = array<i32>} : memref<1016xi32, #tpu.memory_space<vmem>>, vector<16xi32>,
        %get3A_65 = vector.shape_cast %get3A_64 : vector<16xi32> to vector<16xi32>
        %slice3A_66 = vector.extract_strided_slice %get3A_65 {offsets = [0], sizes = [1], strides = [1]} : vector<16xi32> to vector<1xi32>
        %squeeze3A_67 = vector.extract %slice3A_66[0] : i32 from vector<1xi32>
        %mul3A_68 = arith.constant 8 : i32
        %mul3A_69 = arith.muli %scan3A_62, %mul3A_68 : i32
        %get3A_70 = arith.index_cast %mul3A_69 : i32 to index
        %get3A_71 = tpu.vector_load %arg6[%get3A_70] {strides = array<i32>} : memref<8016xf32, #tpu.memory_space<vmem>>, vector<16xf32>,
        %get3A_72 = vector.shape_cast %get3A_71 : vector<16xf32> to vector<16xf32>
        %jit3A_73 = arith.constant 0.000000e+00 : f32
        %broadcast_in_dim3A_74 = vector.broadcast %jit3A_73 : f32 to vector<16xf32>
        %select_n3A_75 = arith.select %lt3A_8, %get3A_72, %broadcast_in_dim3A_74 : vector<16xi1>, vector<16xf32>
        %mul3A_76 = arith.constant 8 : i32
        %mul3A_77 = arith.muli %squeeze3A_67, %mul3A_76 : i32
        %add3A_78 = arith.constant 16 : i32
        %add3A_79 = arith.addi %add3A_78, %mul3A_77 : i32
        %get3A_80 = arith.index_cast %add3A_79 : i32 to index
        %get3A_81 = tpu.vector_load %arg5[%get3A_80] {strides = array<i32>} : memref<80032xf32, #tpu.memory_space<vmem>>, vector<16xf32>,
        %get3A_82 = vector.shape_cast %get3A_81 : vector<16xf32> to vector<16xf32>
        %add3A_83 = arith.addf %get3A_82, %select_n3A_75 : vector<16xf32>
        %swap3A_84 = arith.index_cast %add3A_79 : i32 to index
        %swap3A_85 = tpu.vector_load %arg5[%swap3A_84] {strides = array<i32>} : memref<80032xf32, #tpu.memory_space<vmem>>, vector<16xf32>,
        %swap3A_86 = vector.shape_cast %swap3A_85 : vector<16xf32> to vector<16xf32>
        %swap3A_87 = vector.shape_cast %add3A_83 : vector<16xf32> to vector<16xf32>
        tpu.vector_store %arg5[%swap3A_84], %swap3A_87 {strides = array<i32>} : memref<80032xf32, #tpu.memory_space<vmem>>, vector<16xf32>,
        %scan3A_88 = arith.constant 0 : i32
        scf.yield %scan3A_88 : i32
      }
      %scan3A_37 = arith.constant 1000 : i32
      %scan3A_38 = arith.constant 0 : i32
      scf.yield %scan3A_38 : i32
    }
    %scan3A_15 = arith.constant 160 : i32
    %mul3A = arith.constant 16 : i32
    %mul3A_16 = arith.muli %arg0, %mul3A : i32
    %add3A = arith.addi %mul3A_16, %arg1 : i32
    %mul3A_17 = arith.constant 80000 : i32
    %mul3A_18 = arith.muli %add3A, %mul3A_17 : i32
    "tpu.region"() ({
      %run_scoped3A = tpu.sem_alloc : memref<!tpu.dma_semaphore, #tpu.memory_space<semaphore_mem>>
      %dma_start3A = arith.constant 16 : i32
      %dma_start3A_19 = tpu.memref_slice %arg5[%dma_start3A] : memref<80032xf32, #tpu.memory_space<vmem>> -> memref<80000xf32, #tpu.memory_space<vmem>>
      %dma_start3A_20 = tpu.memref_slice %arg4[%mul3A_18] : memref<2560000xf32, #tpu.memory_space<hbm>> -> memref<80000xf32, #tpu.memory_space<hbm>>
      %dma_start3A_21 = tpu.memref_slice %arg4[%mul3A_18] : memref<2560000xf32, #tpu.memory_space<hbm>> -> memref<80000xf32, #tpu.memory_space<hbm>>
      %dma_start3A_22 = arith.constant 16 : i32
      %dma_start3A_23 = tpu.memref_slice %arg5[%dma_start3A_22] : memref<80032xf32, #tpu.memory_space<vmem>> -> memref<80000xf32, #tpu.memory_space<vmem>>
      tpu.enqueue_dma source(%dma_start3A_23 : memref<80000xf32, #tpu.memory_space<vmem>>) target(%dma_start3A_21 : memref<80000xf32, #tpu.memory_space<hbm>>) target_semaphore(%run_scoped3A : memref<!tpu.dma_semaphore, #tpu.memory_space<semaphore_mem>>)
      %dma_wait3A = arith.constant 16 : i32
      %dma_wait3A_24 = tpu.memref_slice %arg5[%dma_wait3A] : memref<80032xf32, #tpu.memory_space<vmem>> -> memref<80000xf32, #tpu.memory_space<vmem>>
      %dma_wait3A_25 = tpu.memref_slice %arg4[%mul3A_18] : memref<2560000xf32, #tpu.memory_space<hbm>> -> memref<80000xf32, #tpu.memory_space<hbm>>
      %dma_wait3A_26 = tpu.memref_slice %arg4[%mul3A_18] : memref<2560000xf32, #tpu.memory_space<hbm>> -> memref<80000xf32, #tpu.memory_space<hbm>>
      %dma_wait3A_27 = arith.constant 16 : i32
      %dma_wait3A_28 = tpu.memref_slice %arg5[%dma_wait3A_27] : memref<80032xf32, #tpu.memory_space<vmem>> -> memref<80000xf32, #tpu.memory_space<vmem>>
      tpu.wait_dma2 semaphore(%run_scoped3A : memref<!tpu.dma_semaphore, #tpu.memory_space<semaphore_mem>>) src(%dma_wait3A_28 : memref<80000xf32, #tpu.memory_space<vmem>>) dst(%dma_wait3A_26 : memref<80000xf32, #tpu.memory_space<hbm>>)
      tpu.yield
    }) : () -> ()
    return
  }
}

#map = affine_map<(d0, d1) -> (0, 0)>
#map1 = affine_map<(d0, d1) -> (0)>
module attributes {stable_mosaic.version = 14 : i64} {
  func.func @_gather_combine_body(%arg0: i32, %arg1: i32, %arg2: memref<10000x128xf32, #tpu.memory_space<hbm>>, %arg3: memref<10000x128xf32, #tpu.memory_space<hbm>>, %arg4: memref<320000xi32, #tpu.memory_space<hbm>>, %arg5: memref<320000xi32, #tpu.memory_space<hbm>>, %arg6: memref<320000x128xf32, #tpu.memory_space<hbm>>, %arg7: memref<80xi32, #tpu.memory_space<vmem>>, %arg8: memref<80xi32, #tpu.memory_space<vmem>>, %arg9: memref<80x128xf32, #tpu.memory_space<vmem>>, %arg10: memref<80x128xf32, #tpu.memory_space<vmem>>) attributes {dimension_semantics = [#tpu.dimension_semantics<core_parallel>, #tpu.dimension_semantics<subcore_parallel>], iteration_bounds = array<i64: 2, 16>, scalar_prefetch = 0 : i64, scratch_operands = 4 : i64, tpu.core_type = #tpu.core_type<sc_vector_subcore>, window_params = [{transform_indices = #map}, {transform_indices = #map}, {transform_indices = #map1}, {transform_indices = #map1}, {transform_indices = #map}]} {
    %mul3A = arith.constant 2 : i32
    %mul3A_0 = arith.muli %arg1, %mul3A : i32
    %add3A = arith.addi %mul3A_0, %arg0 : i32
    %scan3A = arith.constant 0 : i32
    %scan3A_1 = arith.constant 0 : i32
    %scan3A_2 = arith.constant 125 : i32
    %scan3A_3 = arith.addi %scan3A_1, %scan3A_2 : i32
    %scan3A_4 = arith.constant 1 : i32
    %scan3A_5 = scf.for %scan3A_7 = %scan3A_1 to %scan3A_3 step %scan3A_4 iter_args(%scan3A_8 = %scan3A) -> (i32)  : i32 {
      %mul3A_9 = arith.constant 10000 : i32
      %mul3A_10 = arith.muli %add3A, %mul3A_9 : i32
      %mul3A_11 = arith.constant 80 : i32
      %mul3A_12 = arith.muli %scan3A_7, %mul3A_11 : i32
      %add3A_13 = arith.addi %mul3A_10, %mul3A_12 : i32
      "tpu.region"() ({
        %run_scoped3A = tpu.sem_alloc : memref<!tpu.dma_semaphore, #tpu.memory_space<semaphore_mem>>
        %dma_start3A = tpu.memref_slice %arg4[%add3A_13] : memref<320000xi32, #tpu.memory_space<hbm>> -> memref<80xi32, #tpu.memory_space<hbm>>
        %dma_start3A_22 = tpu.memref_slice %arg4[%add3A_13] : memref<320000xi32, #tpu.memory_space<hbm>> -> memref<80xi32, #tpu.memory_space<hbm>>
        tpu.enqueue_dma source(%dma_start3A_22 : memref<80xi32, #tpu.memory_space<hbm>>) target(%arg7 : memref<80xi32, #tpu.memory_space<vmem>>) target_semaphore(%run_scoped3A : memref<!tpu.dma_semaphore, #tpu.memory_space<semaphore_mem>>)
        %dma_wait3A = tpu.memref_slice %arg4[%add3A_13] : memref<320000xi32, #tpu.memory_space<hbm>> -> memref<80xi32, #tpu.memory_space<hbm>>
        %dma_wait3A_23 = tpu.memref_slice %arg4[%add3A_13] : memref<320000xi32, #tpu.memory_space<hbm>> -> memref<80xi32, #tpu.memory_space<hbm>>
        tpu.wait_dma2 semaphore(%run_scoped3A : memref<!tpu.dma_semaphore, #tpu.memory_space<semaphore_mem>>) src(%dma_wait3A_23 : memref<80xi32, #tpu.memory_space<hbm>>) dst(%arg7 : memref<80xi32, #tpu.memory_space<vmem>>)
        tpu.yield
      }) : () -> ()
      "tpu.region"() ({
        %run_scoped3A = tpu.sem_alloc : memref<!tpu.dma_semaphore, #tpu.memory_space<semaphore_mem>>
        %dma_start3A = tpu.memref_slice %arg5[%add3A_13] : memref<320000xi32, #tpu.memory_space<hbm>> -> memref<80xi32, #tpu.memory_space<hbm>>
        %dma_start3A_22 = tpu.memref_slice %arg5[%add3A_13] : memref<320000xi32, #tpu.memory_space<hbm>> -> memref<80xi32, #tpu.memory_space<hbm>>
        tpu.enqueue_dma source(%dma_start3A_22 : memref<80xi32, #tpu.memory_space<hbm>>) target(%arg8 : memref<80xi32, #tpu.memory_space<vmem>>) target_semaphore(%run_scoped3A : memref<!tpu.dma_semaphore, #tpu.memory_space<semaphore_mem>>)
        %dma_wait3A = tpu.memref_slice %arg5[%add3A_13] : memref<320000xi32, #tpu.memory_space<hbm>> -> memref<80xi32, #tpu.memory_space<hbm>>
        %dma_wait3A_23 = tpu.memref_slice %arg5[%add3A_13] : memref<320000xi32, #tpu.memory_space<hbm>> -> memref<80xi32, #tpu.memory_space<hbm>>
        tpu.wait_dma2 semaphore(%run_scoped3A : memref<!tpu.dma_semaphore, #tpu.memory_space<semaphore_mem>>) src(%dma_wait3A_23 : memref<80xi32, #tpu.memory_space<hbm>>) dst(%arg8 : memref<80xi32, #tpu.memory_space<vmem>>)
        tpu.yield
      }) : () -> ()
      "tpu.region"() ({
        %run_scoped3A = tpu.sem_alloc : memref<!tpu.dma_semaphore, #tpu.memory_space<semaphore_mem>>
        %dma_start3A = arith.constant 0 : i32
        %dma_start3A_22 = arith.constant 0 : i32
        %dma_start3A_23 = tpu.memref_slice %arg2[%dma_start3A, %dma_start3A_22] : memref<10000x128xf32, #tpu.memory_space<hbm>> -> memref<10000x128xf32, #tpu.memory_space<hbm>>
        tpu.enqueue_indirect_dma source(%dma_start3A_23 : memref<10000x128xf32, #tpu.memory_space<hbm>>) target(%arg9 : memref<80x128xf32, #tpu.memory_space<vmem>>) offsets(%arg7 : memref<80xi32, #tpu.memory_space<vmem>>) semaphore(%run_scoped3A : memref<!tpu.dma_semaphore, #tpu.memory_space<semaphore_mem>>)
        %dma_wait3A = arith.constant 0 : i32
        %dma_wait3A_24 = arith.constant 0 : i32
        %dma_wait3A_25 = tpu.memref_slice %arg2[%dma_wait3A, %dma_wait3A_24] : memref<10000x128xf32, #tpu.memory_space<hbm>> -> memref<10000x128xf32, #tpu.memory_space<hbm>>
        tpu.wait_indirect_dma semaphore(%run_scoped3A : memref<!tpu.dma_semaphore, #tpu.memory_space<semaphore_mem>>) src(%dma_wait3A_25 : memref<10000x128xf32, #tpu.memory_space<hbm>>) dst(%arg9 : memref<80x128xf32, #tpu.memory_space<vmem>>)
        tpu.yield
      }) : () -> ()
      "tpu.region"() ({
        %run_scoped3A = tpu.sem_alloc : memref<!tpu.dma_semaphore, #tpu.memory_space<semaphore_mem>>
        %dma_start3A = arith.constant 0 : i32
        %dma_start3A_22 = arith.constant 0 : i32
        %dma_start3A_23 = tpu.memref_slice %arg3[%dma_start3A, %dma_start3A_22] : memref<10000x128xf32, #tpu.memory_space<hbm>> -> memref<10000x128xf32, #tpu.memory_space<hbm>>
        tpu.enqueue_indirect_dma source(%dma_start3A_23 : memref<10000x128xf32, #tpu.memory_space<hbm>>) target(%arg10 : memref<80x128xf32, #tpu.memory_space<vmem>>) offsets(%arg8 : memref<80xi32, #tpu.memory_space<vmem>>) semaphore(%run_scoped3A : memref<!tpu.dma_semaphore, #tpu.memory_space<semaphore_mem>>)
        %dma_wait3A = arith.constant 0 : i32
        %dma_wait3A_24 = arith.constant 0 : i32
        %dma_wait3A_25 = tpu.memref_slice %arg3[%dma_wait3A, %dma_wait3A_24] : memref<10000x128xf32, #tpu.memory_space<hbm>> -> memref<10000x128xf32, #tpu.memory_space<hbm>>
        tpu.wait_indirect_dma semaphore(%run_scoped3A : memref<!tpu.dma_semaphore, #tpu.memory_space<semaphore_mem>>) src(%dma_wait3A_25 : memref<10000x128xf32, #tpu.memory_space<hbm>>) dst(%arg10 : memref<80x128xf32, #tpu.memory_space<vmem>>)
        tpu.yield
      }) : () -> ()
      %scan3A_14 = arith.constant 0 : i32
      %scan3A_15 = arith.constant 0 : i32
      %scan3A_16 = arith.constant 80 : i32
      %scan3A_17 = arith.addi %scan3A_15, %scan3A_16 : i32
      %scan3A_18 = arith.constant 2 : i32
      %scan3A_19 = scf.for %scan3A_22 = %scan3A_15 to %scan3A_17 step %scan3A_18 iter_args(%scan3A_23 = %scan3A_14) -> (i32)  : i32 {
        %get3A = arith.index_cast %scan3A_22 : i32 to index
        %get3A_24 = arith.constant 0 : index
        %get3A_25 = tpu.vector_load %arg9[%get3A, %get3A_24] {strides = array<i32>} : memref<80x128xf32, #tpu.memory_space<vmem>>, vector<1x16xf32>,
        %get3A_26 = vector.shape_cast %get3A_25 : vector<1x16xf32> to vector<16xf32>
        %get3A_27 = arith.index_cast %scan3A_22 : i32 to index
        %get3A_28 = arith.constant 0 : index
        %get3A_29 = tpu.vector_load %arg10[%get3A_27, %get3A_28] {strides = array<i32>} : memref<80x128xf32, #tpu.memory_space<vmem>>, vector<1x16xf32>,
        %get3A_30 = vector.shape_cast %get3A_29 : vector<1x16xf32> to vector<16xf32>
        %add3A_31 = arith.addf %get3A_26, %get3A_30 : vector<16xf32>
        %swap3A = arith.index_cast %scan3A_22 : i32 to index
        %swap3A_32 = arith.constant 0 : index
        %swap3A_33 = tpu.vector_load %arg9[%swap3A, %swap3A_32] {strides = array<i32>} : memref<80x128xf32, #tpu.memory_space<vmem>>, vector<1x16xf32>,
        %swap3A_34 = vector.shape_cast %swap3A_33 : vector<1x16xf32> to vector<16xf32>
        %swap3A_35 = vector.shape_cast %add3A_31 : vector<16xf32> to vector<1x16xf32>
        tpu.vector_store %arg9[%swap3A, %swap3A_32], %swap3A_35 {strides = array<i32>} : memref<80x128xf32, #tpu.memory_space<vmem>>, vector<1x16xf32>,
        %get3A_36 = arith.index_cast %scan3A_22 : i32 to index
        %get3A_37 = arith.constant 16 : index
        %get3A_38 = tpu.vector_load %arg9[%get3A_36, %get3A_37] {strides = array<i32>} : memref<80x128xf32, #tpu.memory_space<vmem>>, vector<1x16xf32>,
        %get3A_39 = vector.shape_cast %get3A_38 : vector<1x16xf32> to vector<16xf32>
        %get3A_40 = arith.index_cast %scan3A_22 : i32 to index
        %get3A_41 = arith.constant 16 : index
        %get3A_42 = tpu.vector_load %arg10[%get3A_40, %get3A_41] {strides = array<i32>} : memref<80x128xf32, #tpu.memory_space<vmem>>, vector<1x16xf32>,
        %get3A_43 = vector.shape_cast %get3A_42 : vector<1x16xf32> to vector<16xf32>
        %add3A_44 = arith.addf %get3A_39, %get3A_43 : vector<16xf32>
        %swap3A_45 = arith.index_cast %scan3A_22 : i32 to index
        %swap3A_46 = arith.constant 16 : index
        %swap3A_47 = tpu.vector_load %arg9[%swap3A_45, %swap3A_46] {strides = array<i32>} : memref<80x128xf32, #tpu.memory_space<vmem>>, vector<1x16xf32>,
        %swap3A_48 = vector.shape_cast %swap3A_47 : vector<1x16xf32> to vector<16xf32>
        %swap3A_49 = vector.shape_cast %add3A_44 : vector<16xf32> to vector<1x16xf32>
        tpu.vector_store %arg9[%swap3A_45, %swap3A_46], %swap3A_49 {strides = array<i32>} : memref<80x128xf32, #tpu.memory_space<vmem>>, vector<1x16xf32>,
        %get3A_50 = arith.index_cast %scan3A_22 : i32 to index
        %get3A_51 = arith.constant 32 : index
        %get3A_52 = tpu.vector_load %arg9[%get3A_50, %get3A_51] {strides = array<i32>} : memref<80x128xf32, #tpu.memory_space<vmem>>, vector<1x16xf32>,
        %get3A_53 = vector.shape_cast %get3A_52 : vector<1x16xf32> to vector<16xf32>
        %get3A_54 = arith.index_cast %scan3A_22 : i32 to index
        %get3A_55 = arith.constant 32 : index
        %get3A_56 = tpu.vector_load %arg10[%get3A_54, %get3A_55] {strides = array<i32>} : memref<80x128xf32, #tpu.memory_space<vmem>>, vector<1x16xf32>,
        %get3A_57 = vector.shape_cast %get3A_56 : vector<1x16xf32> to vector<16xf32>
        %add3A_58 = arith.addf %get3A_53, %get3A_57 : vector<16xf32>
        %swap3A_59 = arith.index_cast %scan3A_22 : i32 to index
        %swap3A_60 = arith.constant 32 : index
        %swap3A_61 = tpu.vector_load %arg9[%swap3A_59, %swap3A_60] {strides = array<i32>} : memref<80x128xf32, #tpu.memory_space<vmem>>, vector<1x16xf32>,
        %swap3A_62 = vector.shape_cast %swap3A_61 : vector<1x16xf32> to vector<16xf32>
        %swap3A_63 = vector.shape_cast %add3A_58 : vector<16xf32> to vector<1x16xf32>
        tpu.vector_store %arg9[%swap3A_59, %swap3A_60], %swap3A_63 {strides = array<i32>} : memref<80x128xf32, #tpu.memory_space<vmem>>, vector<1x16xf32>,
        %get3A_64 = arith.index_cast %scan3A_22 : i32 to index
        %get3A_65 = arith.constant 48 : index
        %get3A_66 = tpu.vector_load %arg9[%get3A_64, %get3A_65] {strides = array<i32>} : memref<80x128xf32, #tpu.memory_space<vmem>>, vector<1x16xf32>,
        %get3A_67 = vector.shape_cast %get3A_66 : vector<1x16xf32> to vector<16xf32>
        %get3A_68 = arith.index_cast %scan3A_22 : i32 to index
        %get3A_69 = arith.constant 48 : index
        %get3A_70 = tpu.vector_load %arg10[%get3A_68, %get3A_69] {strides = array<i32>} : memref<80x128xf32, #tpu.memory_space<vmem>>, vector<1x16xf32>,
        %get3A_71 = vector.shape_cast %get3A_70 : vector<1x16xf32> to vector<16xf32>
        %add3A_72 = arith.addf %get3A_67, %get3A_71 : vector<16xf32>
        %swap3A_73 = arith.index_cast %scan3A_22 : i32 to index
        %swap3A_74 = arith.constant 48 : index
        %swap3A_75 = tpu.vector_load %arg9[%swap3A_73, %swap3A_74] {strides = array<i32>} : memref<80x128xf32, #tpu.memory_space<vmem>>, vector<1x16xf32>,
        %swap3A_76 = vector.shape_cast %swap3A_75 : vector<1x16xf32> to vector<16xf32>
        %swap3A_77 = vector.shape_cast %add3A_72 : vector<16xf32> to vector<1x16xf32>
        tpu.vector_store %arg9[%swap3A_73, %swap3A_74], %swap3A_77 {strides = array<i32>} : memref<80x128xf32, #tpu.memory_space<vmem>>, vector<1x16xf32>,
        %get3A_78 = arith.index_cast %scan3A_22 : i32 to index
        %get3A_79 = arith.constant 64 : index
        %get3A_80 = tpu.vector_load %arg9[%get3A_78, %get3A_79] {strides = array<i32>} : memref<80x128xf32, #tpu.memory_space<vmem>>, vector<1x16xf32>,
        %get3A_81 = vector.shape_cast %get3A_80 : vector<1x16xf32> to vector<16xf32>
        %get3A_82 = arith.index_cast %scan3A_22 : i32 to index
        %get3A_83 = arith.constant 64 : index
        %get3A_84 = tpu.vector_load %arg10[%get3A_82, %get3A_83] {strides = array<i32>} : memref<80x128xf32, #tpu.memory_space<vmem>>, vector<1x16xf32>,
        %get3A_85 = vector.shape_cast %get3A_84 : vector<1x16xf32> to vector<16xf32>
        %add3A_86 = arith.addf %get3A_81, %get3A_85 : vector<16xf32>
        %swap3A_87 = arith.index_cast %scan3A_22 : i32 to index
        %swap3A_88 = arith.constant 64 : index
        %swap3A_89 = tpu.vector_load %arg9[%swap3A_87, %swap3A_88] {strides = array<i32>} : memref<80x128xf32, #tpu.memory_space<vmem>>, vector<1x16xf32>,
        %swap3A_90 = vector.shape_cast %swap3A_89 : vector<1x16xf32> to vector<16xf32>
        %swap3A_91 = vector.shape_cast %add3A_86 : vector<16xf32> to vector<1x16xf32>
        tpu.vector_store %arg9[%swap3A_87, %swap3A_88], %swap3A_91 {strides = array<i32>} : memref<80x128xf32, #tpu.memory_space<vmem>>, vector<1x16xf32>,
        %get3A_92 = arith.index_cast %scan3A_22 : i32 to index
        %get3A_93 = arith.constant 80 : index
        %get3A_94 = tpu.vector_load %arg9[%get3A_92, %get3A_93] {strides = array<i32>} : memref<80x128xf32, #tpu.memory_space<vmem>>, vector<1x16xf32>,
        %get3A_95 = vector.shape_cast %get3A_94 : vector<1x16xf32> to vector<16xf32>
        %get3A_96 = arith.index_cast %scan3A_22 : i32 to index
        %get3A_97 = arith.constant 80 : index
        %get3A_98 = tpu.vector_load %arg10[%get3A_96, %get3A_97] {strides = array<i32>} : memref<80x128xf32, #tpu.memory_space<vmem>>, vector<1x16xf32>,
        %get3A_99 = vector.shape_cast %get3A_98 : vector<1x16xf32> to vector<16xf32>
        %add3A_100 = arith.addf %get3A_95, %get3A_99 : vector<16xf32>
        %swap3A_101 = arith.index_cast %scan3A_22 : i32 to index
        %swap3A_102 = arith.constant 80 : index
        %swap3A_103 = tpu.vector_load %arg9[%swap3A_101, %swap3A_102] {strides = array<i32>} : memref<80x128xf32, #tpu.memory_space<vmem>>, vector<1x16xf32>,
        %swap3A_104 = vector.shape_cast %swap3A_103 : vector<1x16xf32> to vector<16xf32>
        %swap3A_105 = vector.shape_cast %add3A_100 : vector<16xf32> to vector<1x16xf32>
        tpu.vector_store %arg9[%swap3A_101, %swap3A_102], %swap3A_105 {strides = array<i32>} : memref<80x128xf32, #tpu.memory_space<vmem>>, vector<1x16xf32>,
        %get3A_106 = arith.index_cast %scan3A_22 : i32 to index
        %get3A_107 = arith.constant 96 : index
        %get3A_108 = tpu.vector_load %arg9[%get3A_106, %get3A_107] {strides = array<i32>} : memref<80x128xf32, #tpu.memory_space<vmem>>, vector<1x16xf32>,
        %get3A_109 = vector.shape_cast %get3A_108 : vector<1x16xf32> to vector<16xf32>
        %get3A_110 = arith.index_cast %scan3A_22 : i32 to index
        %get3A_111 = arith.constant 96 : index
        %get3A_112 = tpu.vector_load %arg10[%get3A_110, %get3A_111] {strides = array<i32>} : memref<80x128xf32, #tpu.memory_space<vmem>>, vector<1x16xf32>,
        %get3A_113 = vector.shape_cast %get3A_112 : vector<1x16xf32> to vector<16xf32>
        %add3A_114 = arith.addf %get3A_109, %get3A_113 : vector<16xf32>
        %swap3A_115 = arith.index_cast %scan3A_22 : i32 to index
        %swap3A_116 = arith.constant 96 : index
        %swap3A_117 = tpu.vector_load %arg9[%swap3A_115, %swap3A_116] {strides = array<i32>} : memref<80x128xf32, #tpu.memory_space<vmem>>, vector<1x16xf32>,
        %swap3A_118 = vector.shape_cast %swap3A_117 : vector<1x16xf32> to vector<16xf32>
        %swap3A_119 = vector.shape_cast %add3A_114 : vector<16xf32> to vector<1x16xf32>
        tpu.vector_store %arg9[%swap3A_115, %swap3A_116], %swap3A_119 {strides = array<i32>} : memref<80x128xf32, #tpu.memory_space<vmem>>, vector<1x16xf32>,
        %get3A_120 = arith.index_cast %scan3A_22 : i32 to index
        %get3A_121 = arith.constant 112 : index
        %get3A_122 = tpu.vector_load %arg9[%get3A_120, %get3A_121] {strides = array<i32>} : memref<80x128xf32, #tpu.memory_space<vmem>>, vector<1x16xf32>,
        %get3A_123 = vector.shape_cast %get3A_122 : vector<1x16xf32> to vector<16xf32>
        %get3A_124 = arith.index_cast %scan3A_22 : i32 to index
        %get3A_125 = arith.constant 112 : index
        %get3A_126 = tpu.vector_load %arg10[%get3A_124, %get3A_125] {strides = array<i32>} : memref<80x128xf32, #tpu.memory_space<vmem>>, vector<1x16xf32>,
        %get3A_127 = vector.shape_cast %get3A_126 : vector<1x16xf32> to vector<16xf32>
        %add3A_128 = arith.addf %get3A_123, %get3A_127 : vector<16xf32>
        %swap3A_129 = arith.index_cast %scan3A_22 : i32 to index
        %swap3A_130 = arith.constant 112 : index
        %swap3A_131 = tpu.vector_load %arg9[%swap3A_129, %swap3A_130] {strides = array<i32>} : memref<80x128xf32, #tpu.memory_space<vmem>>, vector<1x16xf32>,
        %swap3A_132 = vector.shape_cast %swap3A_131 : vector<1x16xf32> to vector<16xf32>
        %swap3A_133 = vector.shape_cast %add3A_128 : vector<16xf32> to vector<1x16xf32>
        tpu.vector_store %arg9[%swap3A_129, %swap3A_130], %swap3A_133 {strides = array<i32>} : memref<80x128xf32, #tpu.memory_space<vmem>>, vector<1x16xf32>,
        %scan3A_134 = arith.constant 0 : i32
        %scan3A_135 = arith.constant 1 : i32
        %scan3A_136 = arith.addi %scan3A_22, %scan3A_135 : i32
        %get3A_137 = arith.index_cast %scan3A_136 : i32 to index
        %get3A_138 = arith.constant 0 : index
        %get3A_139 = tpu.vector_load %arg9[%get3A_137, %get3A_138] {strides = array<i32>} : memref<80x128xf32, #tpu.memory_space<vmem>>, vector<1x16xf32>,
        %get3A_140 = vector.shape_cast %get3A_139 : vector<1x16xf32> to vector<16xf32>
        %get3A_141 = arith.index_cast %scan3A_136 : i32 to index
        %get3A_142 = arith.constant 0 : index
        %get3A_143 = tpu.vector_load %arg10[%get3A_141, %get3A_142] {strides = array<i32>} : memref<80x128xf32, #tpu.memory_space<vmem>>, vector<1x16xf32>,
        %get3A_144 = vector.shape_cast %get3A_143 : vector<1x16xf32> to vector<16xf32>
        %add3A_145 = arith.addf %get3A_140, %get3A_144 : vector<16xf32>
        %swap3A_146 = arith.index_cast %scan3A_136 : i32 to index
        %swap3A_147 = arith.constant 0 : index
        %swap3A_148 = tpu.vector_load %arg9[%swap3A_146, %swap3A_147] {strides = array<i32>} : memref<80x128xf32, #tpu.memory_space<vmem>>, vector<1x16xf32>,
        %swap3A_149 = vector.shape_cast %swap3A_148 : vector<1x16xf32> to vector<16xf32>
        %swap3A_150 = vector.shape_cast %add3A_145 : vector<16xf32> to vector<1x16xf32>
        tpu.vector_store %arg9[%swap3A_146, %swap3A_147], %swap3A_150 {strides = array<i32>} : memref<80x128xf32, #tpu.memory_space<vmem>>, vector<1x16xf32>,
        %get3A_151 = arith.index_cast %scan3A_136 : i32 to index
        %get3A_152 = arith.constant 16 : index
        %get3A_153 = tpu.vector_load %arg9[%get3A_151, %get3A_152] {strides = array<i32>} : memref<80x128xf32, #tpu.memory_space<vmem>>, vector<1x16xf32>,
        %get3A_154 = vector.shape_cast %get3A_153 : vector<1x16xf32> to vector<16xf32>
        %get3A_155 = arith.index_cast %scan3A_136 : i32 to index
        %get3A_156 = arith.constant 16 : index
        %get3A_157 = tpu.vector_load %arg10[%get3A_155, %get3A_156] {strides = array<i32>} : memref<80x128xf32, #tpu.memory_space<vmem>>, vector<1x16xf32>,
        %get3A_158 = vector.shape_cast %get3A_157 : vector<1x16xf32> to vector<16xf32>
        %add3A_159 = arith.addf %get3A_154, %get3A_158 : vector<16xf32>
        %swap3A_160 = arith.index_cast %scan3A_136 : i32 to index
        %swap3A_161 = arith.constant 16 : index
        %swap3A_162 = tpu.vector_load %arg9[%swap3A_160, %swap3A_161] {strides = array<i32>} : memref<80x128xf32, #tpu.memory_space<vmem>>, vector<1x16xf32>,
        %swap3A_163 = vector.shape_cast %swap3A_162 : vector<1x16xf32> to vector<16xf32>
        %swap3A_164 = vector.shape_cast %add3A_159 : vector<16xf32> to vector<1x16xf32>
        tpu.vector_store %arg9[%swap3A_160, %swap3A_161], %swap3A_164 {strides = array<i32>} : memref<80x128xf32, #tpu.memory_space<vmem>>, vector<1x16xf32>,
        %get3A_165 = arith.index_cast %scan3A_136 : i32 to index
        %get3A_166 = arith.constant 32 : index
        %get3A_167 = tpu.vector_load %arg9[%get3A_165, %get3A_166] {strides = array<i32>} : memref<80x128xf32, #tpu.memory_space<vmem>>, vector<1x16xf32>,
        %get3A_168 = vector.shape_cast %get3A_167 : vector<1x16xf32> to vector<16xf32>
        %get3A_169 = arith.index_cast %scan3A_136 : i32 to index
        %get3A_170 = arith.constant 32 : index
        %get3A_171 = tpu.vector_load %arg10[%get3A_169, %get3A_170] {strides = array<i32>} : memref<80x128xf32, #tpu.memory_space<vmem>>, vector<1x16xf32>,
        %get3A_172 = vector.shape_cast %get3A_171 : vector<1x16xf32> to vector<16xf32>
        %add3A_173 = arith.addf %get3A_168, %get3A_172 : vector<16xf32>
        %swap3A_174 = arith.index_cast %scan3A_136 : i32 to index
        %swap3A_175 = arith.constant 32 : index
        %swap3A_176 = tpu.vector_load %arg9[%swap3A_174, %swap3A_175] {strides = array<i32>} : memref<80x128xf32, #tpu.memory_space<vmem>>, vector<1x16xf32>,
        %swap3A_177 = vector.shape_cast %swap3A_176 : vector<1x16xf32> to vector<16xf32>
        %swap3A_178 = vector.shape_cast %add3A_173 : vector<16xf32> to vector<1x16xf32>
        tpu.vector_store %arg9[%swap3A_174, %swap3A_175], %swap3A_178 {strides = array<i32>} : memref<80x128xf32, #tpu.memory_space<vmem>>, vector<1x16xf32>,
        %get3A_179 = arith.index_cast %scan3A_136 : i32 to index
        %get3A_180 = arith.constant 48 : index
        %get3A_181 = tpu.vector_load %arg9[%get3A_179, %get3A_180] {strides = array<i32>} : memref<80x128xf32, #tpu.memory_space<vmem>>, vector<1x16xf32>,
        %get3A_182 = vector.shape_cast %get3A_181 : vector<1x16xf32> to vector<16xf32>
        %get3A_183 = arith.index_cast %scan3A_136 : i32 to index
        %get3A_184 = arith.constant 48 : index
        %get3A_185 = tpu.vector_load %arg10[%get3A_183, %get3A_184] {strides = array<i32>} : memref<80x128xf32, #tpu.memory_space<vmem>>, vector<1x16xf32>,
        %get3A_186 = vector.shape_cast %get3A_185 : vector<1x16xf32> to vector<16xf32>
        %add3A_187 = arith.addf %get3A_182, %get3A_186 : vector<16xf32>
        %swap3A_188 = arith.index_cast %scan3A_136 : i32 to index
        %swap3A_189 = arith.constant 48 : index
        %swap3A_190 = tpu.vector_load %arg9[%swap3A_188, %swap3A_189] {strides = array<i32>} : memref<80x128xf32, #tpu.memory_space<vmem>>, vector<1x16xf32>,
        %swap3A_191 = vector.shape_cast %swap3A_190 : vector<1x16xf32> to vector<16xf32>
        %swap3A_192 = vector.shape_cast %add3A_187 : vector<16xf32> to vector<1x16xf32>
        tpu.vector_store %arg9[%swap3A_188, %swap3A_189], %swap3A_192 {strides = array<i32>} : memref<80x128xf32, #tpu.memory_space<vmem>>, vector<1x16xf32>,
        %get3A_193 = arith.index_cast %scan3A_136 : i32 to index
        %get3A_194 = arith.constant 64 : index
        %get3A_195 = tpu.vector_load %arg9[%get3A_193, %get3A_194] {strides = array<i32>} : memref<80x128xf32, #tpu.memory_space<vmem>>, vector<1x16xf32>,
        %get3A_196 = vector.shape_cast %get3A_195 : vector<1x16xf32> to vector<16xf32>
        %get3A_197 = arith.index_cast %scan3A_136 : i32 to index
        %get3A_198 = arith.constant 64 : index
        %get3A_199 = tpu.vector_load %arg10[%get3A_197, %get3A_198] {strides = array<i32>} : memref<80x128xf32, #tpu.memory_space<vmem>>, vector<1x16xf32>,
        %get3A_200 = vector.shape_cast %get3A_199 : vector<1x16xf32> to vector<16xf32>
        %add3A_201 = arith.addf %get3A_196, %get3A_200 : vector<16xf32>
        %swap3A_202 = arith.index_cast %scan3A_136 : i32 to index
        %swap3A_203 = arith.constant 64 : index
        %swap3A_204 = tpu.vector_load %arg9[%swap3A_202, %swap3A_203] {strides = array<i32>} : memref<80x128xf32, #tpu.memory_space<vmem>>, vector<1x16xf32>,
        %swap3A_205 = vector.shape_cast %swap3A_204 : vector<1x16xf32> to vector<16xf32>
        %swap3A_206 = vector.shape_cast %add3A_201 : vector<16xf32> to vector<1x16xf32>
        tpu.vector_store %arg9[%swap3A_202, %swap3A_203], %swap3A_206 {strides = array<i32>} : memref<80x128xf32, #tpu.memory_space<vmem>>, vector<1x16xf32>,
        %get3A_207 = arith.index_cast %scan3A_136 : i32 to index
        %get3A_208 = arith.constant 80 : index
        %get3A_209 = tpu.vector_load %arg9[%get3A_207, %get3A_208] {strides = array<i32>} : memref<80x128xf32, #tpu.memory_space<vmem>>, vector<1x16xf32>,
        %get3A_210 = vector.shape_cast %get3A_209 : vector<1x16xf32> to vector<16xf32>
        %get3A_211 = arith.index_cast %scan3A_136 : i32 to index
        %get3A_212 = arith.constant 80 : index
        %get3A_213 = tpu.vector_load %arg10[%get3A_211, %get3A_212] {strides = array<i32>} : memref<80x128xf32, #tpu.memory_space<vmem>>, vector<1x16xf32>,
        %get3A_214 = vector.shape_cast %get3A_213 : vector<1x16xf32> to vector<16xf32>
        %add3A_215 = arith.addf %get3A_210, %get3A_214 : vector<16xf32>
        %swap3A_216 = arith.index_cast %scan3A_136 : i32 to index
        %swap3A_217 = arith.constant 80 : index
        %swap3A_218 = tpu.vector_load %arg9[%swap3A_216, %swap3A_217] {strides = array<i32>} : memref<80x128xf32, #tpu.memory_space<vmem>>, vector<1x16xf32>,
        %swap3A_219 = vector.shape_cast %swap3A_218 : vector<1x16xf32> to vector<16xf32>
        %swap3A_220 = vector.shape_cast %add3A_215 : vector<16xf32> to vector<1x16xf32>
        tpu.vector_store %arg9[%swap3A_216, %swap3A_217], %swap3A_220 {strides = array<i32>} : memref<80x128xf32, #tpu.memory_space<vmem>>, vector<1x16xf32>,
        %get3A_221 = arith.index_cast %scan3A_136 : i32 to index
        %get3A_222 = arith.constant 96 : index
        %get3A_223 = tpu.vector_load %arg9[%get3A_221, %get3A_222] {strides = array<i32>} : memref<80x128xf32, #tpu.memory_space<vmem>>, vector<1x16xf32>,
        %get3A_224 = vector.shape_cast %get3A_223 : vector<1x16xf32> to vector<16xf32>
        %get3A_225 = arith.index_cast %scan3A_136 : i32 to index
        %get3A_226 = arith.constant 96 : index
        %get3A_227 = tpu.vector_load %arg10[%get3A_225, %get3A_226] {strides = array<i32>} : memref<80x128xf32, #tpu.memory_space<vmem>>, vector<1x16xf32>,
        %get3A_228 = vector.shape_cast %get3A_227 : vector<1x16xf32> to vector<16xf32>
        %add3A_229 = arith.addf %get3A_224, %get3A_228 : vector<16xf32>
        %swap3A_230 = arith.index_cast %scan3A_136 : i32 to index
        %swap3A_231 = arith.constant 96 : index
        %swap3A_232 = tpu.vector_load %arg9[%swap3A_230, %swap3A_231] {strides = array<i32>} : memref<80x128xf32, #tpu.memory_space<vmem>>, vector<1x16xf32>,
        %swap3A_233 = vector.shape_cast %swap3A_232 : vector<1x16xf32> to vector<16xf32>
        %swap3A_234 = vector.shape_cast %add3A_229 : vector<16xf32> to vector<1x16xf32>
        tpu.vector_store %arg9[%swap3A_230, %swap3A_231], %swap3A_234 {strides = array<i32>} : memref<80x128xf32, #tpu.memory_space<vmem>>, vector<1x16xf32>,
        %get3A_235 = arith.index_cast %scan3A_136 : i32 to index
        %get3A_236 = arith.constant 112 : index
        %get3A_237 = tpu.vector_load %arg9[%get3A_235, %get3A_236] {strides = array<i32>} : memref<80x128xf32, #tpu.memory_space<vmem>>, vector<1x16xf32>,
        %get3A_238 = vector.shape_cast %get3A_237 : vector<1x16xf32> to vector<16xf32>
        %get3A_239 = arith.index_cast %scan3A_136 : i32 to index
        %get3A_240 = arith.constant 112 : index
        %get3A_241 = tpu.vector_load %arg10[%get3A_239, %get3A_240] {strides = array<i32>} : memref<80x128xf32, #tpu.memory_space<vmem>>, vector<1x16xf32>,
        %get3A_242 = vector.shape_cast %get3A_241 : vector<1x16xf32> to vector<16xf32>
        %add3A_243 = arith.addf %get3A_238, %get3A_242 : vector<16xf32>
        %swap3A_244 = arith.index_cast %scan3A_136 : i32 to index
        %swap3A_245 = arith.constant 112 : index
        %swap3A_246 = tpu.vector_load %arg9[%swap3A_244, %swap3A_245] {strides = array<i32>} : memref<80x128xf32, #tpu.memory_space<vmem>>, vector<1x16xf32>,
        %swap3A_247 = vector.shape_cast %swap3A_246 : vector<1x16xf32> to vector<16xf32>
        %swap3A_248 = vector.shape_cast %add3A_243 : vector<16xf32> to vector<1x16xf32>
        tpu.vector_store %arg9[%swap3A_244, %swap3A_245], %swap3A_248 {strides = array<i32>} : memref<80x128xf32, #tpu.memory_space<vmem>>, vector<1x16xf32>,
        %scan3A_249 = arith.constant 0 : i32
        scf.yield %scan3A_249 : i32
      }
      %scan3A_20 = arith.constant 80 : i32
      "tpu.region"() ({
        %run_scoped3A = tpu.sem_alloc : memref<!tpu.dma_semaphore, #tpu.memory_space<semaphore_mem>>
        %dma_start3A = arith.constant 0 : i32
        %dma_start3A_22 = tpu.memref_slice %arg6[%add3A_13, %dma_start3A] : memref<320000x128xf32, #tpu.memory_space<hbm>> -> memref<80x128xf32, #tpu.memory_space<hbm>>
        %dma_start3A_23 = arith.constant 0 : i32
        %dma_start3A_24 = tpu.memref_slice %arg6[%add3A_13, %dma_start3A_23] : memref<320000x128xf32, #tpu.memory_space<hbm>> -> memref<80x128xf32, #tpu.memory_space<hbm>>
        tpu.enqueue_dma source(%arg9 : memref<80x128xf32, #tpu.memory_space<vmem>>) target(%dma_start3A_24 : memref<80x128xf32, #tpu.memory_space<hbm>>) target_semaphore(%run_scoped3A : memref<!tpu.dma_semaphore, #tpu.memory_space<semaphore_mem>>)
        %dma_wait3A = arith.constant 0 : i32
        %dma_wait3A_25 = tpu.memref_slice %arg6[%add3A_13, %dma_wait3A] : memref<320000x128xf32, #tpu.memory_space<hbm>> -> memref<80x128xf32, #tpu.memory_space<hbm>>
        %dma_wait3A_26 = arith.constant 0 : i32
        %dma_wait3A_27 = tpu.memref_slice %arg6[%add3A_13, %dma_wait3A_26] : memref<320000x128xf32, #tpu.memory_space<hbm>> -> memref<80x128xf32, #tpu.memory_space<hbm>>
        tpu.wait_dma2 semaphore(%run_scoped3A : memref<!tpu.dma_semaphore, #tpu.memory_space<semaphore_mem>>) src(%arg9 : memref<80x128xf32, #tpu.memory_space<vmem>>) dst(%dma_wait3A_27 : memref<80x128xf32, #tpu.memory_space<hbm>>)
        tpu.yield
      }) : () -> ()
      %scan3A_21 = arith.constant 0 : i32
      scf.yield %scan3A_21 : i32
    }
    %scan3A_6 = arith.constant 125 : i32
    return
  }
}

module attributes {stable_mosaic.version = 14 : i64} {
  func.func @_n1_body(%arg0: i32, %arg1: memref<2000x128xf32, #tpu.memory_space<vmem>>, %arg2: memref<2000x128xf32, #tpu.memory_space<vmem>>, %arg3: memref<128x768xf32, #tpu.memory_space<vmem>>, %arg4: memref<1x768xf32, #tpu.memory_space<vmem>>, %arg5: memref<128x384xf32, #tpu.memory_space<vmem>>, %arg6: memref<2000x768xf32, #tpu.memory_space<vmem>>, %arg7: memref<2000x128xf32, #tpu.memory_space<vmem>>, %arg8: memref<2000x128xf32, #tpu.memory_space<vmem>>, %arg9: memref<2000x128xf32, #tpu.memory_space<vmem>>) attributes {dimension_semantics = [#tpu.dimension_semantics<arbitrary>], iteration_bounds = array<i64: 5>, scalar_prefetch = 0 : i64, scratch_operands = 0 : i64, tpu.core_type = #tpu.core_type<tc>, window_params = [{transform_indices = @transform_0, window_bounds = array<i64: 2000, 128>}, {transform_indices = @transform_1, window_bounds = array<i64: 2000, 128>}, {pipeline_mode = #tpu.pipeline_mode<synchronous>, transform_indices = @transform_2, window_bounds = array<i64: 128, 768>}, {pipeline_mode = #tpu.pipeline_mode<synchronous>, transform_indices = @transform_3, window_bounds = array<i64: 1, 768>}, {pipeline_mode = #tpu.pipeline_mode<synchronous>, transform_indices = @transform_4, window_bounds = array<i64: 128, 384>}, {transform_indices = @transform_5, window_bounds = array<i64: 2000, 768>}, {transform_indices = @transform_6, window_bounds = array<i64: 2000, 128>}, {transform_indices = @transform_7, window_bounds = array<i64: 2000, 128>}, {transform_indices = @transform_8, window_bounds = array<i64: 2000, 128>}]} {
    %get3A = arith.constant 0 : index
    %get3A_0 = arith.constant 0 : index
    %get3A_1 = vector.load %arg2[%get3A, %get3A_0] : memref<2000x128xf32, #tpu.memory_space<vmem>>, vector<2000x128xf32>
    %logistic3A = arith.negf %get3A_1 : vector<2000x128xf32>
    %logistic3A_2 = math.exp %logistic3A : vector<2000x128xf32>
    %logistic3A_3 = arith.constant 1.000000e+00 : f32
    %logistic3A_4 = vector.broadcast %logistic3A_3 : f32 to vector<2000x128xf32>
    %logistic3A_5 = arith.addf %logistic3A_4, %logistic3A_2 : vector<2000x128xf32>
    %logistic3A_6 = arith.divf %logistic3A_4, %logistic3A_5 : vector<2000x128xf32>
    %mul3A = arith.mulf %get3A_1, %logistic3A_6 : vector<2000x128xf32>
    %get3A_7 = arith.constant 0 : index
    %get3A_8 = arith.constant 0 : index
    %get3A_9 = vector.load %arg3[%get3A_7, %get3A_8] : memref<128x768xf32, #tpu.memory_space<vmem>>, vector<128x768xf32>
    %dot_general3A = arith.constant dense<0.000000e+00> : vector<2000x768xf32>
    %dot_general3A_10 = tpu.matmul %mul3A, %get3A_9, %dot_general3A {dimension_numbers = #tpu.dot_dimension_numbers<[1], [0], [0], [1], [0, 0, 1, 1], [], []>, transpose_lhs_hint = false} : vector<2000x128xf32>, vector<128x768xf32>, vector<2000x768xf32> -> vector<2000x768xf32>
    %get3A_11 = arith.constant 0 : index
    %get3A_12 = arith.constant 0 : index
    %get3A_13 = vector.load %arg4[%get3A_11, %get3A_12] : memref<1x768xf32, #tpu.memory_space<vmem>>, vector<1x768xf32>
    %add3A = vector.broadcast %get3A_13 : vector<1x768xf32> to vector<2000x768xf32>
    %add3A_14 = arith.addf %dot_general3A_10, %add3A : vector<2000x768xf32>
    %swap3A = arith.constant 0 : index
    %swap3A_15 = arith.constant 0 : index
    %swap3A_16 = vector.load %arg6[%swap3A, %swap3A_15] : memref<2000x768xf32, #tpu.memory_space<vmem>>, vector<2000x768xf32>
    tpu.vector_store %arg6[%swap3A, %swap3A_15], %add3A_14 {strides = array<i32>} : memref<2000x768xf32, #tpu.memory_space<vmem>>, vector<2000x768xf32>,
    %slice3A = vector.extract_strided_slice %add3A_14 {offsets = [0, 0], sizes = [2000, 128], strides = [1, 1]} : vector<2000x768xf32> to vector<2000x128xf32>
    %slice3A_17 = vector.extract_strided_slice %add3A_14 {offsets = [0, 128], sizes = [2000, 128], strides = [1, 1]} : vector<2000x768xf32> to vector<2000x128xf32>
    %get3A_18 = arith.constant 0 : index
    %get3A_19 = arith.constant 0 : index
    %get3A_20 = vector.load %arg1[%get3A_18, %get3A_19] : memref<2000x128xf32, #tpu.memory_space<vmem>>, vector<2000x128xf32>
    %reduce_sum3A = arith.constant dense<0.000000e+00> : vector<2000xf32>
    %reduce_sum3A_21 = vector.multi_reduction <add>, %get3A_20, %reduce_sum3A [1] : vector<2000x128xf32> to vector<2000xf32>
    %broadcast_in_dim3A = vector.shape_cast %reduce_sum3A_21 : vector<2000xf32> to vector<2000x1xf32>
    %div3A = arith.constant 1.280000e+02 : f32
    %div3A_22 = vector.broadcast %div3A : f32 to vector<2000x1xf32>
    %div3A_23 = arith.divf %broadcast_in_dim3A, %div3A_22 : vector<2000x1xf32>
    %sub3A = vector.broadcast %div3A_23 : vector<2000x1xf32> to vector<2000x128xf32>
    %sub3A_24 = arith.subf %get3A_20, %sub3A : vector<2000x128xf32>
    %integer_pow3A = arith.mulf %sub3A_24, %sub3A_24 : vector<2000x128xf32>
    %reduce_sum3A_25 = arith.constant dense<0.000000e+00> : vector<2000xf32>
    %reduce_sum3A_26 = vector.multi_reduction <add>, %integer_pow3A, %reduce_sum3A_25 [1] : vector<2000x128xf32> to vector<2000xf32>
    %broadcast_in_dim3A_27 = vector.shape_cast %reduce_sum3A_26 : vector<2000xf32> to vector<2000x1xf32>
    %div3A_28 = arith.constant 1.280000e+02 : f32
    %div3A_29 = vector.broadcast %div3A_28 : f32 to vector<2000x1xf32>
    %div3A_30 = arith.divf %broadcast_in_dim3A_27, %div3A_29 : vector<2000x1xf32>
    %sub3A_31 = vector.broadcast %div3A_23 : vector<2000x1xf32> to vector<2000x128xf32>
    %sub3A_32 = arith.subf %get3A_20, %sub3A_31 : vector<2000x128xf32>
    %add3A_33 = arith.constant 9.99999997E-7 : f32
    %add3A_34 = vector.broadcast %add3A_33 : f32 to vector<2000x1xf32>
    %add3A_35 = arith.addf %div3A_30, %add3A_34 : vector<2000x1xf32>
    %rsqrt3A = math.rsqrt %add3A_35 : vector<2000x1xf32>
    %mul3A_36 = vector.broadcast %rsqrt3A : vector<2000x1xf32> to vector<2000x128xf32>
    %mul3A_37 = arith.mulf %sub3A_32, %mul3A_36 : vector<2000x128xf32>
    %add3A_38 = arith.constant 1.000000e+00 : f32
    %add3A_39 = vector.broadcast %add3A_38 : f32 to vector<2000x128xf32>
    %add3A_40 = arith.addf %add3A_39, %slice3A_17 : vector<2000x128xf32>
    %mul3A_41 = arith.mulf %mul3A_37, %add3A_40 : vector<2000x128xf32>
    %add3A_42 = arith.addf %mul3A_41, %slice3A : vector<2000x128xf32>
    %get3A_43 = arith.constant 0 : index
    %get3A_44 = arith.constant 0 : index
    %get3A_45 = vector.load %arg5[%get3A_43, %get3A_44] : memref<128x384xf32, #tpu.memory_space<vmem>>, vector<128x384xf32>
    %dot_general3A_46 = arith.constant dense<0.000000e+00> : vector<2000x384xf32>
    %dot_general3A_47 = tpu.matmul %add3A_42, %get3A_45, %dot_general3A_46 {dimension_numbers = #tpu.dot_dimension_numbers<[1], [0], [0], [1], [0, 0, 1, 1], [], []>, transpose_lhs_hint = false} : vector<2000x128xf32>, vector<128x384xf32>, vector<2000x384xf32> -> vector<2000x384xf32>
    %slice3A_48 = vector.extract_strided_slice %dot_general3A_47 {offsets = [0, 0], sizes = [2000, 128], strides = [1, 1]} : vector<2000x384xf32> to vector<2000x128xf32>
    %swap3A_49 = arith.constant 0 : index
    %swap3A_50 = arith.constant 0 : index
    %swap3A_51 = vector.load %arg7[%swap3A_49, %swap3A_50] : memref<2000x128xf32, #tpu.memory_space<vmem>>, vector<2000x128xf32>
    tpu.vector_store %arg7[%swap3A_49, %swap3A_50], %slice3A_48 {strides = array<i32>} : memref<2000x128xf32, #tpu.memory_space<vmem>>, vector<2000x128xf32>,
    %slice3A_52 = vector.extract_strided_slice %dot_general3A_47 {offsets = [0, 128], sizes = [2000, 128], strides = [1, 1]} : vector<2000x384xf32> to vector<2000x128xf32>
    %swap3A_53 = arith.constant 0 : index
    %swap3A_54 = arith.constant 0 : index
    %swap3A_55 = vector.load %arg8[%swap3A_53, %swap3A_54] : memref<2000x128xf32, #tpu.memory_space<vmem>>, vector<2000x128xf32>
    tpu.vector_store %arg8[%swap3A_53, %swap3A_54], %slice3A_52 {strides = array<i32>} : memref<2000x128xf32, #tpu.memory_space<vmem>>, vector<2000x128xf32>,
    %slice3A_56 = vector.extract_strided_slice %dot_general3A_47 {offsets = [0, 256], sizes = [2000, 128], strides = [1, 1]} : vector<2000x384xf32> to vector<2000x128xf32>
    %swap3A_57 = arith.constant 0 : index
    %swap3A_58 = arith.constant 0 : index
    %swap3A_59 = vector.load %arg9[%swap3A_57, %swap3A_58] : memref<2000x128xf32, #tpu.memory_space<vmem>>, vector<2000x128xf32>
    tpu.vector_store %arg9[%swap3A_57, %swap3A_58], %slice3A_56 {strides = array<i32>} : memref<2000x128xf32, #tpu.memory_space<vmem>>, vector<2000x128xf32>,
    return
  }
  func.func @transform_0(%arg0: i32) -> (i32, i32) {
    %c0_i32 = arith.constant 0 : i32
    %c0_i32_0 = arith.constant 0 : i32
    return %arg0, %c0_i32 : i32, i32
  }
  func.func @transform_1(%arg0: i32) -> (i32, i32) {
    %c0_i32 = arith.constant 0 : i32
    %c0_i32_0 = arith.constant 0 : i32
    return %arg0, %c0_i32 : i32, i32
  }
  func.func @transform_2(%arg0: i32) -> (i32, i32) {
    %c0_i32 = arith.constant 0 : i32
    %c0_i32_0 = arith.constant 0 : i32
    %c0_i32_1 = arith.constant 0 : i32
    return %c0_i32, %c0_i32_0 : i32, i32
  }
  func.func @transform_3(%arg0: i32) -> (i32, i32) {
    %c0_i32 = arith.constant 0 : i32
    %c0_i32_0 = arith.constant 0 : i32
    %c0_i32_1 = arith.constant 0 : i32
    return %c0_i32, %c0_i32_0 : i32, i32
  }
  func.func @transform_4(%arg0: i32) -> (i32, i32) {
    %c0_i32 = arith.constant 0 : i32
    %c0_i32_0 = arith.constant 0 : i32
    %c0_i32_1 = arith.constant 0 : i32
    return %c0_i32, %c0_i32_0 : i32, i32
  }
  func.func @transform_5(%arg0: i32) -> (i32, i32) {
    %c0_i32 = arith.constant 0 : i32
    %c0_i32_0 = arith.constant 0 : i32
    return %arg0, %c0_i32 : i32, i32
  }
  func.func @transform_6(%arg0: i32) -> (i32, i32) {
    %c0_i32 = arith.constant 0 : i32
    %c0_i32_0 = arith.constant 0 : i32
    return %arg0, %c0_i32 : i32, i32
  }
  func.func @transform_7(%arg0: i32) -> (i32, i32) {
    %c0_i32 = arith.constant 0 : i32
    %c0_i32_0 = arith.constant 0 : i32
    return %arg0, %c0_i32 : i32, i32
  }
  func.func @transform_8(%arg0: i32) -> (i32, i32) {
    %c0_i32 = arith.constant 0 : i32
    %c0_i32_0 = arith.constant 0 : i32
    return %arg0, %c0_i32 : i32, i32
  }
}

module attributes {stable_mosaic.version = 14 : i64} {
  func.func @_e1_body(%arg0: i32, %arg1: memref<2000x128xf32, #tpu.memory_space<vmem>>, %arg2: memref<2000x128xf32, #tpu.memory_space<vmem>>, %arg3: memref<2000x128xf32, #tpu.memory_space<vmem>>, %arg4: memref<2000x128xf32, #tpu.memory_space<vmem>>, %arg5: memref<128x256xf32, #tpu.memory_space<vmem>>, %arg6: memref<1x256xf32, #tpu.memory_space<vmem>>, %arg7: memref<256x128xf32, #tpu.memory_space<vmem>>, %arg8: memref<1x128xf32, #tpu.memory_space<vmem>>, %arg9: memref<128x128xf32, #tpu.memory_space<vmem>>, %arg10: memref<128x128xf32, #tpu.memory_space<vmem>>, %arg11: memref<2000x128xf32, #tpu.memory_space<vmem>>, %arg12: memref<2000x16xf32, #tpu.memory_space<vmem>>) attributes {dimension_semantics = [#tpu.dimension_semantics<arbitrary>], iteration_bounds = array<i64: 160>, scalar_prefetch = 0 : i64, scratch_operands = 0 : i64, tpu.core_type = #tpu.core_type<tc>, window_params = [{transform_indices = @transform_0, window_bounds = array<i64: 2000, 128>}, {transform_indices = @transform_1, window_bounds = array<i64: 2000, 128>}, {transform_indices = @transform_2, window_bounds = array<i64: 2000, 128>}, {transform_indices = @transform_3, window_bounds = array<i64: 2000, 128>}, {pipeline_mode = #tpu.pipeline_mode<synchronous>, transform_indices = @transform_4, window_bounds = array<i64: 128, 256>}, {pipeline_mode = #tpu.pipeline_mode<synchronous>, transform_indices = @transform_5, window_bounds = array<i64: 1, 256>}, {pipeline_mode = #tpu.pipeline_mode<synchronous>, transform_indices = @transform_6, window_bounds = array<i64: 256, 128>}, {pipeline_mode = #tpu.pipeline_mode<synchronous>, transform_indices = @transform_7, window_bounds = array<i64: 1, 128>}, {pipeline_mode = #tpu.pipeline_mode<synchronous>, transform_indices = @transform_8, window_bounds = array<i64: 128, 128>}, {pipeline_mode = #tpu.pipeline_mode<synchronous>, transform_indices = @transform_9, window_bounds = array<i64: 128, 128>}, {transform_indices = @transform_10, window_bounds = array<i64: 2000, 128>}, {transform_indices = @transform_11, window_bounds = array<i64: 2000, 16>}]} {
    %get3A = arith.constant 0 : index
    %get3A_0 = arith.constant 0 : index
    %get3A_1 = vector.load %arg3[%get3A, %get3A_0] : memref<2000x128xf32, #tpu.memory_space<vmem>>, vector<2000x128xf32>
    %logistic3A = arith.negf %get3A_1 : vector<2000x128xf32>
    %logistic3A_2 = math.exp %logistic3A : vector<2000x128xf32>
    %logistic3A_3 = arith.constant 1.000000e+00 : f32
    %logistic3A_4 = vector.broadcast %logistic3A_3 : f32 to vector<2000x128xf32>
    %logistic3A_5 = arith.addf %logistic3A_4, %logistic3A_2 : vector<2000x128xf32>
    %logistic3A_6 = arith.divf %logistic3A_4, %logistic3A_5 : vector<2000x128xf32>
    %mul3A = arith.mulf %get3A_1, %logistic3A_6 : vector<2000x128xf32>
    %get3A_7 = arith.constant 0 : index
    %get3A_8 = arith.constant 0 : index
    %get3A_9 = vector.load %arg5[%get3A_7, %get3A_8] : memref<128x256xf32, #tpu.memory_space<vmem>>, vector<128x256xf32>
    %dot_general3A = arith.constant dense<0.000000e+00> : vector<2000x256xf32>
    %dot_general3A_10 = tpu.matmul %mul3A, %get3A_9, %dot_general3A {dimension_numbers = #tpu.dot_dimension_numbers<[1], [0], [0], [1], [0, 0, 1, 1], [], []>, transpose_lhs_hint = false} : vector<2000x128xf32>, vector<128x256xf32>, vector<2000x256xf32> -> vector<2000x256xf32>
    %get3A_11 = arith.constant 0 : index
    %get3A_12 = arith.constant 0 : index
    %get3A_13 = vector.load %arg6[%get3A_11, %get3A_12] : memref<1x256xf32, #tpu.memory_space<vmem>>, vector<1x256xf32>
    %add3A = vector.broadcast %get3A_13 : vector<1x256xf32> to vector<2000x256xf32>
    %add3A_14 = arith.addf %dot_general3A_10, %add3A : vector<2000x256xf32>
    %slice3A = vector.extract_strided_slice %add3A_14 {offsets = [0, 0], sizes = [2000, 128], strides = [1, 1]} : vector<2000x256xf32> to vector<2000x128xf32>
    %slice3A_15 = vector.extract_strided_slice %add3A_14 {offsets = [0, 128], sizes = [2000, 128], strides = [1, 1]} : vector<2000x256xf32> to vector<2000x128xf32>
    %get3A_16 = arith.constant 0 : index
    %get3A_17 = arith.constant 0 : index
    %get3A_18 = vector.load %arg1[%get3A_16, %get3A_17] : memref<2000x128xf32, #tpu.memory_space<vmem>>, vector<2000x128xf32>
    %get3A_19 = arith.constant 0 : index
    %get3A_20 = arith.constant 0 : index
    %get3A_21 = vector.load %arg7[%get3A_19, %get3A_20] : memref<256x128xf32, #tpu.memory_space<vmem>>, vector<128x128xf32>
    %dot_general3A_22 = arith.constant dense<0.000000e+00> : vector<2000x128xf32>
    %dot_general3A_23 = tpu.matmul %get3A_18, %get3A_21, %dot_general3A_22 {dimension_numbers = #tpu.dot_dimension_numbers<[1], [0], [0], [1], [0, 0, 1, 1], [], []>, transpose_lhs_hint = false} : vector<2000x128xf32>, vector<128x128xf32>, vector<2000x128xf32> -> vector<2000x128xf32>
    %get3A_24 = arith.constant 0 : index
    %get3A_25 = arith.constant 0 : index
    %get3A_26 = vector.load %arg2[%get3A_24, %get3A_25] : memref<2000x128xf32, #tpu.memory_space<vmem>>, vector<2000x128xf32>
    %get3A_27 = arith.constant 128 : index
    %get3A_28 = arith.constant 0 : index
    %get3A_29 = vector.load %arg7[%get3A_27, %get3A_28] : memref<256x128xf32, #tpu.memory_space<vmem>>, vector<128x128xf32>
    %dot_general3A_30 = arith.constant dense<0.000000e+00> : vector<2000x128xf32>
    %dot_general3A_31 = tpu.matmul %get3A_26, %get3A_29, %dot_general3A_30 {dimension_numbers = #tpu.dot_dimension_numbers<[1], [0], [0], [1], [0, 0, 1, 1], [], []>, transpose_lhs_hint = false} : vector<2000x128xf32>, vector<128x128xf32>, vector<2000x128xf32> -> vector<2000x128xf32>
    %add3A_32 = arith.addf %dot_general3A_23, %dot_general3A_31 : vector<2000x128xf32>
    %get3A_33 = arith.constant 0 : index
    %get3A_34 = arith.constant 0 : index
    %get3A_35 = vector.load %arg8[%get3A_33, %get3A_34] : memref<1x128xf32, #tpu.memory_space<vmem>>, vector<1x128xf32>
    %add3A_36 = vector.broadcast %get3A_35 : vector<1x128xf32> to vector<2000x128xf32>
    %add3A_37 = arith.addf %add3A_32, %add3A_36 : vector<2000x128xf32>
    %reduce_sum3A = arith.constant dense<0.000000e+00> : vector<2000xf32>
    %reduce_sum3A_38 = vector.multi_reduction <add>, %add3A_37, %reduce_sum3A [1] : vector<2000x128xf32> to vector<2000xf32>
    %broadcast_in_dim3A = vector.shape_cast %reduce_sum3A_38 : vector<2000xf32> to vector<2000x1xf32>
    %div3A = arith.constant 1.280000e+02 : f32
    %div3A_39 = vector.broadcast %div3A : f32 to vector<2000x1xf32>
    %div3A_40 = arith.divf %broadcast_in_dim3A, %div3A_39 : vector<2000x1xf32>
    %sub3A = vector.broadcast %div3A_40 : vector<2000x1xf32> to vector<2000x128xf32>
    %sub3A_41 = arith.subf %add3A_37, %sub3A : vector<2000x128xf32>
    %integer_pow3A = arith.mulf %sub3A_41, %sub3A_41 : vector<2000x128xf32>
    %reduce_sum3A_42 = arith.constant dense<0.000000e+00> : vector<2000xf32>
    %reduce_sum3A_43 = vector.multi_reduction <add>, %integer_pow3A, %reduce_sum3A_42 [1] : vector<2000x128xf32> to vector<2000xf32>
    %broadcast_in_dim3A_44 = vector.shape_cast %reduce_sum3A_43 : vector<2000xf32> to vector<2000x1xf32>
    %div3A_45 = arith.constant 1.280000e+02 : f32
    %div3A_46 = vector.broadcast %div3A_45 : f32 to vector<2000x1xf32>
    %div3A_47 = arith.divf %broadcast_in_dim3A_44, %div3A_46 : vector<2000x1xf32>
    %sub3A_48 = vector.broadcast %div3A_40 : vector<2000x1xf32> to vector<2000x128xf32>
    %sub3A_49 = arith.subf %add3A_37, %sub3A_48 : vector<2000x128xf32>
    %add3A_50 = arith.constant 9.99999997E-7 : f32
    %add3A_51 = vector.broadcast %add3A_50 : f32 to vector<2000x1xf32>
    %add3A_52 = arith.addf %div3A_47, %add3A_51 : vector<2000x1xf32>
    %rsqrt3A = math.rsqrt %add3A_52 : vector<2000x1xf32>
    %mul3A_53 = vector.broadcast %rsqrt3A : vector<2000x1xf32> to vector<2000x128xf32>
    %mul3A_54 = arith.mulf %sub3A_49, %mul3A_53 : vector<2000x128xf32>
    %add3A_55 = arith.constant 1.000000e+00 : f32
    %add3A_56 = vector.broadcast %add3A_55 : f32 to vector<2000x128xf32>
    %add3A_57 = arith.addf %add3A_56, %slice3A_15 : vector<2000x128xf32>
    %mul3A_58 = arith.mulf %mul3A_54, %add3A_57 : vector<2000x128xf32>
    %add3A_59 = arith.addf %mul3A_58, %slice3A : vector<2000x128xf32>
    %get3A_60 = arith.constant 0 : index
    %get3A_61 = arith.constant 0 : index
    %get3A_62 = vector.load %arg9[%get3A_60, %get3A_61] : memref<128x128xf32, #tpu.memory_space<vmem>>, vector<128x128xf32>
    %dot_general3A_63 = arith.constant dense<0.000000e+00> : vector<2000x128xf32>
    %dot_general3A_64 = tpu.matmul %add3A_59, %get3A_62, %dot_general3A_63 {dimension_numbers = #tpu.dot_dimension_numbers<[1], [0], [0], [1], [0, 0, 1, 1], [], []>, transpose_lhs_hint = false} : vector<2000x128xf32>, vector<128x128xf32>, vector<2000x128xf32> -> vector<2000x128xf32>
    %mul3A_65 = arith.constant 5.000000e-01 : f32
    %mul3A_66 = vector.broadcast %mul3A_65 : f32 to vector<2000x128xf32>
    %mul3A_67 = arith.mulf %mul3A_66, %dot_general3A_64 : vector<2000x128xf32>
    %mul3A_68 = arith.constant 4.471500e-02 : f32
    %mul3A_69 = vector.broadcast %mul3A_68 : f32 to vector<2000x128xf32>
    %mul3A_70 = arith.mulf %mul3A_69, %dot_general3A_64 : vector<2000x128xf32>
    %mul3A_71 = arith.mulf %mul3A_70, %dot_general3A_64 : vector<2000x128xf32>
    %mul3A_72 = arith.mulf %mul3A_71, %dot_general3A_64 : vector<2000x128xf32>
    %add3A_73 = arith.addf %dot_general3A_64, %mul3A_72 : vector<2000x128xf32>
    %mul3A_74 = arith.constant 0.797884583 : f32
    %mul3A_75 = vector.broadcast %mul3A_74 : f32 to vector<2000x128xf32>
    %mul3A_76 = arith.mulf %mul3A_75, %add3A_73 : vector<2000x128xf32>
    %tanh3A = math.tanh %mul3A_76 : vector<2000x128xf32>
    %add3A_77 = arith.constant 1.000000e+00 : f32
    %add3A_78 = vector.broadcast %add3A_77 : f32 to vector<2000x128xf32>
    %add3A_79 = arith.addf %add3A_78, %tanh3A : vector<2000x128xf32>
    %mul3A_80 = arith.mulf %mul3A_67, %add3A_79 : vector<2000x128xf32>
    %get3A_81 = arith.constant 0 : index
    %get3A_82 = arith.constant 0 : index
    %get3A_83 = vector.load %arg10[%get3A_81, %get3A_82] : memref<128x128xf32, #tpu.memory_space<vmem>>, vector<128x128xf32>
    %dot_general3A_84 = arith.constant dense<0.000000e+00> : vector<2000x128xf32>
    %dot_general3A_85 = tpu.matmul %add3A_59, %get3A_83, %dot_general3A_84 {dimension_numbers = #tpu.dot_dimension_numbers<[1], [0], [0], [1], [0, 0, 1, 1], [], []>, transpose_lhs_hint = false} : vector<2000x128xf32>, vector<128x128xf32>, vector<2000x128xf32> -> vector<2000x128xf32>
    %get3A_86 = arith.constant 0 : index
    %get3A_87 = arith.constant 0 : index
    %get3A_88 = vector.load %arg4[%get3A_86, %get3A_87] : memref<2000x128xf32, #tpu.memory_space<vmem>>, vector<2000x128xf32>
    %mul3A_89 = arith.mulf %get3A_88, %mul3A_80 : vector<2000x128xf32>
    %iota3A = tpu.iota {dimensions = array<i32: 0>} : vector<128x8xi32>
    %jit3A = arith.constant 16 : i32
    %div3A_90 = vector.broadcast %jit3A : i32 to vector<128x8xi32>
    %div3A_91 = arith.divsi %iota3A, %div3A_90 : vector<128x8xi32>
    %sign3A = arith.constant 0 : i32
    %sign3A_92 = vector.broadcast %sign3A : i32 to vector<128x8xi32>
    %sign3A_93 = arith.cmpi sgt, %iota3A, %sign3A_92 : vector<128x8xi32>
    %sign3A_94 = arith.extui %sign3A_93 : vector<128x8xi1> to vector<128x8xi32>
    %sign3A_95 = arith.constant 0 : i32
    %sign3A_96 = vector.broadcast %sign3A_95 : i32 to vector<128x8xi32>
    %sign3A_97 = arith.cmpi slt, %iota3A, %sign3A_96 : vector<128x8xi32>
    %sign3A_98 = arith.extui %sign3A_97 : vector<128x8xi1> to vector<128x8xi32>
    %sign3A_99 = arith.subi %sign3A_94, %sign3A_98 : vector<128x8xi32>
    %sign3A_100 = arith.constant 0 : i32
    %sign3A_101 = arith.cmpi sgt, %jit3A, %sign3A_100 : i32
    %sign3A_102 = arith.extui %sign3A_101 : i1 to i32
    %sign3A_103 = arith.constant 0 : i32
    %sign3A_104 = arith.cmpi slt, %jit3A, %sign3A_103 : i32
    %sign3A_105 = arith.extui %sign3A_104 : i1 to i32
    %sign3A_106 = arith.subi %sign3A_102, %sign3A_105 : i32
    %ne3A = vector.broadcast %sign3A_106 : i32 to vector<128x8xi32>
    %ne3A_107 = arith.cmpi ne, %sign3A_99, %ne3A : vector<128x8xi32>
    %rem3A = vector.broadcast %jit3A : i32 to vector<128x8xi32>
    %rem3A_108 = arith.remsi %iota3A, %rem3A : vector<128x8xi32>
    %ne3A_109 = arith.constant 0 : i32
    %ne3A_110 = vector.broadcast %ne3A_109 : i32 to vector<128x8xi32>
    %ne3A_111 = arith.cmpi ne, %rem3A_108, %ne3A_110 : vector<128x8xi32>
    %and3A = arith.andi %ne3A_107, %ne3A_111 : vector<128x8xi1>
    %sub3A_112 = arith.constant 1 : i32
    %sub3A_113 = vector.broadcast %sub3A_112 : i32 to vector<128x8xi32>
    %sub3A_114 = arith.subi %div3A_91, %sub3A_113 : vector<128x8xi32>
    %select_n3A = arith.select %and3A, %sub3A_114, %div3A_91 : vector<128x8xi1>, vector<128x8xi32>
    %iota3A_115 = tpu.iota {dimensions = array<i32: 1>} : vector<128x8xi32>
    %eq3A = arith.cmpi eq, %select_n3A, %iota3A_115 : vector<128x8xi32>
    %convert_element_type3A = arith.extui %eq3A : vector<128x8xi1> to vector<128x8xi32>
    %convert_element_type3A_116 = arith.sitofp %convert_element_type3A : vector<128x8xi32> to vector<128x8xf32>
    %dot_general3A_117 = arith.constant dense<0.000000e+00> : vector<2000x8xf32>
    %dot_general3A_118 = tpu.matmul %mul3A_89, %convert_element_type3A_116, %dot_general3A_117 {dimension_numbers = #tpu.dot_dimension_numbers<[1], [0], [0], [1], [0, 0, 1, 1], [], []>, transpose_lhs_hint = false} : vector<2000x128xf32>, vector<128x8xf32>, vector<2000x8xf32> -> vector<2000x8xf32>
    %mul3A_119 = arith.constant 2.500000e-01 : f32
    %mul3A_120 = vector.broadcast %mul3A_119 : f32 to vector<2000x8xf32>
    %mul3A_121 = arith.mulf %dot_general3A_118, %mul3A_120 : vector<2000x8xf32>
    %exp3A = math.exp %mul3A_121 : vector<2000x8xf32>
    %concatenate3A = tpu.concatenate %exp3A, %exp3A in 1 : vector<2000x8xf32>, vector<2000x8xf32> -> vector<2000x16xf32>
    %swap3A = arith.constant 0 : index
    %swap3A_122 = arith.constant 0 : index
    %swap3A_123 = vector.load %arg12[%swap3A, %swap3A_122] : memref<2000x16xf32, #tpu.memory_space<vmem>>, vector<2000x16xf32>
    tpu.vector_store %arg12[%swap3A, %swap3A_122], %concatenate3A {strides = array<i32>} : memref<2000x16xf32, #tpu.memory_space<vmem>>, vector<2000x16xf32>,
    %transpose3A = tpu.transpose %convert_element_type3A_116, [1, 0] : vector<128x8xf32> -> vector<8x128xf32>
    %dot_general3A_124 = arith.constant dense<0.000000e+00> : vector<2000x128xf32>
    %dot_general3A_125 = tpu.matmul %exp3A, %transpose3A, %dot_general3A_124 {dimension_numbers = #tpu.dot_dimension_numbers<[1], [0], [0], [1], [0, 0, 1, 1], [], []>, transpose_lhs_hint = false} : vector<2000x8xf32>, vector<8x128xf32>, vector<2000x128xf32> -> vector<2000x128xf32>
    %mul3A_126 = arith.mulf %dot_general3A_85, %dot_general3A_125 : vector<2000x128xf32>
    %swap3A_127 = arith.constant 0 : index
    %swap3A_128 = arith.constant 0 : index
    %swap3A_129 = vector.load %arg11[%swap3A_127, %swap3A_128] : memref<2000x128xf32, #tpu.memory_space<vmem>>, vector<2000x128xf32>
    tpu.vector_store %arg11[%swap3A_127, %swap3A_128], %mul3A_126 {strides = array<i32>} : memref<2000x128xf32, #tpu.memory_space<vmem>>, vector<2000x128xf32>,
    return
  }
  func.func @transform_0(%arg0: i32) -> (i32, i32) {
    %c0_i32 = arith.constant 0 : i32
    %c0_i32_0 = arith.constant 0 : i32
    return %arg0, %c0_i32 : i32, i32
  }
  func.func @transform_1(%arg0: i32) -> (i32, i32) {
    %c0_i32 = arith.constant 0 : i32
    %c0_i32_0 = arith.constant 0 : i32
    return %arg0, %c0_i32 : i32, i32
  }
  func.func @transform_2(%arg0: i32) -> (i32, i32) {
    %c0_i32 = arith.constant 0 : i32
    %c0_i32_0 = arith.constant 0 : i32
    return %arg0, %c0_i32 : i32, i32
  }
  func.func @transform_3(%arg0: i32) -> (i32, i32) {
    %c0_i32 = arith.constant 0 : i32
    %c0_i32_0 = arith.constant 0 : i32
    return %arg0, %c0_i32 : i32, i32
  }
  func.func @transform_4(%arg0: i32) -> (i32, i32) {
    %c0_i32 = arith.constant 0 : i32
    %c0_i32_0 = arith.constant 0 : i32
    %c0_i32_1 = arith.constant 0 : i32
    return %c0_i32, %c0_i32_0 : i32, i32
  }
  func.func @transform_5(%arg0: i32) -> (i32, i32) {
    %c0_i32 = arith.constant 0 : i32
    %c0_i32_0 = arith.constant 0 : i32
    %c0_i32_1 = arith.constant 0 : i32
    return %c0_i32, %c0_i32_0 : i32, i32
  }
  func.func @transform_6(%arg0: i32) -> (i32, i32) {
    %c0_i32 = arith.constant 0 : i32
    %c0_i32_0 = arith.constant 0 : i32
    %c0_i32_1 = arith.constant 0 : i32
    return %c0_i32, %c0_i32_0 : i32, i32
  }
  func.func @transform_7(%arg0: i32) -> (i32, i32) {
    %c0_i32 = arith.constant 0 : i32
    %c0_i32_0 = arith.constant 0 : i32
    %c0_i32_1 = arith.constant 0 : i32
    return %c0_i32, %c0_i32_0 : i32, i32
  }
  func.func @transform_8(%arg0: i32) -> (i32, i32) {
    %c0_i32 = arith.constant 0 : i32
    %c0_i32_0 = arith.constant 0 : i32
    %c0_i32_1 = arith.constant 0 : i32
    return %c0_i32, %c0_i32_0 : i32, i32
  }
  func.func @transform_9(%arg0: i32) -> (i32, i32) {
    %c0_i32 = arith.constant 0 : i32
    %c0_i32_0 = arith.constant 0 : i32
    %c0_i32_1 = arith.constant 0 : i32
    return %c0_i32, %c0_i32_0 : i32, i32
  }
  func.func @transform_10(%arg0: i32) -> (i32, i32) {
    %c0_i32 = arith.constant 0 : i32
    %c0_i32_0 = arith.constant 0 : i32
    return %arg0, %c0_i32 : i32, i32
  }
  func.func @transform_11(%arg0: i32) -> (i32, i32) {
    %c0_i32 = arith.constant 0 : i32
    %c0_i32_0 = arith.constant 0 : i32
    return %arg0, %c0_i32 : i32, i32
  }
}

module attributes {stable_mosaic.version = 14 : i64} {
  func.func @_sred_body(%arg0: i32, %arg1: memref<32x16000xf32, #tpu.memory_space<vmem>>, %arg2: memref<1x16000xf32, #tpu.memory_space<vmem>>) attributes {dimension_semantics = [#tpu.dimension_semantics<arbitrary>], iteration_bounds = array<i64: 5>, scalar_prefetch = 0 : i64, scratch_operands = 0 : i64, tpu.core_type = #tpu.core_type<tc>, window_params = [{transform_indices = @transform_0, window_bounds = array<i64: 32, 16000>}, {transform_indices = @transform_1, window_bounds = array<i64: 1, 16000>}]} {
    %get3A = arith.constant 0 : index
    %get3A_0 = arith.constant 0 : index
    %get3A_1 = vector.load %arg1[%get3A, %get3A_0] : memref<32x16000xf32, #tpu.memory_space<vmem>>, vector<32x16000xf32>
    %reduce_sum3A = arith.constant dense<0.000000e+00> : vector<16000xf32>
    %reduce_sum3A_2 = vector.multi_reduction <add>, %get3A_1, %reduce_sum3A [0] : vector<32x16000xf32> to vector<16000xf32>
    %broadcast_in_dim3A = vector.shape_cast %reduce_sum3A_2 : vector<16000xf32> to vector<1x16000xf32>
    %swap3A = arith.constant 0 : index
    %swap3A_3 = arith.constant 0 : index
    %swap3A_4 = vector.load %arg2[%swap3A, %swap3A_3] : memref<1x16000xf32, #tpu.memory_space<vmem>>, vector<1x16000xf32>
    tpu.vector_store %arg2[%swap3A, %swap3A_3], %broadcast_in_dim3A {strides = array<i32>} : memref<1x16000xf32, #tpu.memory_space<vmem>>, vector<1x16000xf32>,
    return
  }
  func.func @transform_0(%arg0: i32) -> (i32, i32) {
    %c0_i32 = arith.constant 0 : i32
    %c0_i32_0 = arith.constant 0 : i32
    return %c0_i32, %arg0 : i32, i32
  }
  func.func @transform_1(%arg0: i32) -> (i32, i32) {
    %c0_i32 = arith.constant 0 : i32
    %c0_i32_0 = arith.constant 0 : i32
    return %c0_i32, %arg0 : i32, i32
  }
}

module attributes {stable_mosaic.version = 14 : i64} {
  func.func @_n2_body(%arg0: i32, %arg1: memref<2000x128xf32, #tpu.memory_space<vmem>>, %arg2: memref<2000x128xf32, #tpu.memory_space<vmem>>, %arg3: memref<2x2000x128xf32, #tpu.memory_space<vmem>>, %arg4: memref<2000x8xf32, #tpu.memory_space<vmem>>, %arg5: memref<2000x768xf32, #tpu.memory_space<vmem>>, %arg6: memref<1x128xf32, #tpu.memory_space<vmem>>, %arg7: memref<1x128xf32, #tpu.memory_space<vmem>>, %arg8: memref<128x128xf32, #tpu.memory_space<vmem>>, %arg9: memref<128x512xf32, #tpu.memory_space<vmem>>, %arg10: memref<128x512xf32, #tpu.memory_space<vmem>>, %arg11: memref<512x128xf32, #tpu.memory_space<vmem>>, %arg12: memref<2000x128xf32, #tpu.memory_space<vmem>>, %arg13: memref<2000x128xf32, #tpu.memory_space<vmem>>) attributes {dimension_semantics = [#tpu.dimension_semantics<arbitrary>], iteration_bounds = array<i64: 5>, scalar_prefetch = 0 : i64, scratch_operands = 0 : i64, tpu.core_type = #tpu.core_type<tc>, window_params = [{transform_indices = @transform_0, window_bounds = array<i64: 2000, 128>}, {transform_indices = @transform_1, window_bounds = array<i64: 2000, 128>}, {transform_indices = @transform_2, window_bounds = array<i64: 2, 2000, 128>}, {transform_indices = @transform_3, window_bounds = array<i64: 2000, 8>}, {transform_indices = @transform_4, window_bounds = array<i64: 2000, 768>}, {pipeline_mode = #tpu.pipeline_mode<synchronous>, transform_indices = @transform_5, window_bounds = array<i64: 1, 128>}, {pipeline_mode = #tpu.pipeline_mode<synchronous>, transform_indices = @transform_6, window_bounds = array<i64: 1, 128>}, {pipeline_mode = #tpu.pipeline_mode<synchronous>, transform_indices = @transform_7, window_bounds = array<i64: 128, 128>}, {pipeline_mode = #tpu.pipeline_mode<synchronous>, transform_indices = @transform_8, window_bounds = array<i64: 128, 512>}, {pipeline_mode = #tpu.pipeline_mode<synchronous>, transform_indices = @transform_9, window_bounds = array<i64: 128, 512>}, {pipeline_mode = #tpu.pipeline_mode<synchronous>, transform_indices = @transform_10, window_bounds = array<i64: 512, 128>}, {transform_indices = @transform_11, window_bounds = array<i64: 2000, 128>}, {transform_indices = @transform_12, window_bounds = array<i64: 2000, 128>}]} {
    %get3A = arith.constant 0 : index
    %get3A_0 = arith.constant 0 : index
    %get3A_1 = arith.constant 0 : index
    %get3A_2 = vector.load %arg3[%get3A, %get3A_0, %get3A_1] : memref<2x2000x128xf32, #tpu.memory_space<vmem>>, vector<1x2000x128xf32>
    %get3A_3 = vector.shape_cast %get3A_2 : vector<1x2000x128xf32> to vector<2000x128xf32>
    %get3A_4 = arith.constant 1 : index
    %get3A_5 = arith.constant 0 : index
    %get3A_6 = arith.constant 0 : index
    %get3A_7 = vector.load %arg3[%get3A_4, %get3A_5, %get3A_6] : memref<2x2000x128xf32, #tpu.memory_space<vmem>>, vector<1x2000x128xf32>
    %get3A_8 = vector.shape_cast %get3A_7 : vector<1x2000x128xf32> to vector<2000x128xf32>
    %add3A = arith.addf %get3A_3, %get3A_8 : vector<2000x128xf32>
    %get3A_9 = arith.constant 0 : index
    %get3A_10 = arith.constant 0 : index
    %get3A_11 = vector.load %arg4[%get3A_9, %get3A_10] : memref<2000x8xf32, #tpu.memory_space<vmem>>, vector<2000x8xf32>
    %iota3A = tpu.iota {dimensions = array<i32: 1>} : vector<8x128xi32>
    %jit3A = arith.constant 16 : i32
    %div3A = vector.broadcast %jit3A : i32 to vector<8x128xi32>
    %div3A_12 = arith.divsi %iota3A, %div3A : vector<8x128xi32>
    %sign3A = arith.constant 0 : i32
    %sign3A_13 = vector.broadcast %sign3A : i32 to vector<8x128xi32>
    %sign3A_14 = arith.cmpi sgt, %iota3A, %sign3A_13 : vector<8x128xi32>
    %sign3A_15 = arith.extui %sign3A_14 : vector<8x128xi1> to vector<8x128xi32>
    %sign3A_16 = arith.constant 0 : i32
    %sign3A_17 = vector.broadcast %sign3A_16 : i32 to vector<8x128xi32>
    %sign3A_18 = arith.cmpi slt, %iota3A, %sign3A_17 : vector<8x128xi32>
    %sign3A_19 = arith.extui %sign3A_18 : vector<8x128xi1> to vector<8x128xi32>
    %sign3A_20 = arith.subi %sign3A_15, %sign3A_19 : vector<8x128xi32>
    %sign3A_21 = arith.constant 0 : i32
    %sign3A_22 = arith.cmpi sgt, %jit3A, %sign3A_21 : i32
    %sign3A_23 = arith.extui %sign3A_22 : i1 to i32
    %sign3A_24 = arith.constant 0 : i32
    %sign3A_25 = arith.cmpi slt, %jit3A, %sign3A_24 : i32
    %sign3A_26 = arith.extui %sign3A_25 : i1 to i32
    %sign3A_27 = arith.subi %sign3A_23, %sign3A_26 : i32
    %ne3A = vector.broadcast %sign3A_27 : i32 to vector<8x128xi32>
    %ne3A_28 = arith.cmpi ne, %sign3A_20, %ne3A : vector<8x128xi32>
    %rem3A = vector.broadcast %jit3A : i32 to vector<8x128xi32>
    %rem3A_29 = arith.remsi %iota3A, %rem3A : vector<8x128xi32>
    %ne3A_30 = arith.constant 0 : i32
    %ne3A_31 = vector.broadcast %ne3A_30 : i32 to vector<8x128xi32>
    %ne3A_32 = arith.cmpi ne, %rem3A_29, %ne3A_31 : vector<8x128xi32>
    %and3A = arith.andi %ne3A_28, %ne3A_32 : vector<8x128xi1>
    %sub3A = arith.constant 1 : i32
    %sub3A_33 = vector.broadcast %sub3A : i32 to vector<8x128xi32>
    %sub3A_34 = arith.subi %div3A_12, %sub3A_33 : vector<8x128xi32>
    %select_n3A = arith.select %and3A, %sub3A_34, %div3A_12 : vector<8x128xi1>, vector<8x128xi32>
    %iota3A_35 = tpu.iota {dimensions = array<i32: 0>} : vector<8x128xi32>
    %eq3A = arith.cmpi eq, %select_n3A, %iota3A_35 : vector<8x128xi32>
    %convert_element_type3A = arith.extui %eq3A : vector<8x128xi1> to vector<8x128xi32>
    %convert_element_type3A_36 = arith.sitofp %convert_element_type3A : vector<8x128xi32> to vector<8x128xf32>
    %dot_general3A = arith.constant dense<0.000000e+00> : vector<2000x128xf32>
    %dot_general3A_37 = tpu.matmul %get3A_11, %convert_element_type3A_36, %dot_general3A {dimension_numbers = #tpu.dot_dimension_numbers<[1], [0], [0], [1], [0, 0, 1, 1], [], []>, transpose_lhs_hint = false} : vector<2000x8xf32>, vector<8x128xf32>, vector<2000x128xf32> -> vector<2000x128xf32>
    %add3A_38 = arith.constant 1.000000e-16 : f32
    %add3A_39 = vector.broadcast %add3A_38 : f32 to vector<2000x128xf32>
    %add3A_40 = arith.addf %dot_general3A_37, %add3A_39 : vector<2000x128xf32>
    %get3A_41 = arith.constant 0 : index
    %get3A_42 = arith.constant 0 : index
    %get3A_43 = vector.load %arg2[%get3A_41, %get3A_42] : memref<2000x128xf32, #tpu.memory_space<vmem>>, vector<2000x128xf32>
    %mul3A = arith.mulf %get3A_43, %add3A : vector<2000x128xf32>
    %div3A_44 = arith.divf %mul3A, %add3A_40 : vector<2000x128xf32>
    %get3A_45 = arith.constant 0 : index
    %get3A_46 = arith.constant 0 : index
    %get3A_47 = vector.load %arg5[%get3A_45, %get3A_46] : memref<2000x768xf32, #tpu.memory_space<vmem>>, vector<2000x768xf32>
    %slice3A = vector.extract_strided_slice %get3A_47 {offsets = [0, 256], sizes = [2000, 128], strides = [1, 1]} : vector<2000x768xf32> to vector<2000x128xf32>
    %slice3A_48 = vector.extract_strided_slice %get3A_47 {offsets = [0, 384], sizes = [2000, 128], strides = [1, 1]} : vector<2000x768xf32> to vector<2000x128xf32>
    %slice3A_49 = vector.extract_strided_slice %get3A_47 {offsets = [0, 512], sizes = [2000, 128], strides = [1, 1]} : vector<2000x768xf32> to vector<2000x128xf32>
    %slice3A_50 = vector.extract_strided_slice %get3A_47 {offsets = [0, 640], sizes = [2000, 128], strides = [1, 1]} : vector<2000x768xf32> to vector<2000x128xf32>
    %get3A_51 = arith.constant 0 : index
    %get3A_52 = arith.constant 0 : index
    %get3A_53 = vector.load %arg1[%get3A_51, %get3A_52] : memref<2000x128xf32, #tpu.memory_space<vmem>>, vector<2000x128xf32>
    %mul3A_54 = arith.mulf %slice3A, %div3A_44 : vector<2000x128xf32>
    %add3A_55 = arith.addf %get3A_53, %mul3A_54 : vector<2000x128xf32>
    %reduce_sum3A = arith.constant dense<0.000000e+00> : vector<2000xf32>
    %reduce_sum3A_56 = vector.multi_reduction <add>, %add3A_55, %reduce_sum3A [1] : vector<2000x128xf32> to vector<2000xf32>
    %broadcast_in_dim3A = vector.shape_cast %reduce_sum3A_56 : vector<2000xf32> to vector<2000x1xf32>
    %div3A_57 = arith.constant 1.280000e+02 : f32
    %div3A_58 = vector.broadcast %div3A_57 : f32 to vector<2000x1xf32>
    %div3A_59 = arith.divf %broadcast_in_dim3A, %div3A_58 : vector<2000x1xf32>
    %sub3A_60 = vector.broadcast %div3A_59 : vector<2000x1xf32> to vector<2000x128xf32>
    %sub3A_61 = arith.subf %add3A_55, %sub3A_60 : vector<2000x128xf32>
    %integer_pow3A = arith.mulf %sub3A_61, %sub3A_61 : vector<2000x128xf32>
    %reduce_sum3A_62 = arith.constant dense<0.000000e+00> : vector<2000xf32>
    %reduce_sum3A_63 = vector.multi_reduction <add>, %integer_pow3A, %reduce_sum3A_62 [1] : vector<2000x128xf32> to vector<2000xf32>
    %broadcast_in_dim3A_64 = vector.shape_cast %reduce_sum3A_63 : vector<2000xf32> to vector<2000x1xf32>
    %div3A_65 = arith.constant 1.280000e+02 : f32
    %div3A_66 = vector.broadcast %div3A_65 : f32 to vector<2000x1xf32>
    %div3A_67 = arith.divf %broadcast_in_dim3A_64, %div3A_66 : vector<2000x1xf32>
    %sub3A_68 = vector.broadcast %div3A_59 : vector<2000x1xf32> to vector<2000x128xf32>
    %sub3A_69 = arith.subf %add3A_55, %sub3A_68 : vector<2000x128xf32>
    %add3A_70 = arith.constant 9.99999997E-7 : f32
    %add3A_71 = vector.broadcast %add3A_70 : f32 to vector<2000x1xf32>
    %add3A_72 = arith.addf %div3A_67, %add3A_71 : vector<2000x1xf32>
    %rsqrt3A = math.rsqrt %add3A_72 : vector<2000x1xf32>
    %mul3A_73 = vector.broadcast %rsqrt3A : vector<2000x1xf32> to vector<2000x128xf32>
    %mul3A_74 = arith.mulf %sub3A_69, %mul3A_73 : vector<2000x128xf32>
    %get3A_75 = arith.constant 0 : index
    %get3A_76 = arith.constant 0 : index
    %get3A_77 = vector.load %arg6[%get3A_75, %get3A_76] : memref<1x128xf32, #tpu.memory_space<vmem>>, vector<1x128xf32>
    %mul3A_78 = vector.broadcast %get3A_77 : vector<1x128xf32> to vector<2000x128xf32>
    %mul3A_79 = arith.mulf %mul3A_74, %mul3A_78 : vector<2000x128xf32>
    %get3A_80 = arith.constant 0 : index
    %get3A_81 = arith.constant 0 : index
    %get3A_82 = vector.load %arg7[%get3A_80, %get3A_81] : memref<1x128xf32, #tpu.memory_space<vmem>>, vector<1x128xf32>
    %add3A_83 = vector.broadcast %get3A_82 : vector<1x128xf32> to vector<2000x128xf32>
    %add3A_84 = arith.addf %mul3A_79, %add3A_83 : vector<2000x128xf32>
    %add3A_85 = arith.constant 1.000000e+00 : f32
    %add3A_86 = vector.broadcast %add3A_85 : f32 to vector<2000x128xf32>
    %add3A_87 = arith.addf %add3A_86, %slice3A_49 : vector<2000x128xf32>
    %mul3A_88 = arith.mulf %add3A_84, %add3A_87 : vector<2000x128xf32>
    %add3A_89 = arith.addf %mul3A_88, %slice3A_48 : vector<2000x128xf32>
    %get3A_90 = arith.constant 0 : index
    %get3A_91 = arith.constant 0 : index
    %get3A_92 = vector.load %arg9[%get3A_90, %get3A_91] : memref<128x512xf32, #tpu.memory_space<vmem>>, vector<128x512xf32>
    %dot_general3A_93 = arith.constant dense<0.000000e+00> : vector<2000x512xf32>
    %dot_general3A_94 = tpu.matmul %add3A_89, %get3A_92, %dot_general3A_93 {dimension_numbers = #tpu.dot_dimension_numbers<[1], [0], [0], [1], [0, 0, 1, 1], [], []>, transpose_lhs_hint = false} : vector<2000x128xf32>, vector<128x512xf32>, vector<2000x512xf32> -> vector<2000x512xf32>
    %logistic3A = arith.negf %dot_general3A_94 : vector<2000x512xf32>
    %logistic3A_95 = math.exp %logistic3A : vector<2000x512xf32>
    %logistic3A_96 = arith.constant 1.000000e+00 : f32
    %logistic3A_97 = vector.broadcast %logistic3A_96 : f32 to vector<2000x512xf32>
    %logistic3A_98 = arith.addf %logistic3A_97, %logistic3A_95 : vector<2000x512xf32>
    %logistic3A_99 = arith.divf %logistic3A_97, %logistic3A_98 : vector<2000x512xf32>
    %mul3A_100 = arith.mulf %dot_general3A_94, %logistic3A_99 : vector<2000x512xf32>
    %get3A_101 = arith.constant 0 : index
    %get3A_102 = arith.constant 0 : index
    %get3A_103 = vector.load %arg10[%get3A_101, %get3A_102] : memref<128x512xf32, #tpu.memory_space<vmem>>, vector<128x512xf32>
    %dot_general3A_104 = arith.constant dense<0.000000e+00> : vector<2000x512xf32>
    %dot_general3A_105 = tpu.matmul %add3A_89, %get3A_103, %dot_general3A_104 {dimension_numbers = #tpu.dot_dimension_numbers<[1], [0], [0], [1], [0, 0, 1, 1], [], []>, transpose_lhs_hint = false} : vector<2000x128xf32>, vector<128x512xf32>, vector<2000x512xf32> -> vector<2000x512xf32>
    %mul3A_106 = arith.mulf %mul3A_100, %dot_general3A_105 : vector<2000x512xf32>
    %get3A_107 = arith.constant 0 : index
    %get3A_108 = arith.constant 0 : index
    %get3A_109 = vector.load %arg11[%get3A_107, %get3A_108] : memref<512x128xf32, #tpu.memory_space<vmem>>, vector<512x128xf32>
    %dot_general3A_110 = arith.constant dense<0.000000e+00> : vector<2000x128xf32>
    %dot_general3A_111 = tpu.matmul %mul3A_106, %get3A_109, %dot_general3A_110 {dimension_numbers = #tpu.dot_dimension_numbers<[1], [0], [0], [1], [0, 0, 1, 1], [], []>, transpose_lhs_hint = false} : vector<2000x512xf32>, vector<512x128xf32>, vector<2000x128xf32> -> vector<2000x128xf32>
    %mul3A_112 = arith.mulf %slice3A_50, %dot_general3A_111 : vector<2000x128xf32>
    %add3A_113 = arith.addf %add3A_89, %mul3A_112 : vector<2000x128xf32>
    %swap3A = arith.constant 0 : index
    %swap3A_114 = arith.constant 0 : index
    %swap3A_115 = vector.load %arg12[%swap3A, %swap3A_114] : memref<2000x128xf32, #tpu.memory_space<vmem>>, vector<2000x128xf32>
    tpu.vector_store %arg12[%swap3A, %swap3A_114], %add3A_113 {strides = array<i32>} : memref<2000x128xf32, #tpu.memory_space<vmem>>, vector<2000x128xf32>,
    %get3A_116 = arith.constant 0 : index
    %get3A_117 = arith.constant 0 : index
    %get3A_118 = vector.load %arg8[%get3A_116, %get3A_117] : memref<128x128xf32, #tpu.memory_space<vmem>>, vector<128x128xf32>
    %dot_general3A_119 = arith.constant dense<0.000000e+00> : vector<2000x128xf32>
    %dot_general3A_120 = tpu.matmul %div3A_44, %get3A_118, %dot_general3A_119 {dimension_numbers = #tpu.dot_dimension_numbers<[1], [0], [0], [1], [0, 0, 1, 1], [], []>, transpose_lhs_hint = false} : vector<2000x128xf32>, vector<128x128xf32>, vector<2000x128xf32> -> vector<2000x128xf32>
    %swap3A_121 = arith.constant 0 : index
    %swap3A_122 = arith.constant 0 : index
    %swap3A_123 = vector.load %arg13[%swap3A_121, %swap3A_122] : memref<2000x128xf32, #tpu.memory_space<vmem>>, vector<2000x128xf32>
    tpu.vector_store %arg13[%swap3A_121, %swap3A_122], %dot_general3A_120 {strides = array<i32>} : memref<2000x128xf32, #tpu.memory_space<vmem>>, vector<2000x128xf32>,
    return
  }
  func.func @transform_0(%arg0: i32) -> (i32, i32) {
    %c0_i32 = arith.constant 0 : i32
    %c0_i32_0 = arith.constant 0 : i32
    return %arg0, %c0_i32 : i32, i32
  }
  func.func @transform_1(%arg0: i32) -> (i32, i32) {
    %c0_i32 = arith.constant 0 : i32
    %c0_i32_0 = arith.constant 0 : i32
    return %arg0, %c0_i32 : i32, i32
  }
  func.func @transform_2(%arg0: i32) -> (i32, i32, i32) {
    %c0_i32 = arith.constant 0 : i32
    %c0_i32_0 = arith.constant 0 : i32
    %c0_i32_1 = arith.constant 0 : i32
    return %c0_i32, %arg0, %c0_i32_0 : i32, i32, i32
  }
  func.func @transform_3(%arg0: i32) -> (i32, i32) {
    %c0_i32 = arith.constant 0 : i32
    %c0_i32_0 = arith.constant 0 : i32
    return %arg0, %c0_i32 : i32, i32
  }
  func.func @transform_4(%arg0: i32) -> (i32, i32) {
    %c0_i32 = arith.constant 0 : i32
    %c0_i32_0 = arith.constant 0 : i32
    return %arg0, %c0_i32 : i32, i32
  }
  func.func @transform_5(%arg0: i32) -> (i32, i32) {
    %c0_i32 = arith.constant 0 : i32
    %c0_i32_0 = arith.constant 0 : i32
    %c0_i32_1 = arith.constant 0 : i32
    return %c0_i32, %c0_i32_0 : i32, i32
  }
  func.func @transform_6(%arg0: i32) -> (i32, i32) {
    %c0_i32 = arith.constant 0 : i32
    %c0_i32_0 = arith.constant 0 : i32
    %c0_i32_1 = arith.constant 0 : i32
    return %c0_i32, %c0_i32_0 : i32, i32
  }
  func.func @transform_7(%arg0: i32) -> (i32, i32) {
    %c0_i32 = arith.constant 0 : i32
    %c0_i32_0 = arith.constant 0 : i32
    %c0_i32_1 = arith.constant 0 : i32
    return %c0_i32, %c0_i32_0 : i32, i32
  }
  func.func @transform_8(%arg0: i32) -> (i32, i32) {
    %c0_i32 = arith.constant 0 : i32
    %c0_i32_0 = arith.constant 0 : i32
    %c0_i32_1 = arith.constant 0 : i32
    return %c0_i32, %c0_i32_0 : i32, i32
  }
  func.func @transform_9(%arg0: i32) -> (i32, i32) {
    %c0_i32 = arith.constant 0 : i32
    %c0_i32_0 = arith.constant 0 : i32
    %c0_i32_1 = arith.constant 0 : i32
    return %c0_i32, %c0_i32_0 : i32, i32
  }
  func.func @transform_10(%arg0: i32) -> (i32, i32) {
    %c0_i32 = arith.constant 0 : i32
    %c0_i32_0 = arith.constant 0 : i32
    %c0_i32_1 = arith.constant 0 : i32
    return %c0_i32, %c0_i32_0 : i32, i32
  }
  func.func @transform_11(%arg0: i32) -> (i32, i32) {
    %c0_i32 = arith.constant 0 : i32
    %c0_i32_0 = arith.constant 0 : i32
    return %arg0, %c0_i32 : i32, i32
  }
  func.func @transform_12(%arg0: i32) -> (i32, i32) {
    %c0_i32 = arith.constant 0 : i32
    %c0_i32_0 = arith.constant 0 : i32
    return %arg0, %c0_i32 : i32, i32
  }
}

module attributes {stable_mosaic.version = 14 : i64} {
  func.func @_e2_body(%arg0: i32, %arg1: memref<2000x128xf32, #tpu.memory_space<vmem>>, %arg2: memref<2000x128xf32, #tpu.memory_space<vmem>>, %arg3: memref<2000x128xf32, #tpu.memory_space<vmem>>, %arg4: memref<2000x128xf32, #tpu.memory_space<vmem>>, %arg5: memref<128x512xf32, #tpu.memory_space<vmem>>, %arg6: memref<1x512xf32, #tpu.memory_space<vmem>>, %arg7: memref<256x128xf32, #tpu.memory_space<vmem>>, %arg8: memref<1x128xf32, #tpu.memory_space<vmem>>, %arg9: memref<1x128xf32, #tpu.memory_space<vmem>>, %arg10: memref<128x512xf32, #tpu.memory_space<vmem>>, %arg11: memref<128x512xf32, #tpu.memory_space<vmem>>, %arg12: memref<512x128xf32, #tpu.memory_space<vmem>>, %arg13: memref<2000x128xf32, #tpu.memory_space<vmem>>) attributes {dimension_semantics = [#tpu.dimension_semantics<arbitrary>], iteration_bounds = array<i64: 160>, scalar_prefetch = 0 : i64, scratch_operands = 0 : i64, tpu.core_type = #tpu.core_type<tc>, window_params = [{transform_indices = @transform_0, window_bounds = array<i64: 2000, 128>}, {transform_indices = @transform_1, window_bounds = array<i64: 2000, 128>}, {transform_indices = @transform_2, window_bounds = array<i64: 2000, 128>}, {transform_indices = @transform_3, window_bounds = array<i64: 2000, 128>}, {pipeline_mode = #tpu.pipeline_mode<synchronous>, transform_indices = @transform_4, window_bounds = array<i64: 128, 512>}, {pipeline_mode = #tpu.pipeline_mode<synchronous>, transform_indices = @transform_5, window_bounds = array<i64: 1, 512>}, {pipeline_mode = #tpu.pipeline_mode<synchronous>, transform_indices = @transform_6, window_bounds = array<i64: 256, 128>}, {pipeline_mode = #tpu.pipeline_mode<synchronous>, transform_indices = @transform_7, window_bounds = array<i64: 1, 128>}, {pipeline_mode = #tpu.pipeline_mode<synchronous>, transform_indices = @transform_8, window_bounds = array<i64: 1, 128>}, {pipeline_mode = #tpu.pipeline_mode<synchronous>, transform_indices = @transform_9, window_bounds = array<i64: 128, 512>}, {pipeline_mode = #tpu.pipeline_mode<synchronous>, transform_indices = @transform_10, window_bounds = array<i64: 128, 512>}, {pipeline_mode = #tpu.pipeline_mode<synchronous>, transform_indices = @transform_11, window_bounds = array<i64: 512, 128>}, {transform_indices = @transform_12, window_bounds = array<i64: 2000, 128>}]} {
    %get3A = arith.constant 0 : index
    %get3A_0 = arith.constant 0 : index
    %get3A_1 = vector.load %arg3[%get3A, %get3A_0] : memref<2000x128xf32, #tpu.memory_space<vmem>>, vector<2000x128xf32>
    %logistic3A = arith.negf %get3A_1 : vector<2000x128xf32>
    %logistic3A_2 = math.exp %logistic3A : vector<2000x128xf32>
    %logistic3A_3 = arith.constant 1.000000e+00 : f32
    %logistic3A_4 = vector.broadcast %logistic3A_3 : f32 to vector<2000x128xf32>
    %logistic3A_5 = arith.addf %logistic3A_4, %logistic3A_2 : vector<2000x128xf32>
    %logistic3A_6 = arith.divf %logistic3A_4, %logistic3A_5 : vector<2000x128xf32>
    %mul3A = arith.mulf %get3A_1, %logistic3A_6 : vector<2000x128xf32>
    %get3A_7 = arith.constant 0 : index
    %get3A_8 = arith.constant 0 : index
    %get3A_9 = vector.load %arg5[%get3A_7, %get3A_8] : memref<128x512xf32, #tpu.memory_space<vmem>>, vector<128x512xf32>
    %dot_general3A = arith.constant dense<0.000000e+00> : vector<2000x512xf32>
    %dot_general3A_10 = tpu.matmul %mul3A, %get3A_9, %dot_general3A {dimension_numbers = #tpu.dot_dimension_numbers<[1], [0], [0], [1], [0, 0, 1, 1], [], []>, transpose_lhs_hint = false} : vector<2000x128xf32>, vector<128x512xf32>, vector<2000x512xf32> -> vector<2000x512xf32>
    %get3A_11 = arith.constant 0 : index
    %get3A_12 = arith.constant 0 : index
    %get3A_13 = vector.load %arg6[%get3A_11, %get3A_12] : memref<1x512xf32, #tpu.memory_space<vmem>>, vector<1x512xf32>
    %add3A = vector.broadcast %get3A_13 : vector<1x512xf32> to vector<2000x512xf32>
    %add3A_14 = arith.addf %dot_general3A_10, %add3A : vector<2000x512xf32>
    %slice3A = vector.extract_strided_slice %add3A_14 {offsets = [0, 0], sizes = [2000, 128], strides = [1, 1]} : vector<2000x512xf32> to vector<2000x128xf32>
    %slice3A_15 = vector.extract_strided_slice %add3A_14 {offsets = [0, 128], sizes = [2000, 128], strides = [1, 1]} : vector<2000x512xf32> to vector<2000x128xf32>
    %slice3A_16 = vector.extract_strided_slice %add3A_14 {offsets = [0, 256], sizes = [2000, 128], strides = [1, 1]} : vector<2000x512xf32> to vector<2000x128xf32>
    %slice3A_17 = vector.extract_strided_slice %add3A_14 {offsets = [0, 384], sizes = [2000, 128], strides = [1, 1]} : vector<2000x512xf32> to vector<2000x128xf32>
    %get3A_18 = arith.constant 0 : index
    %get3A_19 = arith.constant 0 : index
    %get3A_20 = vector.load %arg1[%get3A_18, %get3A_19] : memref<2000x128xf32, #tpu.memory_space<vmem>>, vector<2000x128xf32>
    %get3A_21 = arith.constant 0 : index
    %get3A_22 = arith.constant 0 : index
    %get3A_23 = vector.load %arg7[%get3A_21, %get3A_22] : memref<256x128xf32, #tpu.memory_space<vmem>>, vector<128x128xf32>
    %dot_general3A_24 = arith.constant dense<0.000000e+00> : vector<2000x128xf32>
    %dot_general3A_25 = tpu.matmul %get3A_20, %get3A_23, %dot_general3A_24 {dimension_numbers = #tpu.dot_dimension_numbers<[1], [0], [0], [1], [0, 0, 1, 1], [], []>, transpose_lhs_hint = false} : vector<2000x128xf32>, vector<128x128xf32>, vector<2000x128xf32> -> vector<2000x128xf32>
    %get3A_26 = arith.constant 0 : index
    %get3A_27 = arith.constant 0 : index
    %get3A_28 = vector.load %arg2[%get3A_26, %get3A_27] : memref<2000x128xf32, #tpu.memory_space<vmem>>, vector<2000x128xf32>
    %get3A_29 = arith.constant 128 : index
    %get3A_30 = arith.constant 0 : index
    %get3A_31 = vector.load %arg7[%get3A_29, %get3A_30] : memref<256x128xf32, #tpu.memory_space<vmem>>, vector<128x128xf32>
    %dot_general3A_32 = arith.constant dense<0.000000e+00> : vector<2000x128xf32>
    %dot_general3A_33 = tpu.matmul %get3A_28, %get3A_31, %dot_general3A_32 {dimension_numbers = #tpu.dot_dimension_numbers<[1], [0], [0], [1], [0, 0, 1, 1], [], []>, transpose_lhs_hint = false} : vector<2000x128xf32>, vector<128x128xf32>, vector<2000x128xf32> -> vector<2000x128xf32>
    %add3A_34 = arith.addf %dot_general3A_25, %dot_general3A_33 : vector<2000x128xf32>
    %get3A_35 = arith.constant 0 : index
    %get3A_36 = arith.constant 0 : index
    %get3A_37 = vector.load %arg8[%get3A_35, %get3A_36] : memref<1x128xf32, #tpu.memory_space<vmem>>, vector<1x128xf32>
    %add3A_38 = vector.broadcast %get3A_37 : vector<1x128xf32> to vector<2000x128xf32>
    %add3A_39 = arith.addf %add3A_34, %add3A_38 : vector<2000x128xf32>
    %get3A_40 = arith.constant 0 : index
    %get3A_41 = arith.constant 0 : index
    %get3A_42 = vector.load %arg4[%get3A_40, %get3A_41] : memref<2000x128xf32, #tpu.memory_space<vmem>>, vector<2000x128xf32>
    %get3A_43 = arith.constant 0 : index
    %get3A_44 = arith.constant 0 : index
    %get3A_45 = vector.load %arg9[%get3A_43, %get3A_44] : memref<1x128xf32, #tpu.memory_space<vmem>>, vector<1x128xf32>
    %add3A_46 = vector.broadcast %get3A_45 : vector<1x128xf32> to vector<2000x128xf32>
    %add3A_47 = arith.addf %get3A_42, %add3A_46 : vector<2000x128xf32>
    %get3A_48 = arith.constant 0 : index
    %get3A_49 = arith.constant 0 : index
    %get3A_50 = vector.load %arg1[%get3A_48, %get3A_49] : memref<2000x128xf32, #tpu.memory_space<vmem>>, vector<2000x128xf32>
    %mul3A_51 = arith.mulf %slice3A, %add3A_47 : vector<2000x128xf32>
    %add3A_52 = arith.addf %get3A_50, %mul3A_51 : vector<2000x128xf32>
    %reduce_sum3A = arith.constant dense<0.000000e+00> : vector<2000xf32>
    %reduce_sum3A_53 = vector.multi_reduction <add>, %add3A_52, %reduce_sum3A [1] : vector<2000x128xf32> to vector<2000xf32>
    %broadcast_in_dim3A = vector.shape_cast %reduce_sum3A_53 : vector<2000xf32> to vector<2000x1xf32>
    %div3A = arith.constant 1.280000e+02 : f32
    %div3A_54 = vector.broadcast %div3A : f32 to vector<2000x1xf32>
    %div3A_55 = arith.divf %broadcast_in_dim3A, %div3A_54 : vector<2000x1xf32>
    %sub3A = vector.broadcast %div3A_55 : vector<2000x1xf32> to vector<2000x128xf32>
    %sub3A_56 = arith.subf %add3A_52, %sub3A : vector<2000x128xf32>
    %integer_pow3A = arith.mulf %sub3A_56, %sub3A_56 : vector<2000x128xf32>
    %reduce_sum3A_57 = arith.constant dense<0.000000e+00> : vector<2000xf32>
    %reduce_sum3A_58 = vector.multi_reduction <add>, %integer_pow3A, %reduce_sum3A_57 [1] : vector<2000x128xf32> to vector<2000xf32>
    %broadcast_in_dim3A_59 = vector.shape_cast %reduce_sum3A_58 : vector<2000xf32> to vector<2000x1xf32>
    %div3A_60 = arith.constant 1.280000e+02 : f32
    %div3A_61 = vector.broadcast %div3A_60 : f32 to vector<2000x1xf32>
    %div3A_62 = arith.divf %broadcast_in_dim3A_59, %div3A_61 : vector<2000x1xf32>
    %sub3A_63 = vector.broadcast %div3A_55 : vector<2000x1xf32> to vector<2000x128xf32>
    %sub3A_64 = arith.subf %add3A_52, %sub3A_63 : vector<2000x128xf32>
    %add3A_65 = arith.constant 9.99999997E-7 : f32
    %add3A_66 = vector.broadcast %add3A_65 : f32 to vector<2000x1xf32>
    %add3A_67 = arith.addf %div3A_62, %add3A_66 : vector<2000x1xf32>
    %rsqrt3A = math.rsqrt %add3A_67 : vector<2000x1xf32>
    %mul3A_68 = vector.broadcast %rsqrt3A : vector<2000x1xf32> to vector<2000x128xf32>
    %mul3A_69 = arith.mulf %sub3A_64, %mul3A_68 : vector<2000x128xf32>
    %add3A_70 = arith.constant 1.000000e+00 : f32
    %add3A_71 = vector.broadcast %add3A_70 : f32 to vector<2000x128xf32>
    %add3A_72 = arith.addf %add3A_71, %slice3A_16 : vector<2000x128xf32>
    %mul3A_73 = arith.mulf %mul3A_69, %add3A_72 : vector<2000x128xf32>
    %add3A_74 = arith.addf %mul3A_73, %slice3A_15 : vector<2000x128xf32>
    %get3A_75 = arith.constant 0 : index
    %get3A_76 = arith.constant 0 : index
    %get3A_77 = vector.load %arg10[%get3A_75, %get3A_76] : memref<128x512xf32, #tpu.memory_space<vmem>>, vector<128x512xf32>
    %dot_general3A_78 = arith.constant dense<0.000000e+00> : vector<2000x512xf32>
    %dot_general3A_79 = tpu.matmul %add3A_74, %get3A_77, %dot_general3A_78 {dimension_numbers = #tpu.dot_dimension_numbers<[1], [0], [0], [1], [0, 0, 1, 1], [], []>, transpose_lhs_hint = false} : vector<2000x128xf32>, vector<128x512xf32>, vector<2000x512xf32> -> vector<2000x512xf32>
    %logistic3A_80 = arith.negf %dot_general3A_79 : vector<2000x512xf32>
    %logistic3A_81 = math.exp %logistic3A_80 : vector<2000x512xf32>
    %logistic3A_82 = arith.constant 1.000000e+00 : f32
    %logistic3A_83 = vector.broadcast %logistic3A_82 : f32 to vector<2000x512xf32>
    %logistic3A_84 = arith.addf %logistic3A_83, %logistic3A_81 : vector<2000x512xf32>
    %logistic3A_85 = arith.divf %logistic3A_83, %logistic3A_84 : vector<2000x512xf32>
    %mul3A_86 = arith.mulf %dot_general3A_79, %logistic3A_85 : vector<2000x512xf32>
    %get3A_87 = arith.constant 0 : index
    %get3A_88 = arith.constant 0 : index
    %get3A_89 = vector.load %arg11[%get3A_87, %get3A_88] : memref<128x512xf32, #tpu.memory_space<vmem>>, vector<128x512xf32>
    %dot_general3A_90 = arith.constant dense<0.000000e+00> : vector<2000x512xf32>
    %dot_general3A_91 = tpu.matmul %add3A_74, %get3A_89, %dot_general3A_90 {dimension_numbers = #tpu.dot_dimension_numbers<[1], [0], [0], [1], [0, 0, 1, 1], [], []>, transpose_lhs_hint = false} : vector<2000x128xf32>, vector<128x512xf32>, vector<2000x512xf32> -> vector<2000x512xf32>
    %mul3A_92 = arith.mulf %mul3A_86, %dot_general3A_91 : vector<2000x512xf32>
    %get3A_93 = arith.constant 0 : index
    %get3A_94 = arith.constant 0 : index
    %get3A_95 = vector.load %arg12[%get3A_93, %get3A_94] : memref<512x128xf32, #tpu.memory_space<vmem>>, vector<512x128xf32>
    %dot_general3A_96 = arith.constant dense<0.000000e+00> : vector<2000x128xf32>
    %dot_general3A_97 = tpu.matmul %mul3A_92, %get3A_95, %dot_general3A_96 {dimension_numbers = #tpu.dot_dimension_numbers<[1], [0], [0], [1], [0, 0, 1, 1], [], []>, transpose_lhs_hint = false} : vector<2000x512xf32>, vector<512x128xf32>, vector<2000x128xf32> -> vector<2000x128xf32>
    %add3A_98 = arith.addf %add3A_39, %add3A_74 : vector<2000x128xf32>
    %mul3A_99 = arith.mulf %slice3A_17, %dot_general3A_97 : vector<2000x128xf32>
    %add3A_100 = arith.addf %add3A_98, %mul3A_99 : vector<2000x128xf32>
    %swap3A = arith.constant 0 : index
    %swap3A_101 = arith.constant 0 : index
    %swap3A_102 = vector.load %arg13[%swap3A, %swap3A_101] : memref<2000x128xf32, #tpu.memory_space<vmem>>, vector<2000x128xf32>
    tpu.vector_store %arg13[%swap3A, %swap3A_101], %add3A_100 {strides = array<i32>} : memref<2000x128xf32, #tpu.memory_space<vmem>>, vector<2000x128xf32>,
    return
  }
  func.func @transform_0(%arg0: i32) -> (i32, i32) {
    %c0_i32 = arith.constant 0 : i32
    %c0_i32_0 = arith.constant 0 : i32
    return %arg0, %c0_i32 : i32, i32
  }
  func.func @transform_1(%arg0: i32) -> (i32, i32) {
    %c0_i32 = arith.constant 0 : i32
    %c0_i32_0 = arith.constant 0 : i32
    return %arg0, %c0_i32 : i32, i32
  }
  func.func @transform_2(%arg0: i32) -> (i32, i32) {
    %c0_i32 = arith.constant 0 : i32
    %c0_i32_0 = arith.constant 0 : i32
    return %arg0, %c0_i32 : i32, i32
  }
  func.func @transform_3(%arg0: i32) -> (i32, i32) {
    %c0_i32 = arith.constant 0 : i32
    %c0_i32_0 = arith.constant 0 : i32
    return %arg0, %c0_i32 : i32, i32
  }
  func.func @transform_4(%arg0: i32) -> (i32, i32) {
    %c0_i32 = arith.constant 0 : i32
    %c0_i32_0 = arith.constant 0 : i32
    %c0_i32_1 = arith.constant 0 : i32
    return %c0_i32, %c0_i32_0 : i32, i32
  }
  func.func @transform_5(%arg0: i32) -> (i32, i32) {
    %c0_i32 = arith.constant 0 : i32
    %c0_i32_0 = arith.constant 0 : i32
    %c0_i32_1 = arith.constant 0 : i32
    return %c0_i32, %c0_i32_0 : i32, i32
  }
  func.func @transform_6(%arg0: i32) -> (i32, i32) {
    %c0_i32 = arith.constant 0 : i32
    %c0_i32_0 = arith.constant 0 : i32
    %c0_i32_1 = arith.constant 0 : i32
    return %c0_i32, %c0_i32_0 : i32, i32
  }
  func.func @transform_7(%arg0: i32) -> (i32, i32) {
    %c0_i32 = arith.constant 0 : i32
    %c0_i32_0 = arith.constant 0 : i32
    %c0_i32_1 = arith.constant 0 : i32
    return %c0_i32, %c0_i32_0 : i32, i32
  }
  func.func @transform_8(%arg0: i32) -> (i32, i32) {
    %c0_i32 = arith.constant 0 : i32
    %c0_i32_0 = arith.constant 0 : i32
    %c0_i32_1 = arith.constant 0 : i32
    return %c0_i32, %c0_i32_0 : i32, i32
  }
  func.func @transform_9(%arg0: i32) -> (i32, i32) {
    %c0_i32 = arith.constant 0 : i32
    %c0_i32_0 = arith.constant 0 : i32
    %c0_i32_1 = arith.constant 0 : i32
    return %c0_i32, %c0_i32_0 : i32, i32
  }
  func.func @transform_10(%arg0: i32) -> (i32, i32) {
    %c0_i32 = arith.constant 0 : i32
    %c0_i32_0 = arith.constant 0 : i32
    %c0_i32_1 = arith.constant 0 : i32
    return %c0_i32, %c0_i32_0 : i32, i32
  }
  func.func @transform_11(%arg0: i32) -> (i32, i32) {
    %c0_i32 = arith.constant 0 : i32
    %c0_i32_0 = arith.constant 0 : i32
    %c0_i32_1 = arith.constant 0 : i32
    return %c0_i32, %c0_i32_0 : i32, i32
  }
  func.func @transform_12(%arg0: i32) -> (i32, i32) {
    %c0_i32 = arith.constant 0 : i32
    %c0_i32_0 = arith.constant 0 : i32
    return %arg0, %c0_i32 : i32, i32
  }
}

</mosaic_0001>

<sc_bundles>
// kernel: kernel.11.cloned.1.call-start
scs
__scs_entry_jumppad:
0x0: {  	(pc) =	sbr.rel $0x88, $3  }
0x1: {  	(tag) =	ssettag $0x0;
	lr =	simm.s32 $0x1  }
0x2: {  	[smem:$0x3F88] =	sst lr;
	_ =	strace $0xD0000000  }
0x3: {  	_ = 	snop  }
0x4: {  	_ = 	snop  }
0x5: {  	_ = 	snop  }
0x6: {  	_ = 	snop  }
0x7: {  	_ = 	snop  }
__scs_overlays_trampoline_lowered:
0x8: {  	[smem:$0x3F97] =	sst s0  }
0x9: {  	[smem:$0x3F98] =	sst s1  }
0xa: {  	[smem:$0x3F99] =	sst s2  }
0xb: {  	[smem:$0x3F9A] =	sst s3  }
0xc: {  	[smem:$0x3F9B] =	sst s4  }
0xd: {  	[smem:$0x3F9C] =	sst s5  }
0xe: {  	[smem:$0x3F9D] =	sst s6  }
0xf: {  	[smem:$0x3F9E] =	sst s7  }
0x10: {  	[smem:$0x3F9F] =	sst s8  }
0x11: {  	[smem:$0x3FA0] =	sst s9;
	s0 =	simm.s32 @!p0 $0x0  }
0x12: {  	s1 =	sld [smem:$0x3F86];
	s0 =	simm.s32 @p0 $0x1  }
0x13: {  	[smem:$0x3FA1] =	sst s0;
	s0 =	simm.s32 @!p1 $0x0  }
0x14: {  	s2 =	sld [smem:$0x3F85];
	s0 =	simm.s32 @p1 $0x1  }
0x15: {  	[smem:$0x3FA2] =	sst s0;
	s0 =	simm.s32 @!p2 $0x0  }
0x16: {  	s3 =	sld [smem:$0x3FDB];
	s0 =	simm.s32 @p2 $0x1  }
0x17: {  	s4 =	simm.s32 $0x1BF5;
	[smem:$0x3FA4] =	sst s0  }
0x18: {  	s0 =	sld [smem:$0x3F87];
	_ =	swait.ge [sflag:s4], $0x0  }
0x19: {  	s7 =	sld [smem:$0x3F88]  }
0x1a: {  	s8 =	sadd.s32 $0xFFFFE003, lr  }
0x1b: {  	s9 =	sadd.s32 $0xFFFFFEF7, lr;
	s5 =	simm.s32 $0xFFFFFFFF;
	p2 =	slt.u32 s8, $0xFFFFF086  }
0x1c: {  	p1 =	slt.u32 s9, $0xF7A;
	s5 =	simm.s32 @!p2 $0x0  }
0x1d: {  	s5 =	simm.s32 @p1 $0x1;
	p0 =	seq.s32 s7, s2  }
0x1e: {  	s7 =	smul.u32 @!p0 $0xF7A, s2;
	p2 =	seq.s32 @!p0 s5, $0x0  }
0x1f: {  	s9 =	smul.u32 $0xF7A, s1;
	s8 =	simm.s32 @!p0 $0x1BF5;
	p2 =	por !p2, p0  }
0x20: {  	[sflag:s8] =	ssyncset.s32 @!p0 $0xFFFFF086;
	s6 =	sadd.s32 @!p0 s3, s7;
	s7 =	simm.s32 @!p0 $0x108  }
0x21: {  	s3 =	sadd.s32 s3, s9;
	s6 =	sadd.s32 @!p0 $0x88, s6;
	s7 =	simm.s32 @p2 $0x1082  }
0x22: {  	[simem:s7], [sflag:s8] =	dma.local @!p0 [hbm:s6], $0xF7A  }
0x23: {  	s9 =	sor.u32 $0xD0000000, s2;
	s6 =	simm.s32 $0x108;
	_ =	swait.ge @!p0 [sflag:s8], $0x0  }
0x24: {  	s3 =	sadd.s32 $0x88, s3;
	s6 =	simm.s32 @!p1 $0x1082;
	[sflag:s4] =	ssyncset.s32 $0xFFFFF086  }
0x25: {  	[simem:s6], [sflag:s4] =	dma.local [hbm:s3], $0xF7A  }
0x26: {  	[smem:$0x3F88] =	sst s1;
	(tag) =	ssettag s2;
	_ =	strace s9  }
0x27: {  	s1 =	sld [smem:$0x3F98]  }
0x28: {  	s2 =	sld [smem:$0x3F99]  }
0x29: {  	s4 =	sld [smem:$0x3F9B]  }
0x2a: {  	p0 =	seq.s32 s5, $0x0;
	s5 =	sld [smem:$0x3F9C]  }
0x2b: {  	s6 =	sld [smem:$0x3F9D]  }
0x2c: {  	s7 =	sld [smem:$0x3F9E]  }
0x2d: {  	s3 =	simm.s32 $0x108;
	s8 =	sld [smem:$0x3F9F]  }
0x2e: {  	s3 =	simm.s32 @!p0 $0x1082;
	s9 =	sld [smem:$0x3FA0]  }
0x2f: {  	lr =	sadd.s32 s0, s3;
	s0 =	sld [smem:$0x3F97]  }
0x30: {  	s3 =	sld [smem:$0x3F9A]  }
0x31: {  	[smem:$0x3FA3] =	sst s10  }
0x32: {  	s10 =	sld [smem:$0x3FA1];
	_ =	sdelay $0x3  }
0x33: {  	p0 =	seq.s32 s10, $0x1;
	s10 =	sld [smem:$0x3FA3];
	_ =	sdelay $0x3  }
0x34: {  	[smem:$0x3FA3] =	sst s10  }
0x35: {  	s10 =	sld [smem:$0x3FA2];
	_ =	sdelay $0x3  }
0x36: {  	p1 =	seq.s32 s10, $0x1;
	s10 =	sld [smem:$0x3FA3];
	_ =	sdelay $0x3  }
0x37: {  	[smem:$0x3FA3] =	sst s10  }
0x38: {  	s10 =	sld [smem:$0x3FA4]  }
0x39: {  	_ = 	snop;
	(pc) =	sbr.ind lr, $3  }
0x3a: {  	_ = 	snop  }
0x3b: {  	_ = 	snop  }
0x3c: {  	p2 =	seq.s32 s10, $0x1;
	s10 =	sld [smem:$0x3FA3]  }
0x3d: {  	_ =	shalt  }
0x3e: {  	_ =	shalt  }
0x3f: {  	_ =	shalt  }
0x40: {  	_ =	shalt  }
0x41: {  	_ =	shalt  }
0x42: {  	_ =	shalt  }
0x43: {  	_ =	shalt  }
0x44: {  	_ =	shalt  }
0x45: {  	_ =	shalt  }
0x46: {  	_ =	shalt  }
0x47: {  	_ =	shalt  }
0x48: {  	_ =	shalt  }
0x49: {  	_ =	shalt  }
0x4a: {  	_ =	shalt  }
0x4b: {  	_ =	shalt  }
0x4c: {  	_ =	shalt  }
0x4d: {  	_ =	shalt  }
0x4e: {  	_ =	shalt  }
0x4f: {  	_ =	shalt  }
0x50: {  	_ =	shalt  }
0x51: {  	_ =	shalt  }
0x52: {  	_ =	shalt  }
0x53: {  	_ =	shalt  }
0x54: {  	_ =	shalt  }
0x55: {  	_ =	shalt  }
0x56: {  	_ =	shalt  }
0x57: {  	_ =	shalt  }
0x58: {  	_ =	shalt  }
0x59: {  	_ =	shalt  }
0x5a: {  	_ =	shalt  }
0x5b: {  	_ =	shalt  }
0x5c: {  	_ =	shalt  }
0x5d: {  	_ =	shalt  }
0x5e: {  	_ =	shalt  }
0x5f: {  	_ =	shalt  }
0x60: {  	_ =	shalt  }
0x61: {  	_ =	shalt  }
0x62: {  	_ =	shalt  }
0x63: {  	_ =	shalt  }
0x64: {  	_ =	shalt  }
0x65: {  	_ =	shalt  }
0x66: {  	_ =	shalt  }
0x67: {  	_ =	shalt  }
0x68: {  	_ =	shalt  }
0x69: {  	_ =	shalt  }
0x6a: {  	_ =	shalt  }
0x6b: {  	_ =	shalt  }
0x6c: {  	_ =	shalt  }
0x6d: {  	_ =	shalt  }
0x6e: {  	_ =	shalt  }
0x6f: {  	_ =	shalt  }
0x70: {  	_ =	shalt  }
0x71: {  	_ =	shalt  }
0x72: {  	_ =	shalt  }
0x73: {  	_ =	shalt  }
0x74: {  	_ =	shalt  }
0x75: {  	_ =	shalt  }
0x76: {  	_ =	shalt  }
0x77: {  	_ =	shalt  }
0x78: {  	_ =	shalt  }
0x79: {  	_ =	shalt  }
0x7a: {  	_ =	shalt  }
0x7b: {  	_ =	shalt  }
0x7c: {  	_ =	shalt  }
0x7d: {  	_ =	shalt  }
0x7e: {  	_ =	shalt  }
0x7f: {  	_ =	shalt  }
0x80: {  	_ =	shalt  }
0x81: {  	_ =	shalt  }
0x82: {  	_ =	shalt  }
0x83: {  	_ =	shalt  }
0x84: {  	_ =	shalt  }
0x85: {  	_ =	shalt  }
0x86: {  	_ =	shalt  }
0x87: {  	_ =	shalt  }
.Lfunc_end0:
.L_simem_size_0:
called_computation.1_lowered:
.L_overlay_start_0:
0x88: {  	s2 =	sld [smem:$0x3FD9]  }
0x89: {  	s3 =	sld [smem:$0x3FFE];
	_ =	sdelay $0x1  }
0x8a: {  	s1 =	srdreg.scid  }
0x8b: {  	s0 =	sand.u32 $0x1, s1  }
0x8c: {  	s14 =	sshll.u32 s0, $0xA;
	s2 =	sadd.s32 s3, s2  }
0x8d: {  	s2 =	sadd.s32 s2, s14  }
0x8e: {  	[smem:$0x3FAF] =	sst s2  }
0x8f: {  	_ = 	snop  }
0x90: {  	s2 =	sld [smem:$0x3FD0];
	_ =	sdelay $0x2  }
0x91: {  	s15 =	simm.s32 $0xB;
	s4 =	simm.s32 $0x10  }
0x92: {  	[smem:s4], [sflag:s15] =	dma.local [hbm:s2], $0x1  }
0x93: {  	_ =	swait.eq [sflag:s15], $0x1  }
0x94: {  	[sflag:s15] =	ssyncset.done $0x0  }
0x95: {  	[sflag:s15] =	ssyncadd.s32 $0xFFFFFFFF  }
0x96: {  	s16 =	sld [smem:$0x11];
	(tm) =	ssettm $0x1  }
0x97: {  	s17 =	sld [smem:$0x3FFB];
	_ =	sdelay $0x3  }
0x98: {  	_ =	strace s17  }
0x99: {  	s3 =	sld [smem:$0x3FFC];
	_ =	sdelay $0x3  }
0x9a: {  	_ =	strace s3  }
0x9b: {  	s3 =	sld [smem:$0x3FFD];
	_ =	sdelay $0x3  }
0x9c: {  	_ =	strace s3  }
0x9d: {  	_ =	strace $0x8FFFFFFF  }
0x9e: {  	s18 =	sld [smem:$0x3FDB];
	_ =	sdelay $0x1  }
0x9f: {  	s19 =	simm.s32 $_scs_section_size  }
0xa0: {  	s5 =	simm.s32 $_size__tile_overlayer_lowered;
	s6 =	simm.s32 $_tile_overlayer_lowered  }
0xa1: {  	s22 =	simm.s32 $0x1BFF;
	s21 =	sshll.u32 s6, $0x1;
	s3 =	sadd.s32 s19, s18  }
0xa2: {  	s7 =	simm.s32 $0x0;
	s20 =	sshll.u32 s5, $0x1;
	s5 =	sadd.s32 s21, s3  }
0xa3: {  	[timem:s7], [sflag:s22] =	dma.local [hbm:s5], s20  }
0xa4: {  	_ =	swait.ge [sflag:s22], s20  }
0xa5: {  	s4 =	ssub.s32 $0x0, s20;
	[sflag:s22] =	ssyncset.done $0x0  }
0xa6: {  	[sflag:s22] =	ssyncadd.s32 s4;
	_ =	sdelay $0x1  }
0xa7: {  	s23 =	simm.s32 $0x1B8B  }
0xa8: {  	_ =	swait.ge [sflag:s23], $0x1  }
0xa9: {  	[sflag:s23] =	ssyncset.done $0x0  }
0xaa: {  	s25 =	simm.s32 $0x1B8E;
	s24 =	sld [smem:$0x3FFE];
	[sflag:s23] =	ssyncadd.s32 $0xFFFFFFFF  }
0xab: {  	s26 =	simm.s32 $execute0_lowered;
	[smem:$0x3FD2] =	sst s25  }
0xac: {  	s5 =	sshll.u32 s26, $0x1;
	_ =	strace $0x80000046;
	[dreg:$0x1] =	wrdreg $0xFFFFFFFF  }
0xad: {  	s28 =	simm.s32 $_size_execute0_lowered;
	s3 =	sadd.s32 s3, s5;
	[dreg:$0x0] =	wrdreg $0x0  }
0xae: {  	s5 =	sshll.u32 s28, $0x1;
	[dreg:$0x2] =	wrdreg s3  }
0xaf: {  	[dreg:$0x3] =	wrdreg s5  }
0xb0: {  	[dreg:$0x4] =	wrdreg $0xC0  }
0xb1: {  	_ =	task [dreg:s7], $0x5FFFF  }
0xb2: {  	[dreg:$0x1] =	wrdreg $0xFFFFFFFF  }
0xb3: {  	[dreg:$0x0] =	wrdreg $0x60  }
0xb4: {  	[dreg:$0x2] =	wrdreg s16  }
0xb5: {  	[dreg:$0x3] =	wrdreg s24  }
0xb6: {  	[dreg:$0x4] =	wrdreg $0x9  }
0xb7: {  	_ =	task.clear_ibuf [dreg:s7], $0x5FFFF;
	_ =	strace $0x90000046  }
0xb8: {  	s29 =	simm.s32 $0x9;
	_ =	strace $0x80000048  }
0xb9: {  	_ =	swait.ge [sflag:s29], $0x1  }
0xba: {  	[sflag:s29] =	ssyncadd.s32 $0xFFFFFFFF  }
0xbb: {  	_ =	strace $0x90000048  }
0xbc: {  	_ =	sfence  }
0xbd: {  	s30 =	sld [smem:$0x0];
	_ =	sdelay $0x2  }
0xbe: {  	s31 =	sshll.u32 s1, $0xD;
	s1 =	sshrl.u32 s1, $0x2  }
0xbf: {  	s3 =	sand.u32 $0x4000, s31;
	s1 =	sadd.s32 s1, s30  }
0xc0: {  	s0 =	sor.u32 s3, s0;
	s1 =	sshll.u32 s1, $0x11  }
0xc1: {  	s0 =	sor.u32 s1, s0  }
0xc2: {  	s0 =	sadd.s32 $0x8F2B, s0  }
0xc3: {  	[sflag:s0] =	ssyncadd.remote.s32 $0x1  }
0xc4: {  	_ =	sfence.sel $0xFFFF  }
0xc5: {  	[dreg:$0x0] =	wrdreg $0xFFFFFFFF;
	(pc) =	sbr.abs _section_cstart, $3  }
0xc6: {  	[dreg:$0x1] =	wrdreg $0xFFFFFFFF  }
0xc7: {  	_ =	task.clear_ibuf [dreg:s7], $0x2FFFF;
	_ =	strace $0x9FFFFFFF  }
0xc8: {  	(tm) =	ssettm $0x7FFFFFFF  }
0xc9: {  	_ =	shalt  }
tec
execute0_lowered:
.L_overlay_start_1:
0x0: {  	(tag) =	ssettag $0x1  }
0x1: {  	s1 =	rddreg [dreg:$0x0]  }
0x2: {  	s7 =	rddreg [dreg:$0x1]  }
0x3: {  	s0 =	rddreg [dreg:$0x2];
	s2 =	simm.s32 $0x0;
	s3 =	srdreg.scid  }
0x4: {  	s12 =	simm.s32 $0x50;
	s13 =	simm.s32 $0x100;
	s14 =	simm.s32 $0x2900  }
0x5: {  	s15 =	simm.s32 $0x0;
	[smem:$0x7FF] =	sst s2;
	s8 =	sand.u32 $0x1, s3  }
0x6: {  	s4 =	sadd.s32 $0x103000, s7;
	s3 =	stileid.u32;
	s5 =	sadd.s32 $0xEC00, s7  }
0x7: {  	s6 =	sadd.s32 $0x4E00, s7;
	s7 =	sadd.s32 $0x12A200, s7;
	s9 =	ssub.s32 $0x2, s8  }
0x8: {  	_ =	strace $0x80000047;
	s11 =	sshll.u32 s3, $0x1;
	s10 =	sshrl.u32 s9, $0x1  }
0x9: {  	s8 =	sor.u32 s8, s11;
	s11 =	simm.s32 $0x80;
	s9 =	ssub.s32 s9, s10  }
0xa: {  	s8 =	smul.u32 $0x2710, s8;
	s10 =	simm.s32 $0x1;
	s9 =	smax.u32 s9, $0x1  }
.LBB2_1:
0xb: {  	s16 =	simm.s32 $0x0  }
.LBB2_2:
0xc: {  	s17 =	smul.u32 $0x50, s16;
	_ =	sdelay $0x1  }
0xd: {  	s17 =	sadd.s32 s8, s17  }
0xe: {  	s18 =	sshrl.u32 s17, $0x3  }
0xf: {  	s19 =	sadd.s32 s5, s18  }
0x10: {  	[tilespmem:s2], [sflag:$0x1] =	stream.linear.gather [hbm4b:s19+s2], $0x50, $0x38;
	[tilespmem:$0x5100] =	vst v63  }
0x11: {  	_ =	swait.ge [sflag:s10], $0x50  }
0x12: {  	[sflag:s10] =	ssyncset.done $0x0  }
0x13: {  	s18 =	sadd.s32 s6, s18;
	[sflag:s10] =	ssyncadd.s32 $0xFFFFFFB0  }
0x14: {  	[tilespmem:s11], [sflag:$0x1] =	stream.linear.gather [hbm4b:s18+s2], $0x50, $0x38;
	[tilespmem:$0x5100] =	vst v63  }
0x15: {  	_ =	swait.ge [sflag:s10], $0x50  }
0x16: {  	[sflag:s10] =	ssyncset.done $0x0  }
0x17: {  	[sflag:s10] =	ssyncadd.s32 $0xFFFFFFB0  }
0x18: {  	[tilespmem:s13], [sflag:$0x1] =	stream.indirect.gather [hbm4b:s1+s12], $0x80, s2, s12, $0xb8;
	[tilespmem:$0x5100] =	vst v63  }
0x19: {  	_ =	swait.ge [sflag:s10], $0x2800  }
0x1a: {  	[sflag:s10] =	ssyncset.done $0x0  }
0x1b: {  	[sflag:s10] =	ssyncadd.s32 $0xFFFFD800  }
0x1c: {  	[tilespmem:s14], [sflag:$0x1] =	stream.indirect.gather [hbm4b:s4+s12], $0x80, s11, s12, $0xb8;
	[tilespmem:$0x5100] =	vst v63  }
0x1d: {  	_ =	swait.ge [sflag:s10], $0x2800  }
0x1e: {  	[sflag:s10] =	ssyncset.done $0x0  }
0x1f: {  	s18 =	simm.s32 $0x180;
	[sflag:s10] =	ssyncadd.s32 $0xFFFFD800  }
0x20: {  	s19 =	simm.s32 $0x2980;
	v0 =	vld [tilespmem:s18+$0xFFFFFF80]  }
0x21: {  	v1 =	vld [tilespmem:s19+$0xFFFFFF80];
	_ =	sdelay $0x4  }
0x22: {  	v0 =	vmul.f32 v1, v0;
	_ =	sdelay $0x1  }
0x23: {  	[tilespmem:s18+$0xFFFFFF80] =	vst v0;
	v0 =	vld [tilespmem:s18+$0xFFFFFF90]  }
0x24: {  	v1 =	vld [tilespmem:s19+$0xFFFFFF90];
	_ =	sdelay $0x4  }
0x25: {  	v0 =	vmul.f32 v1, v0;
	_ =	sdelay $0x1  }
0x26: {  	[tilespmem:s18+$0xFFFFFF90] =	vst v0;
	v0 =	vld [tilespmem:s18+$0xFFFFFFA0]  }
0x27: {  	v1 =	vld [tilespmem:s19+$0xFFFFFFA0];
	_ =	sdelay $0x4  }
0x28: {  	v0 =	vmul.f32 v1, v0;
	_ =	sdelay $0x1  }
0x29: {  	[tilespmem:s18+$0xFFFFFFA0] =	vst v0;
	v0 =	vld [tilespmem:s18+$0xFFFFFFB0]  }
0x2a: {  	v1 =	vld [tilespmem:s19+$0xFFFFFFB0];
	_ =	sdelay $0x4  }
0x2b: {  	v0 =	vmul.f32 v1, v0;
	_ =	sdelay $0x1  }
0x2c: {  	[tilespmem:s18+$0xFFFFFFB0] =	vst v0;
	v0 =	vld [tilespmem:s18+$0xFFFFFFC0]  }
0x2d: {  	v1 =	vld [tilespmem:s19+$0xFFFFFFC0];
	_ =	sdelay $0x4  }
0x2e: {  	v0 =	vmul.f32 v1, v0;
	_ =	sdelay $0x1  }
0x2f: {  	[tilespmem:s18+$0xFFFFFFC0] =	vst v0;
	v0 =	vld [tilespmem:s18+$0xFFFFFFD0]  }
0x30: {  	v1 =	vld [tilespmem:s19+$0xFFFFFFD0];
	_ =	sdelay $0x4  }
0x31: {  	v0 =	vmul.f32 v1, v0;
	_ =	sdelay $0x1  }
0x32: {  	[tilespmem:s18+$0xFFFFFFD0] =	vst v0;
	v0 =	vld [tilespmem:s18+$0xFFFFFFE0]  }
0x33: {  	v1 =	vld [tilespmem:s19+$0xFFFFFFE0];
	_ =	sdelay $0x4  }
0x34: {  	v0 =	vmul.f32 v1, v0;
	_ =	sdelay $0x1  }
0x35: {  	[tilespmem:s18+$0xFFFFFFE0] =	vst v0;
	v0 =	vld [tilespmem:s18+$0xFFFFFFF0]  }
0x36: {  	v1 =	vld [tilespmem:s19+$0xFFFFFFF0];
	_ =	sdelay $0x4  }
0x37: {  	v0 =	vmul.f32 v1, v0;
	_ =	sdelay $0x1  }
0x38: {  	[tilespmem:s18+$0xFFFFFFF0] =	vst v0;
	v0 =	vld [tilespmem:s18+$0x0]  }
0x39: {  	v1 =	vld [tilespmem:s19+$0x0];
	_ =	sdelay $0x4  }
0x3a: {  	v0 =	vmul.f32 v1, v0;
	_ =	sdelay $0x1  }
0x3b: {  	[tilespmem:s18+$0x0] =	vst v0;
	v0 =	vld [tilespmem:s18+$0x10]  }
0x3c: {  	v1 =	vld [tilespmem:s19+$0x10];
	_ =	sdelay $0x4  }
0x3d: {  	v0 =	vmul.f32 v1, v0;
	_ =	sdelay $0x1  }
0x3e: {  	[tilespmem:s18+$0x10] =	vst v0;
	v0 =	vld [tilespmem:s18+$0x20]  }
0x3f: {  	v1 =	vld [tilespmem:s19+$0x20];
	_ =	sdelay $0x4  }
0x40: {  	v0 =	vmul.f32 v1, v0;
	_ =	sdelay $0x1  }
0x41: {  	[tilespmem:s18+$0x20] =	vst v0;
	v0 =	vld [tilespmem:s18+$0x30]  }
0x42: {  	v1 =	vld [tilespmem:s19+$0x30];
	_ =	sdelay $0x4  }
0x43: {  	v0 =	vmul.f32 v1, v0;
	_ =	sdelay $0x1  }
0x44: {  	[tilespmem:s18+$0x30] =	vst v0;
	v0 =	vld [tilespmem:s18+$0x40]  }
0x45: {  	v1 =	vld [tilespmem:s19+$0x40];
	_ =	sdelay $0x4  }
0x46: {  	v0 =	vmul.f32 v1, v0;
	_ =	sdelay $0x1  }
0x47: {  	[tilespmem:s18+$0x40] =	vst v0;
	v0 =	vld [tilespmem:s18+$0x50]  }
0x48: {  	v1 =	vld [tilespmem:s19+$0x50];
	_ =	sdelay $0x4  }
0x49: {  	v0 =	vmul.f32 v1, v0;
	_ =	sdelay $0x1  }
0x4a: {  	[tilespmem:s18+$0x50] =	vst v0;
	v0 =	vld [tilespmem:s18+$0x60]  }
0x4b: {  	v1 =	vld [tilespmem:s19+$0x60];
	_ =	sdelay $0x4  }
0x4c: {  	v0 =	vmul.f32 v1, v0;
	_ =	sdelay $0x1  }
0x4d: {  	[tilespmem:s18+$0x60] =	vst v0;
	v0 =	vld [tilespmem:s18+$0x70]  }
0x4e: {  	v1 =	vld [tilespmem:s19+$0x70];
	_ =	sdelay $0x4  }
0x4f: {  	v0 =	vmul.f32 v1, v0  }
0x50: {  	s20 =	simm.s32 $0x0;
	s21 =	simm.s32 $0x280  }
.LBB2_3:
0x51: {  	v1 =	vld [tilespmem:s21+$0xFFFFFF80];
	[tilespmem:s18+$0x70] =	vst v0;
	s19 =	sadd.s32 $0x100, s19;
	s18 =	smov.u32 s21  }
0x52: {  	s20 =	sadd.s32 $0x2, s20;
	v0 =	vld [tilespmem:s19+$0xFFFFFF80]  }
0x53: {  	p0 =	slt.u32 s20, $0x4E;
	_ =	sdelay $0x3  }
0x54: {  	v0 =	vmul.f32 v0, v1;
	_ =	sdelay $0x1  }
0x55: {  	[tilespmem:s21+$0xFFFFFF80] =	vst v0;
	v0 =	vld [tilespmem:s21+$0xFFFFFF90]  }
0x56: {  	v1 =	vld [tilespmem:s19+$0xFFFFFF90];
	_ =	sdelay $0x4  }
0x57: {  	v0 =	vmul.f32 v1, v0;
	_ =	sdelay $0x1  }
0x58: {  	[tilespmem:s21+$0xFFFFFF90] =	vst v0;
	v0 =	vld [tilespmem:s21+$0xFFFFFFA0]  }
0x59: {  	v1 =	vld [tilespmem:s19+$0xFFFFFFA0];
	_ =	sdelay $0x4  }
0x5a: {  	v0 =	vmul.f32 v1, v0;
	_ =	sdelay $0x1  }
0x5b: {  	[tilespmem:s21+$0xFFFFFFA0] =	vst v0;
	v0 =	vld [tilespmem:s21+$0xFFFFFFB0]  }
0x5c: {  	v1 =	vld [tilespmem:s19+$0xFFFFFFB0];
	_ =	sdelay $0x4  }
0x5d: {  	v0 =	vmul.f32 v1, v0;
	_ =	sdelay $0x1  }
0x5e: {  	[tilespmem:s21+$0xFFFFFFB0] =	vst v0;
	v0 =	vld [tilespmem:s21+$0xFFFFFFC0]  }
0x5f: {  	v1 =	vld [tilespmem:s19+$0xFFFFFFC0];
	_ =	sdelay $0x4  }
0x60: {  	v0 =	vmul.f32 v1, v0;
	_ =	sdelay $0x1  }
0x61: {  	[tilespmem:s21+$0xFFFFFFC0] =	vst v0;
	v0 =	vld [tilespmem:s21+$0xFFFFFFD0]  }
0x62: {  	v1 =	vld [tilespmem:s19+$0xFFFFFFD0];
	_ =	sdelay $0x4  }
0x63: {  	v0 =	vmul.f32 v1, v0;
	_ =	sdelay $0x1  }
0x64: {  	[tilespmem:s21+$0xFFFFFFD0] =	vst v0;
	v0 =	vld [tilespmem:s21+$0xFFFFFFE0]  }
0x65: {  	v1 =	vld [tilespmem:s19+$0xFFFFFFE0];
	_ =	sdelay $0x4  }
0x66: {  	v0 =	vmul.f32 v1, v0;
	_ =	sdelay $0x1  }
0x67: {  	[tilespmem:s21+$0xFFFFFFE0] =	vst v0;
	v0 =	vld [tilespmem:s21+$0xFFFFFFF0]  }
0x68: {  	v1 =	vld [tilespmem:s19+$0xFFFFFFF0];
	_ =	sdelay $0x4  }
0x69: {  	v0 =	vmul.f32 v1, v0;
	_ =	sdelay $0x1  }
0x6a: {  	[tilespmem:s21+$0xFFFFFFF0] =	vst v0;
	v0 =	vld [tilespmem:s21+$0x0]  }
0x6b: {  	v1 =	vld [tilespmem:s19+$0x0];
	_ =	sdelay $0x4  }
0x6c: {  	v0 =	vmul.f32 v1, v0;
	_ =	sdelay $0x1  }
0x6d: {  	[tilespmem:s21+$0x0] =	vst v0;
	v0 =	vld [tilespmem:s21+$0x10]  }
0x6e: {  	v1 =	vld [tilespmem:s19+$0x10];
	_ =	sdelay $0x4  }
0x6f: {  	v0 =	vmul.f32 v1, v0;
	_ =	sdelay $0x1  }
0x70: {  	[tilespmem:s21+$0x10] =	vst v0;
	v0 =	vld [tilespmem:s21+$0x20]  }
0x71: {  	v1 =	vld [tilespmem:s19+$0x20];
	_ =	sdelay $0x4  }
0x72: {  	v0 =	vmul.f32 v1, v0;
	_ =	sdelay $0x1  }
0x73: {  	[tilespmem:s21+$0x20] =	vst v0;
	v0 =	vld [tilespmem:s21+$0x30]  }
0x74: {  	v1 =	vld [tilespmem:s19+$0x30];
	_ =	sdelay $0x4  }
0x75: {  	v0 =	vmul.f32 v1, v0;
	_ =	sdelay $0x1  }
0x76: {  	[tilespmem:s21+$0x30] =	vst v0;
	v0 =	vld [tilespmem:s21+$0x40]  }
0x77: {  	v1 =	vld [tilespmem:s19+$0x40];
	_ =	sdelay $0x4  }
0x78: {  	v0 =	vmul.f32 v1, v0;
	_ =	sdelay $0x1  }
0x79: {  	[tilespmem:s21+$0x40] =	vst v0;
	v0 =	vld [tilespmem:s21+$0x50]  }
0x7a: {  	v1 =	vld [tilespmem:s19+$0x50];
	_ =	sdelay $0x4  }
0x7b: {  	v0 =	vmul.f32 v1, v0;
	_ =	sdelay $0x1  }
0x7c: {  	[tilespmem:s21+$0x50] =	vst v0;
	v0 =	vld [tilespmem:s21+$0x60]  }
0x7d: {  	v1 =	vld [tilespmem:s19+$0x60];
	_ =	sdelay $0x4  }
0x7e: {  	v0 =	vmul.f32 v1, v0;
	_ =	sdelay $0x1  }
0x7f: {  	[tilespmem:s21+$0x60] =	vst v0;
	v0 =	vld [tilespmem:s21+$0x70]  }
0x80: {  	v1 =	vld [tilespmem:s19+$0x70];
	_ =	sdelay $0x1  }
.Ltmp0:
0x81: {  	(pc) =	sbr.rel @p0 .LBB2_3-.Ltmp0, $3  }
0x82: {  	_ =	sdelay $0x1  }
0x83: {  	v0 =	vmul.f32 v1, v0  }
0x84: {  	s21 =	sadd.s32 $0x100, s21  }
0x85: {  	s16 =	sadd.s32 $0x1, s16  }
0x86: {  	s17 =	sshll.u32 s17, $0x4;
	p0 =	sne.s32 s16, $0x7D  }
.Ltmp1:
0x87: {  	[tilespmem:s18+$0x70] =	vst v0;
	s17 =	sadd.s32 s7, s17;
	(pc) =	sbr.rel @p0 .LBB2_2-.Ltmp1, $4  }
0x88: {  	[hbm4b:s17+s2] =	stream.linear.scatter [tilespmem:s13], [sflag:$0x1], $0x2800, $0x38;
	[tilespmem:$0x5100] =	vst v63  }
0x89: {  	_ =	swait.ge [sflag:s10], $0x2800  }
0x8a: {  	[sflag:s10] =	ssyncset.done $0x0  }
0x8b: {  	[sflag:s10] =	ssyncadd.s32 $0xFFFFD800  }
0x8c: {  	s15 =	sadd.s32 $0x1, s15  }
0x8d: {  	p0 =	sne.s32 s15, s9  }
.Ltmp2:
0x8e: {  	_ = 	snop;
	(pc) =	sbr.rel @p0 .LBB2_1-.Ltmp2, $1  }
0x8f: {  	_ =	sdelay $0x3  }
0x90: {  	_ =	sfence.sel $0x180000  }
0x91: {  	[bflag:$0x0] =	sbarrier.arrive $0xFFFF  }
0x92: {  	p0 =	sne.s32 s3, $0x0;
	_ =	strace $0x90000047  }
0x93: {  	s0 =	sadd.s32 @!p0 $0x100000, s0;
	[bflag:$0x2] =	sbarrier.arrive $0xFFFF  }
0x94: {  	[sflag:s0] =	ssyncadd.tile.s32 @!p0 $0x1;
	_ =	shalt  }
.Lfunc_end2:
_tile_overlayer_lowered:
.L_overlay_start_2:
0x95: {  	(tag) =	ssettag $0x2  }
0x96: {  	s0 =	rddreg [dreg:$0x0];
	s2 =	stileid.u32  }
0x97: {  	s1 =	rddreg [dreg:$0x1];
	p0 =	sne.s32 s2, $0x0  }
0x98: {  	s3 =	rddreg [dreg:$0x2];
	[bflag:$0x3] =	sbarrier.arrive $0xFFFF;
	s2 =	simm.s32 @!p0 $0x1C01  }
0x99: {  	[timem:s3], [sflag:s2] =	dma.local @!p0 [hbm:s0], s1  }
0x9a: {  	s0 =	simm.s32 @!p0 $0x1  }
0x9b: {  	_ =	swait.ge @!p0 [sflag:s0], s1  }
0x9c: {  	s1 =	ssub.s32 @!p0 $0x0, s1;
	[sflag:s0] =	ssyncset.done @!p0 $0x0  }
0x9d: {  	[sflag:s0] =	ssyncadd.s32 @!p0 s1  }
0x9e: {  	[bflag:$0x3] =	sbarrier.arrive $0xFFFF  }
0x9f: {  	_ =	shalt  }

// kernel: kernel.14.cloned.1.call-start
scs
__scs_entry_jumppad:
0x0: {  	(pc) =	sbr.rel $0x88, $3  }
0x1: {  	(tag) =	ssettag $0x0;
	lr =	simm.s32 $0x1  }
0x2: {  	[smem:$0x3F88] =	sst lr;
	_ =	strace $0xD0000000  }
0x3: {  	_ = 	snop  }
0x4: {  	_ = 	snop  }
0x5: {  	_ = 	snop  }
0x6: {  	_ = 	snop  }
0x7: {  	_ = 	snop  }
__scs_overlays_trampoline_lowered:
0x8: {  	[smem:$0x3F97] =	sst s0  }
0x9: {  	[smem:$0x3F98] =	sst s1  }
0xa: {  	[smem:$0x3F99] =	sst s2  }
0xb: {  	[smem:$0x3F9A] =	sst s3  }
0xc: {  	[smem:$0x3F9B] =	sst s4  }
0xd: {  	[smem:$0x3F9C] =	sst s5  }
0xe: {  	[smem:$0x3F9D] =	sst s6  }
0xf: {  	[smem:$0x3F9E] =	sst s7  }
0x10: {  	[smem:$0x3F9F] =	sst s8  }
0x11: {  	[smem:$0x3FA0] =	sst s9;
	s0 =	simm.s32 @!p0 $0x0  }
0x12: {  	s1 =	sld [smem:$0x3F86];
	s0 =	simm.s32 @p0 $0x1  }
0x13: {  	[smem:$0x3FA1] =	sst s0;
	s0 =	simm.s32 @!p1 $0x0  }
0x14: {  	s2 =	sld [smem:$0x3F85];
	s0 =	simm.s32 @p1 $0x1  }
0x15: {  	[smem:$0x3FA2] =	sst s0;
	s0 =	simm.s32 @!p2 $0x0  }
0x16: {  	s3 =	sld [smem:$0x3FDB];
	s0 =	simm.s32 @p2 $0x1  }
0x17: {  	s4 =	simm.s32 $0x1BF5;
	[smem:$0x3FA4] =	sst s0  }
0x18: {  	s0 =	sld [smem:$0x3F87];
	_ =	swait.ge [sflag:s4], $0x0  }
0x19: {  	s7 =	sld [smem:$0x3F88]  }
0x1a: {  	s8 =	sadd.s32 $0xFFFFE003, lr  }
0x1b: {  	s9 =	sadd.s32 $0xFFFFFEF7, lr;
	s5 =	simm.s32 $0xFFFFFFFF;
	p2 =	slt.u32 s8, $0xFFFFF086  }
0x1c: {  	p1 =	slt.u32 s9, $0xF7A;
	s5 =	simm.s32 @!p2 $0x0  }
0x1d: {  	s5 =	simm.s32 @p1 $0x1;
	p0 =	seq.s32 s7, s2  }
0x1e: {  	s7 =	smul.u32 @!p0 $0xF7A, s2;
	p2 =	seq.s32 @!p0 s5, $0x0  }
0x1f: {  	s9 =	smul.u32 $0xF7A, s1;
	s8 =	simm.s32 @!p0 $0x1BF5;
	p2 =	por !p2, p0  }
0x20: {  	[sflag:s8] =	ssyncset.s32 @!p0 $0xFFFFF086;
	s6 =	sadd.s32 @!p0 s3, s7;
	s7 =	simm.s32 @!p0 $0x108  }
0x21: {  	s3 =	sadd.s32 s3, s9;
	s6 =	sadd.s32 @!p0 $0x88, s6;
	s7 =	simm.s32 @p2 $0x1082  }
0x22: {  	[simem:s7], [sflag:s8] =	dma.local @!p0 [hbm:s6], $0xF7A  }
0x23: {  	s9 =	sor.u32 $0xD0000000, s2;
	s6 =	simm.s32 $0x108;
	_ =	swait.ge @!p0 [sflag:s8], $0x0  }
0x24: {  	s3 =	sadd.s32 $0x88, s3;
	s6 =	simm.s32 @!p1 $0x1082;
	[sflag:s4] =	ssyncset.s32 $0xFFFFF086  }
0x25: {  	[simem:s6], [sflag:s4] =	dma.local [hbm:s3], $0xF7A  }
0x26: {  	[smem:$0x3F88] =	sst s1;
	(tag) =	ssettag s2;
	_ =	strace s9  }
0x27: {  	s1 =	sld [smem:$0x3F98]  }
0x28: {  	s2 =	sld [smem:$0x3F99]  }
0x29: {  	s4 =	sld [smem:$0x3F9B]  }
0x2a: {  	p0 =	seq.s32 s5, $0x0;
	s5 =	sld [smem:$0x3F9C]  }
0x2b: {  	s6 =	sld [smem:$0x3F9D]  }
0x2c: {  	s7 =	sld [smem:$0x3F9E]  }
0x2d: {  	s3 =	simm.s32 $0x108;
	s8 =	sld [smem:$0x3F9F]  }
0x2e: {  	s3 =	simm.s32 @!p0 $0x1082;
	s9 =	sld [smem:$0x3FA0]  }
0x2f: {  	lr =	sadd.s32 s0, s3;
	s0 =	sld [smem:$0x3F97]  }
0x30: {  	s3 =	sld [smem:$0x3F9A]  }
0x31: {  	[smem:$0x3FA3] =	sst s10  }
0x32: {  	s10 =	sld [smem:$0x3FA1];
	_ =	sdelay $0x3  }
0x33: {  	p0 =	seq.s32 s10, $0x1;
	s10 =	sld [smem:$0x3FA3];
	_ =	sdelay $0x3  }
0x34: {  	[smem:$0x3FA3] =	sst s10  }
0x35: {  	s10 =	sld [smem:$0x3FA2];
	_ =	sdelay $0x3  }
0x36: {  	p1 =	seq.s32 s10, $0x1;
	s10 =	sld [smem:$0x3FA3];
	_ =	sdelay $0x3  }
0x37: {  	[smem:$0x3FA3] =	sst s10  }
0x38: {  	s10 =	sld [smem:$0x3FA4]  }
0x39: {  	_ = 	snop;
	(pc) =	sbr.ind lr, $3  }
0x3a: {  	_ = 	snop  }
0x3b: {  	_ = 	snop  }
0x3c: {  	p2 =	seq.s32 s10, $0x1;
	s10 =	sld [smem:$0x3FA3]  }
0x3d: {  	_ =	shalt  }
0x3e: {  	_ =	shalt  }
0x3f: {  	_ =	shalt  }
0x40: {  	_ =	shalt  }
0x41: {  	_ =	shalt  }
0x42: {  	_ =	shalt  }
0x43: {  	_ =	shalt  }
0x44: {  	_ =	shalt  }
0x45: {  	_ =	shalt  }
0x46: {  	_ =	shalt  }
0x47: {  	_ =	shalt  }
0x48: {  	_ =	shalt  }
0x49: {  	_ =	shalt  }
0x4a: {  	_ =	shalt  }
0x4b: {  	_ =	shalt  }
0x4c: {  	_ =	shalt  }
0x4d: {  	_ =	shalt  }
0x4e: {  	_ =	shalt  }
0x4f: {  	_ =	shalt  }
0x50: {  	_ =	shalt  }
0x51: {  	_ =	shalt  }
0x52: {  	_ =	shalt  }
0x53: {  	_ =	shalt  }
0x54: {  	_ =	shalt  }
0x55: {  	_ =	shalt  }
0x56: {  	_ =	shalt  }
0x57: {  	_ =	shalt  }
0x58: {  	_ =	shalt  }
0x59: {  	_ =	shalt  }
0x5a: {  	_ =	shalt  }
0x5b: {  	_ =	shalt  }
0x5c: {  	_ =	shalt  }
0x5d: {  	_ =	shalt  }
0x5e: {  	_ =	shalt  }
0x5f: {  	_ =	shalt  }
0x60: {  	_ =	shalt  }
0x61: {  	_ =	shalt  }
0x62: {  	_ =	shalt  }
0x63: {  	_ =	shalt  }
0x64: {  	_ =	shalt  }
0x65: {  	_ =	shalt  }
0x66: {  	_ =	shalt  }
0x67: {  	_ =	shalt  }
0x68: {  	_ =	shalt  }
0x69: {  	_ =	shalt  }
0x6a: {  	_ =	shalt  }
0x6b: {  	_ =	shalt  }
0x6c: {  	_ =	shalt  }
0x6d: {  	_ =	shalt  }
0x6e: {  	_ =	shalt  }
0x6f: {  	_ =	shalt  }
0x70: {  	_ =	shalt  }
0x71: {  	_ =	shalt  }
0x72: {  	_ =	shalt  }
0x73: {  	_ =	shalt  }
0x74: {  	_ =	shalt  }
0x75: {  	_ =	shalt  }
0x76: {  	_ =	shalt  }
0x77: {  	_ =	shalt  }
0x78: {  	_ =	shalt  }
0x79: {  	_ =	shalt  }
0x7a: {  	_ =	shalt  }
0x7b: {  	_ =	shalt  }
0x7c: {  	_ =	shalt  }
0x7d: {  	_ =	shalt  }
0x7e: {  	_ =	shalt  }
0x7f: {  	_ =	shalt  }
0x80: {  	_ =	shalt  }
0x81: {  	_ =	shalt  }
0x82: {  	_ =	shalt  }
0x83: {  	_ =	shalt  }
0x84: {  	_ =	shalt  }
0x85: {  	_ =	shalt  }
0x86: {  	_ =	shalt  }
0x87: {  	_ =	shalt  }
.Lfunc_end0:
.L_simem_size_0:
called_computation.2_lowered:
.L_overlay_start_0:
0x88: {  	s2 =	sld [smem:$0x3FD9]  }
0x89: {  	s3 =	sld [smem:$0x3FFE];
	_ =	sdelay $0x1  }
0x8a: {  	s1 =	srdreg.scid  }
0x8b: {  	s0 =	sand.u32 $0x1, s1  }
0x8c: {  	s15 =	sshll.u32 s0, $0xA;
	s2 =	sadd.s32 s3, s2  }
0x8d: {  	s2 =	sadd.s32 s2, s15  }
0x8e: {  	[smem:$0x3FAF] =	sst s2  }
0x8f: {  	_ = 	snop  }
0x90: {  	s2 =	sld [smem:$0x3FD0];
	_ =	sdelay $0x2  }
0x91: {  	s16 =	simm.s32 $0xB;
	s4 =	simm.s32 $0x10  }
0x92: {  	[smem:s4], [sflag:s16] =	dma.local [hbm:s2], $0x1  }
0x93: {  	_ =	swait.eq [sflag:s16], $0x1  }
0x94: {  	[sflag:s16] =	ssyncset.done $0x0  }
0x95: {  	[sflag:s16] =	ssyncadd.s32 $0xFFFFFFFF  }
0x96: {  	s17 =	sld [smem:$0x11];
	(tm) =	ssettm $0x1  }
0x97: {  	s18 =	sld [smem:$0x3FFB];
	_ =	sdelay $0x3  }
0x98: {  	_ =	strace s18  }
0x99: {  	s2 =	sld [smem:$0x3FFC];
	_ =	sdelay $0x3  }
0x9a: {  	_ =	strace s2  }
0x9b: {  	s2 =	sld [smem:$0x3FFD];
	_ =	sdelay $0x3  }
0x9c: {  	_ =	strace s2  }
0x9d: {  	_ =	strace $0x8FFFFFFF  }
0x9e: {  	s19 =	sld [smem:$0x3FDB];
	_ =	sdelay $0x1  }
0x9f: {  	s20 =	simm.s32 $_scs_section_size  }
0xa0: {  	s5 =	simm.s32 $_size__tile_overlayer_lowered;
	s6 =	simm.s32 $_tile_overlayer_lowered  }
0xa1: {  	s7 =	simm.s32 $0x1BFF;
	s21 =	sshll.u32 s6, $0x1;
	s4 =	sadd.s32 s20, s19  }
0xa2: {  	s22 =	simm.s32 $0x0;
	s5 =	sshll.u32 s5, $0x1;
	s6 =	sadd.s32 s21, s4  }
0xa3: {  	[timem:s22], [sflag:s7] =	dma.local [hbm:s6], s5  }
0xa4: {  	_ =	swait.ge [sflag:s7], s5  }
0xa5: {  	s5 =	ssub.s32 $0x0, s5;
	[sflag:s7] =	ssyncset.done $0x0  }
0xa6: {  	[sflag:s7] =	ssyncadd.s32 s5;
	_ =	sdelay $0x1  }
0xa7: {  	s23 =	simm.s32 $0x1B8B  }
0xa8: {  	_ =	swait.ge [sflag:s23], $0x1  }
0xa9: {  	[sflag:s23] =	ssyncset.done $0x0  }
0xaa: {  	[sflag:s23] =	ssyncadd.s32 $0xFFFFFFFF  }
0xab: {  	s5 =	sld [smem:$0x0]  }
0xac: {  	s6 =	sand.u32 $0xFFFFFFFE, s1  }
0xad: {  	p0 =	sne.s32 s1, s6  }
0xae: {  	s6 =	sshll.u32 @p0 s6, $0xE  }
0xaf: {  	s6 =	sadd.s32 @p0 $0x11B8D, s6;
	s7 =	sshll.u32 @p0 s5, $0x11  }
0xb0: {  	s6 =	sor.u32 @p0 s7, s6  }
0xb1: {  	[sflag:s6] =	ssyncadd.remote.s32 @p0 $0x1;
	_ =	sdelay $0x1  }
0xb2: {  	s6 =	simm.s32 @p0 $0x1B8D  }
0xb3: {  	_ =	swait.eq @p0 [sflag:s6], $0x1  }
0xb4: {  	[sflag:s6] =	ssyncadd.s32 @p0 $0xFFFFFFFF  }
0xb5: {  	s7 =	sshll.u32 @!p0 s1, $0xE  }
0xb6: {  	s7 =	sor.u32 @!p0 $0x4000, s7;
	s6 =	simm.s32 @!p0 $0x1B8D  }
0xb7: {  	s5 =	sshll.u32 @!p0 s5, $0x11;
	s7 =	sadd.s32 @!p0 $0x11B8D, s7;
	_ =	swait.eq @!p0 [sflag:s6], $0x1  }
0xb8: {  	s5 =	sor.u32 @!p0 s5, s7;
	[sflag:s6] =	ssyncadd.s32 @!p0 $0xFFFFFFFF  }
0xb9: {  	s25 =	simm.s32 $0x1B8E;
	s24 =	sld [smem:$0x3FFE];
	[sflag:s5] =	ssyncadd.remote.s32 @!p0 $0x1  }
0xba: {  	s26 =	simm.s32 $execute0_lowered;
	[smem:$0x3FD2] =	sst s25  }
0xbb: {  	s6 =	sshll.u32 s26, $0x1;
	_ =	strace $0x8000004F;
	[dreg:$0x1] =	wrdreg $0xFFFFFFFF  }
0xbc: {  	s28 =	simm.s32 $_size_execute0_lowered;
	s4 =	sadd.s32 s4, s6;
	[dreg:$0x0] =	wrdreg $0x0  }
0xbd: {  	s6 =	sshll.u32 s28, $0x1;
	[dreg:$0x2] =	wrdreg s4  }
0xbe: {  	[dreg:$0x3] =	wrdreg s6  }
0xbf: {  	[dreg:$0x4] =	wrdreg $0xC0  }
0xc0: {  	_ =	task [dreg:s22], $0x5FFFF  }
0xc1: {  	[dreg:$0x1] =	wrdreg $0xFFFFFFFF  }
0xc2: {  	[dreg:$0x0] =	wrdreg $0x60  }
0xc3: {  	[dreg:$0x2] =	wrdreg s17  }
0xc4: {  	[dreg:$0x3] =	wrdreg s24  }
0xc5: {  	[dreg:$0x4] =	wrdreg $0xA  }
0xc6: {  	_ =	task.clear_ibuf [dreg:s22], $0x5FFFF;
	_ =	strace $0x9000004F  }
0xc7: {  	s29 =	simm.s32 $0xA;
	_ =	strace $0x80000051  }
0xc8: {  	_ =	swait.ge [sflag:s29], $0x1  }
0xc9: {  	[sflag:s29] =	ssyncadd.s32 $0xFFFFFFFF  }
0xca: {  	_ =	strace $0x90000051  }
0xcb: {  	_ =	sfence  }
0xcc: {  	s30 =	sld [smem:$0x0];
	_ =	sdelay $0x2  }
0xcd: {  	s31 =	sshll.u32 s1, $0xD;
	s1 =	sshrl.u32 s1, $0x2  }
0xce: {  	s4 =	sand.u32 $0x4000, s31;
	s1 =	sadd.s32 s1, s30  }
0xcf: {  	s0 =	sor.u32 s4, s0;
	s1 =	sshll.u32 s1, $0x11  }
0xd0: {  	s0 =	sor.u32 s1, s0  }
0xd1: {  	s0 =	sadd.s32 $0x8F2B, s0  }
0xd2: {  	[sflag:s0] =	ssyncadd.remote.s32 $0x1  }
0xd3: {  	_ =	sfence.sel $0xFFFF  }
0xd4: {  	[dreg:$0x0] =	wrdreg $0xFFFFFFFF;
	(pc) =	sbr.abs _section_cstart, $3  }
0xd5: {  	[dreg:$0x1] =	wrdreg $0xFFFFFFFF  }
0xd6: {  	_ =	task.clear_ibuf [dreg:s22], $0x2FFFF;
	_ =	strace $0x9FFFFFFF  }
0xd7: {  	(tm) =	ssettm $0x7FFFFFFF  }
tec
execute0_lowered:
.L_overlay_start_1:
0x0: {  	(tag) =	ssettag $0x1  }
0x1: {  	s5 =	rddreg [dreg:$0x0]  }
0x2: {  	s0 =	srdreg.scid;
	s6 =	rddreg [dreg:$0x1]  }
0x3: {  	s1 =	stileid.u32;
	s2 =	simm.s32 $0x0;
	s11 =	simm.s32 $0x10  }
0x4: {  	s12 =	simm.s32 $0x0;
	s4 =	sand.u32 $0x1, s0;
	s0 =	rddreg [dreg:$0x2]  }
0x5: {  	[smem:$0x7FF] =	sst s2;
	s10 =	smul.u32 $0x4E200, s1;
	s3 =	sshll.u32 s4, $0x4  }
0x6: {  	s8 =	ssub.s32 $0x2, s4;
	s4 =	smul.u32 $0x27100, s4;
	s3 =	sor.u32 s1, s3  }
0x7: {  	_ =	strace $0x80000050;
	s9 =	sshrl.u32 s8, $0x1;
	s7 =	smul.u32 $0x2710, s3  }
0x8: {  	s5 =	sadd.s32 s5, s10;
	s10 =	simm.s32 $0x13900;
	s3 =	sadd.s32 $0x4E00, s6  }
0x9: {  	s31 =	ssub.s32 s8, s9;
	s8 =	simm.s32 $0x15880;
	s6 =	sadd.s32 s7, s6  }
0xa: {  	v0 =	vimm.f32 $0.0e+00;
	vm0 =	vmmov $0xff;
	s9 =	simm.s32 $0x1;
	s7 =	smax.u32 s31, $0x1;
	s6 =	sadd.s32 $0x103000, s6  }
.LBB2_1:
0xb: {  	s13 =	simm.s32 $0x0  }
.LBB2_2:
0xc: {  	p0 =	sne.s32 s13, $0x4E240  }
.Ltmp0:
0xd: {  	_ = 	snop;
	(pc) =	sbr.rel @p0 .LBB2_2-.Ltmp0, $3  }
0xe: {  	_ =	sdelay $0x1  }
0xf: {  	s14 =	sshra.s32 s13, $0x2  }
0x10: {  	s13 =	sadd.s32 $0x40, s13;
	[tilespmem:s14+$0x0] =	vst v0  }
0x11: {  	s13 =	simm.s32 $0x0  }
.LBB2_4:
0x12: {  	s14 =	smul.u32 $0x3E8, s13;
	_ =	sdelay $0x1  }
0x13: {  	s14 =	sadd.s32 s4, s14  }
0x14: {  	s15 =	sshrl.u32 s14, $0x3  }
0x15: {  	s15 =	sadd.s32 s3, s15  }
0x16: {  	[tilespmem:s8], [sflag:$0x1] =	stream.linear.gather [hbm4b:s15+s2], $0x3E8, $0x38;
	[tilespmem:$0x15C80] =	vst v63  }
0x17: {  	_ =	swait.ge [sflag:s9], $0x3E8  }
0x18: {  	[sflag:s9] =	ssyncset.done $0x0  }
0x19: {  	s14 =	sadd.s32 s14, s5;
	[sflag:s9] =	ssyncadd.s32 $0xFFFFFC18  }
0x1a: {  	[tilespmem:s10], [sflag:$0x1] =	stream.linear.gather [hbm4b:s14+s2], $0x1F40, $0x38;
	[tilespmem:$0x15C80] =	vst v63  }
0x1b: {  	_ =	swait.ge [sflag:s9], $0x1F40  }
0x1c: {  	[sflag:s9] =	ssyncset.done $0x0  }
0x1d: {  	s14 =	simm.s32 $0x15881;
	[sflag:s9] =	ssyncadd.s32 $0xFFFFE0C0  }
0x1e: {  	v1 =	vld [tilespmem:s14+$0xFFFFFFFF];
	_ =	sdelay $0x4  }
0x1f: {  	(v2sf) =	vpush v1, $0x0;
	_ =	sdelay $0xe  }
0x20: {  	s16 =	spop (v2sf)  }
0x21: {  	s15 =	simm.s32 $0x13908;
	s16 =	sshll.u32 s16, $0x5  }
0x22: {  	v1 =	vld [tilespmem:s15+$0xFFFFFFF8];
	s16 =	sshra.s32 s16, $0x2  }
0x23: {  	v2 =	vld [tilespmem:s16+$0x10];
	_ =	sdelay $0x3  }
0x24: {  	v1 =	vnsel vm0, $0x0, v1  }
0x25: {  	v1 =	vadd.f32 v1, v2;
	_ =	sdelay $0x1  }
0x26: {  	[tilespmem:s16+$0x10] =	vst v1  }
0x27: {  	v1 =	vld [tilespmem:s14+$0x0];
	_ =	sdelay $0x4  }
0x28: {  	(v2sf) =	vpush v1, $0x0;
	_ =	sdelay $0xe  }
0x29: {  	s31 =	spop (v2sf)  }
0x2a: {  	s16 =	sshll.u32 s31, $0x5  }
0x2b: {  	v1 =	vld [tilespmem:s15+$0x0];
	s17 =	sshra.s32 s16, $0x2  }
0x2c: {  	v2 =	vld [tilespmem:s17+$0x10];
	_ =	sdelay $0x3  }
0x2d: {  	v1 =	vnsel vm0, $0x0, v1  }
0x2e: {  	s16 =	simm.s32 $0x0;
	v1 =	vadd.f32 v1, v2  }
.LBB2_5:
0x2f: {  	_ = 	snop  }
0x30: {  	s16 =	sadd.s32 $0x2, s16;
	s15 =	sadd.s32 $0x10, s15;
	s14 =	sadd.s32 $0x2, s14;
	[tilespmem:s17+$0x10] =	vst v1  }
0x31: {  	p0 =	slt.u32 s16, $0x3E6;
	v1 =	vld [tilespmem:s14+$0xFFFFFFFF];
	_ =	sdelay $0x4  }
0x32: {  	(v2sf) =	vpush v1, $0x0;
	_ =	sdelay $0xe  }
0x33: {  	s17 =	spop (v2sf)  }
0x34: {  	s17 =	sshll.u32 s17, $0x5  }
0x35: {  	v1 =	vld [tilespmem:s15+$0xFFFFFFF8];
	s17 =	sshra.s32 s17, $0x2  }
0x36: {  	v2 =	vld [tilespmem:s17+$0x10];
	_ =	sdelay $0x3  }
0x37: {  	v1 =	vnsel vm0, $0x0, v1  }
0x38: {  	v1 =	vadd.f32 v1, v2;
	_ =	sdelay $0x1  }
0x39: {  	[tilespmem:s17+$0x10] =	vst v1  }
0x3a: {  	v1 =	vld [tilespmem:s14+$0x0];
	_ =	sdelay $0x4  }
0x3b: {  	(v2sf) =	vpush v1, $0x0;
	_ =	sdelay $0xe  }
0x3c: {  	s17 =	spop (v2sf)  }
0x3d: {  	s17 =	sshll.u32 s17, $0x5  }
0x3e: {  	v1 =	vld [tilespmem:s15+$0x0];
	s17 =	sshra.s32 s17, $0x2  }
0x3f: {  	v2 =	vld [tilespmem:s17+$0x10]  }
.Ltmp1:
0x40: {  	(pc) =	sbr.rel @p0 .LBB2_5-.Ltmp1, $3  }
0x41: {  	_ =	sdelay $0x1  }
0x42: {  	v1 =	vnsel vm0, $0x0, v1  }
0x43: {  	v1 =	vadd.f32 v1, v2  }
0x44: {  	s13 =	sadd.s32 $0x1, s13  }
0x45: {  	p0 =	sne.s32 s13, $0xA0  }
.Ltmp2:
0x46: {  	_ = 	snop;
	(pc) =	sbr.rel @p0 .LBB2_4-.Ltmp2, $2  }
0x47: {  	_ =	sdelay $0x2  }
0x48: {  	[tilespmem:s17+$0x10] =	vst v1  }
0x49: {  	s12 =	sadd.s32 $0x1, s12  }
0x4a: {  	p0 =	sne.s32 s12, s7  }
.Ltmp3:
0x4b: {  	_ = 	snop;
	(pc) =	sbr.rel @p0 .LBB2_1-.Ltmp3, $4  }
0x4c: {  	[hbm4b:s6+s2] =	stream.linear.scatter [tilespmem:s11], [sflag:$0x1], $0x13880, $0x38;
	[tilespmem:$0x15C80] =	vst v63  }
0x4d: {  	_ =	swait.ge [sflag:s9], $0x13880  }
0x4e: {  	[sflag:s9] =	ssyncset.done $0x0  }
0x4f: {  	[sflag:s9] =	ssyncadd.s32 $0xFFFEC780  }
0x50: {  	_ =	sfence.sel $0x180000  }
0x51: {  	[bflag:$0x0] =	sbarrier.arrive $0xFFFF  }
0x52: {  	p0 =	sne.s32 s1, $0x0;
	_ =	strace $0x90000050  }
0x53: {  	s0 =	sadd.s32 @!p0 $0x100000, s0;
	[bflag:$0x2] =	sbarrier.arrive $0xFFFF  }
0x54: {  	[sflag:s0] =	ssyncadd.tile.s32 @!p0 $0x1;
	_ =	shalt  }
.Lfunc_end2:
_tile_overlayer_lowered:
.L_overlay_start_2:
0x55: {  	(tag) =	ssettag $0x2  }
0x56: {  	s0 =	rddreg [dreg:$0x0];
	s2 =	stileid.u32  }
0x57: {  	s1 =	rddreg [dreg:$0x1];
	p0 =	sne.s32 s2, $0x0  }
0x58: {  	s3 =	rddreg [dreg:$0x2];
	[bflag:$0x3] =	sbarrier.arrive $0xFFFF;
	s2 =	simm.s32 @!p0 $0x1C01  }
0x59: {  	[timem:s3], [sflag:s2] =	dma.local @!p0 [hbm:s0], s1  }
0x5a: {  	s0 =	simm.s32 @!p0 $0x1  }
0x5b: {  	_ =	swait.ge @!p0 [sflag:s0], s1  }
0x5c: {  	s1 =	ssub.s32 @!p0 $0x0, s1;
	[sflag:s0] =	ssyncset.done @!p0 $0x0  }
0x5d: {  	[sflag:s0] =	ssyncadd.s32 @!p0 s1  }
0x5e: {  	[bflag:$0x3] =	sbarrier.arrive $0xFFFF  }
0x5f: {  	_ =	shalt  }

// kernel: kernel.17.cloned.1.call-start
scs
__scs_entry_jumppad:
0x0: {  	(pc) =	sbr.rel $0x88, $3  }
0x1: {  	(tag) =	ssettag $0x0;
	lr =	simm.s32 $0x1  }
0x2: {  	[smem:$0x3F88] =	sst lr;
	_ =	strace $0xD0000000  }
0x3: {  	_ = 	snop  }
0x4: {  	_ = 	snop  }
0x5: {  	_ = 	snop  }
0x6: {  	_ = 	snop  }
0x7: {  	_ = 	snop  }
__scs_overlays_trampoline_lowered:
0x8: {  	[smem:$0x3F97] =	sst s0  }
0x9: {  	[smem:$0x3F98] =	sst s1  }
0xa: {  	[smem:$0x3F99] =	sst s2  }
0xb: {  	[smem:$0x3F9A] =	sst s3  }
0xc: {  	[smem:$0x3F9B] =	sst s4  }
0xd: {  	[smem:$0x3F9C] =	sst s5  }
0xe: {  	[smem:$0x3F9D] =	sst s6  }
0xf: {  	[smem:$0x3F9E] =	sst s7  }
0x10: {  	[smem:$0x3F9F] =	sst s8  }
0x11: {  	[smem:$0x3FA0] =	sst s9;
	s0 =	simm.s32 @!p0 $0x0  }
0x12: {  	s1 =	sld [smem:$0x3F86];
	s0 =	simm.s32 @p0 $0x1  }
0x13: {  	[smem:$0x3FA1] =	sst s0;
	s0 =	simm.s32 @!p1 $0x0  }
0x14: {  	s2 =	sld [smem:$0x3F85];
	s0 =	simm.s32 @p1 $0x1  }
0x15: {  	[smem:$0x3FA2] =	sst s0;
	s0 =	simm.s32 @!p2 $0x0  }
0x16: {  	s3 =	sld [smem:$0x3FDB];
	s0 =	simm.s32 @p2 $0x1  }
0x17: {  	s4 =	simm.s32 $0x1BF5;
	[smem:$0x3FA4] =	sst s0  }
0x18: {  	s0 =	sld [smem:$0x3F87];
	_ =	swait.ge [sflag:s4], $0x0  }
0x19: {  	s7 =	sld [smem:$0x3F88]  }
0x1a: {  	s8 =	sadd.s32 $0xFFFFE003, lr  }
0x1b: {  	s9 =	sadd.s32 $0xFFFFFEF7, lr;
	s5 =	simm.s32 $0xFFFFFFFF;
	p2 =	slt.u32 s8, $0xFFFFF086  }
0x1c: {  	p1 =	slt.u32 s9, $0xF7A;
	s5 =	simm.s32 @!p2 $0x0  }
0x1d: {  	s5 =	simm.s32 @p1 $0x1;
	p0 =	seq.s32 s7, s2  }
0x1e: {  	s7 =	smul.u32 @!p0 $0xF7A, s2;
	p2 =	seq.s32 @!p0 s5, $0x0  }
0x1f: {  	s9 =	smul.u32 $0xF7A, s1;
	s8 =	simm.s32 @!p0 $0x1BF5;
	p2 =	por !p2, p0  }
0x20: {  	[sflag:s8] =	ssyncset.s32 @!p0 $0xFFFFF086;
	s6 =	sadd.s32 @!p0 s3, s7;
	s7 =	simm.s32 @!p0 $0x108  }
0x21: {  	s3 =	sadd.s32 s3, s9;
	s6 =	sadd.s32 @!p0 $0x88, s6;
	s7 =	simm.s32 @p2 $0x1082  }
0x22: {  	[simem:s7], [sflag:s8] =	dma.local @!p0 [hbm:s6], $0xF7A  }
0x23: {  	s9 =	sor.u32 $0xD0000000, s2;
	s6 =	simm.s32 $0x108;
	_ =	swait.ge @!p0 [sflag:s8], $0x0  }
0x24: {  	s3 =	sadd.s32 $0x88, s3;
	s6 =	simm.s32 @!p1 $0x1082;
	[sflag:s4] =	ssyncset.s32 $0xFFFFF086  }
0x25: {  	[simem:s6], [sflag:s4] =	dma.local [hbm:s3], $0xF7A  }
0x26: {  	[smem:$0x3F88] =	sst s1;
	(tag) =	ssettag s2;
	_ =	strace s9  }
0x27: {  	s1 =	sld [smem:$0x3F98]  }
0x28: {  	s2 =	sld [smem:$0x3F99]  }
0x29: {  	s4 =	sld [smem:$0x3F9B]  }
0x2a: {  	p0 =	seq.s32 s5, $0x0;
	s5 =	sld [smem:$0x3F9C]  }
0x2b: {  	s6 =	sld [smem:$0x3F9D]  }
0x2c: {  	s7 =	sld [smem:$0x3F9E]  }
0x2d: {  	s3 =	simm.s32 $0x108;
	s8 =	sld [smem:$0x3F9F]  }
0x2e: {  	s3 =	simm.s32 @!p0 $0x1082;
	s9 =	sld [smem:$0x3FA0]  }
0x2f: {  	lr =	sadd.s32 s0, s3;
	s0 =	sld [smem:$0x3F97]  }
0x30: {  	s3 =	sld [smem:$0x3F9A]  }
0x31: {  	[smem:$0x3FA3] =	sst s10  }
0x32: {  	s10 =	sld [smem:$0x3FA1];
	_ =	sdelay $0x3  }
0x33: {  	p0 =	seq.s32 s10, $0x1;
	s10 =	sld [smem:$0x3FA3];
	_ =	sdelay $0x3  }
0x34: {  	[smem:$0x3FA3] =	sst s10  }
0x35: {  	s10 =	sld [smem:$0x3FA2];
	_ =	sdelay $0x3  }
0x36: {  	p1 =	seq.s32 s10, $0x1;
	s10 =	sld [smem:$0x3FA3];
	_ =	sdelay $0x3  }
0x37: {  	[smem:$0x3FA3] =	sst s10  }
0x38: {  	s10 =	sld [smem:$0x3FA4]  }
0x39: {  	_ = 	snop;
	(pc) =	sbr.ind lr, $3  }
0x3a: {  	_ = 	snop  }
0x3b: {  	_ = 	snop  }
0x3c: {  	p2 =	seq.s32 s10, $0x1;
	s10 =	sld [smem:$0x3FA3]  }
0x3d: {  	_ =	shalt  }
0x3e: {  	_ =	shalt  }
0x3f: {  	_ =	shalt  }
0x40: {  	_ =	shalt  }
0x41: {  	_ =	shalt  }
0x42: {  	_ =	shalt  }
0x43: {  	_ =	shalt  }
0x44: {  	_ =	shalt  }
0x45: {  	_ =	shalt  }
0x46: {  	_ =	shalt  }
0x47: {  	_ =	shalt  }
0x48: {  	_ =	shalt  }
0x49: {  	_ =	shalt  }
0x4a: {  	_ =	shalt  }
0x4b: {  	_ =	shalt  }
0x4c: {  	_ =	shalt  }
0x4d: {  	_ =	shalt  }
0x4e: {  	_ =	shalt  }
0x4f: {  	_ =	shalt  }
0x50: {  	_ =	shalt  }
0x51: {  	_ =	shalt  }
0x52: {  	_ =	shalt  }
0x53: {  	_ =	shalt  }
0x54: {  	_ =	shalt  }
0x55: {  	_ =	shalt  }
0x56: {  	_ =	shalt  }
0x57: {  	_ =	shalt  }
0x58: {  	_ =	shalt  }
0x59: {  	_ =	shalt  }
0x5a: {  	_ =	shalt  }
0x5b: {  	_ =	shalt  }
0x5c: {  	_ =	shalt  }
0x5d: {  	_ =	shalt  }
0x5e: {  	_ =	shalt  }
0x5f: {  	_ =	shalt  }
0x60: {  	_ =	shalt  }
0x61: {  	_ =	shalt  }
0x62: {  	_ =	shalt  }
0x63: {  	_ =	shalt  }
0x64: {  	_ =	shalt  }
0x65: {  	_ =	shalt  }
0x66: {  	_ =	shalt  }
0x67: {  	_ =	shalt  }
0x68: {  	_ =	shalt  }
0x69: {  	_ =	shalt  }
0x6a: {  	_ =	shalt  }
0x6b: {  	_ =	shalt  }
0x6c: {  	_ =	shalt  }
0x6d: {  	_ =	shalt  }
0x6e: {  	_ =	shalt  }
0x6f: {  	_ =	shalt  }
0x70: {  	_ =	shalt  }
0x71: {  	_ =	shalt  }
0x72: {  	_ =	shalt  }
0x73: {  	_ =	shalt  }
0x74: {  	_ =	shalt  }
0x75: {  	_ =	shalt  }
0x76: {  	_ =	shalt  }
0x77: {  	_ =	shalt  }
0x78: {  	_ =	shalt  }
0x79: {  	_ =	shalt  }
0x7a: {  	_ =	shalt  }
0x7b: {  	_ =	shalt  }
0x7c: {  	_ =	shalt  }
0x7d: {  	_ =	shalt  }
0x7e: {  	_ =	shalt  }
0x7f: {  	_ =	shalt  }
0x80: {  	_ =	shalt  }
0x81: {  	_ =	shalt  }
0x82: {  	_ =	shalt  }
0x83: {  	_ =	shalt  }
0x84: {  	_ =	shalt  }
0x85: {  	_ =	shalt  }
0x86: {  	_ =	shalt  }
0x87: {  	_ =	shalt  }
.Lfunc_end0:
.L_simem_size_0:
called_computation.3_lowered:
.L_overlay_start_0:
0x88: {  	s2 =	sld [smem:$0x3FD9]  }
0x89: {  	s3 =	sld [smem:$0x3FFE];
	_ =	sdelay $0x1  }
0x8a: {  	s1 =	srdreg.scid  }
0x8b: {  	s0 =	sand.u32 $0x1, s1  }
0x8c: {  	s17 =	sshll.u32 s0, $0xA;
	s2 =	sadd.s32 s3, s2  }
0x8d: {  	s2 =	sadd.s32 s2, s17  }
0x8e: {  	[smem:$0x3FAF] =	sst s2  }
0x8f: {  	_ = 	snop  }
0x90: {  	(tm) =	ssettm $0x1  }
0x91: {  	s18 =	sld [smem:$0x3FFB];
	_ =	sdelay $0x3  }
0x92: {  	_ =	strace s18  }
0x93: {  	s2 =	sld [smem:$0x3FFC];
	_ =	sdelay $0x3  }
0x94: {  	_ =	strace s2  }
0x95: {  	s2 =	sld [smem:$0x3FFD];
	_ =	sdelay $0x3  }
0x96: {  	_ =	strace s2  }
0x97: {  	_ =	strace $0x8FFFFFFF  }
0x98: {  	s19 =	sld [smem:$0x3FDB];
	_ =	sdelay $0x1  }
0x99: {  	s20 =	simm.s32 $_scs_section_size  }
0x9a: {  	s4 =	simm.s32 $_size__tile_overlayer_lowered;
	s5 =	simm.s32 $_tile_overlayer_lowered  }
0x9b: {  	s6 =	simm.s32 $0x1BFF;
	s21 =	sshll.u32 s5, $0x1;
	s3 =	sadd.s32 s20, s19  }
0x9c: {  	s22 =	simm.s32 $0x0;
	s4 =	sshll.u32 s4, $0x1;
	s5 =	sadd.s32 s21, s3  }
0x9d: {  	[timem:s22], [sflag:s6] =	dma.local [hbm:s5], s4  }
0x9e: {  	_ =	swait.ge [sflag:s6], s4  }
0x9f: {  	s4 =	ssub.s32 $0x0, s4;
	[sflag:s6] =	ssyncset.done $0x0  }
0xa0: {  	[sflag:s6] =	ssyncadd.s32 s4;
	_ =	sdelay $0x1  }
0xa1: {  	s23 =	simm.s32 $0x1B8B  }
0xa2: {  	_ =	swait.ge [sflag:s23], $0x1  }
0xa3: {  	[sflag:s23] =	ssyncset.done $0x0  }
0xa4: {  	[sflag:s23] =	ssyncadd.s32 $0xFFFFFFFF  }
0xa5: {  	s4 =	sld [smem:$0x0]  }
0xa6: {  	s5 =	sand.u32 $0xFFFFFFFE, s1  }
0xa7: {  	p0 =	sne.s32 s1, s5  }
0xa8: {  	s5 =	sshll.u32 @p0 s5, $0xE  }
0xa9: {  	s5 =	sadd.s32 @p0 $0x11B8D, s5;
	s6 =	sshll.u32 @p0 s4, $0x11  }
0xaa: {  	s5 =	sor.u32 @p0 s6, s5  }
0xab: {  	[sflag:s5] =	ssyncadd.remote.s32 @p0 $0x1;
	_ =	sdelay $0x1  }
0xac: {  	s5 =	simm.s32 @p0 $0x1B8D  }
0xad: {  	_ =	swait.eq @p0 [sflag:s5], $0x1  }
0xae: {  	[sflag:s5] =	ssyncadd.s32 @p0 $0xFFFFFFFF  }
0xaf: {  	s6 =	sshll.u32 @!p0 s1, $0xE  }
0xb0: {  	s6 =	sor.u32 @!p0 $0x4000, s6;
	s5 =	simm.s32 @!p0 $0x1B8D  }
0xb1: {  	s4 =	sshll.u32 @!p0 s4, $0x11;
	s6 =	sadd.s32 @!p0 $0x11B8D, s6;
	_ =	swait.eq @!p0 [sflag:s5], $0x1  }
0xb2: {  	s4 =	sor.u32 @!p0 s4, s6;
	[sflag:s5] =	ssyncadd.s32 @!p0 $0xFFFFFFFF  }
0xb3: {  	s25 =	simm.s32 $0x1B8E;
	s24 =	sld [smem:$0x3FFE];
	[sflag:s4] =	ssyncadd.remote.s32 @!p0 $0x1  }
0xb4: {  	s26 =	simm.s32 $execute0_lowered;
	[smem:$0x3FD2] =	sst s25  }
0xb5: {  	s5 =	sshll.u32 s26, $0x1;
	_ =	strace $0x8000004C;
	[dreg:$0x1] =	wrdreg $0xFFFFFFFF  }
0xb6: {  	s28 =	simm.s32 $_size_execute0_lowered;
	s3 =	sadd.s32 s3, s5;
	[dreg:$0x0] =	wrdreg $0x0  }
0xb7: {  	s5 =	sshll.u32 s28, $0x1;
	[dreg:$0x2] =	wrdreg s3  }
0xb8: {  	[dreg:$0x3] =	wrdreg s5  }
0xb9: {  	[dreg:$0x4] =	wrdreg $0xC0  }
0xba: {  	_ =	task [dreg:s22], $0x5FFFF  }
0xbb: {  	[dreg:$0x1] =	wrdreg $0xFFFFFFFF  }
0xbc: {  	[dreg:$0x0] =	wrdreg $0x60  }
0xbd: {  	[dreg:$0x2] =	wrdreg s24  }
0xbe: {  	[dreg:$0x3] =	wrdreg $0x9  }
0xbf: {  	_ =	task.clear_ibuf [dreg:s22], $0x4FFFF;
	_ =	strace $0x9000004C  }
0xc0: {  	s29 =	simm.s32 $0x9;
	_ =	strace $0x8000004E  }
0xc1: {  	_ =	swait.ge [sflag:s29], $0x1  }
0xc2: {  	[sflag:s29] =	ssyncadd.s32 $0xFFFFFFFF  }
0xc3: {  	_ =	strace $0x9000004E  }
0xc4: {  	_ =	sfence  }
0xc5: {  	s30 =	sld [smem:$0x0];
	_ =	sdelay $0x2  }
0xc6: {  	s31 =	sshll.u32 s1, $0xD;
	s1 =	sshrl.u32 s1, $0x2  }
0xc7: {  	s4 =	sand.u32 $0x4000, s31;
	s1 =	sadd.s32 s1, s30  }
0xc8: {  	s0 =	sor.u32 s4, s0;
	s1 =	sshll.u32 s1, $0x11  }
0xc9: {  	s0 =	sor.u32 s1, s0  }
0xca: {  	s0 =	sadd.s32 $0x8F2B, s0  }
0xcb: {  	[sflag:s0] =	ssyncadd.remote.s32 $0x1  }
0xcc: {  	_ =	sfence.sel $0xFFFF  }
0xcd: {  	[dreg:$0x0] =	wrdreg $0xFFFFFFFF;
	(pc) =	sbr.abs _section_cstart, $3  }
0xce: {  	[dreg:$0x1] =	wrdreg $0xFFFFFFFF  }
0xcf: {  	_ =	task.clear_ibuf [dreg:s22], $0x2FFFF;
	_ =	strace $0x9FFFFFFF  }
0xd0: {  	(tm) =	ssettm $0x7FFFFFFF  }
0xd1: {  	_ =	shalt  }
tec
execute0_lowered:
.L_overlay_start_1:
0x0: {  	(tag) =	ssettag $0x1  }
0x1: {  	s1 =	srdreg.scid  }
0x2: {  	s0 =	stileid.u32;
	s5 =	rddreg [dreg:$0x0]  }
0x3: {  	s2 =	simm.s32 $0x0;
	s9 =	simm.s32 $0x1;
	s10 =	simm.s32 $0x13900  }
0x4: {  	s11 =	simm.s32 $0x10;
	s4 =	sand.u32 $0x1, s1;
	s3 =	sshll.u32 s0, $0x1  }
0x5: {  	s12 =	simm.s32 $0x0;
	s1 =	rddreg [dreg:$0x1];
	s3 =	sor.u32 s4, s3  }
0x6: {  	[smem:$0x7FF] =	sst s2;
	s6 =	ssub.s32 $0x2, s4;
	s3 =	smul.u32 $0x2710, s3  }
0x7: {  	_ =	strace $0x8000004D;
	s4 =	sadd.s32 $0x590E200, s5;
	s8 =	sshrl.u32 s6, $0x1  }
0x8: {  	s8 =	ssub.s32 s6, s8;
	s7 =	sadd.s32 s3, s5;
	s5 =	sadd.s32 $0x4E00, s5  }
0x9: {  	v0 =	vimm.f32 $0.0e+00;
	vm0 =	vmmov $0xff;
	s6 =	sadd.s32 $0x5E5000, s7;
	s7 =	smax.u32 s8, $0x1;
	s8 =	simm.s32 $0x17800  }
.LBB2_1:
0xa: {  	s13 =	simm.s32 $0x0  }
.LBB2_2:
0xb: {  	p0 =	sne.s32 s13, $0x4E240  }
.Ltmp0:
0xc: {  	_ = 	snop;
	(pc) =	sbr.rel @p0 .LBB2_2-.Ltmp0, $3  }
0xd: {  	_ =	sdelay $0x1  }
0xe: {  	s14 =	sshra.s32 s13, $0x2  }
0xf: {  	s13 =	sadd.s32 $0x40, s13;
	[tilespmem:s14+$0x0] =	vst v0  }
0x10: {  	s13 =	simm.s32 $0x0  }
.LBB2_4:
0x11: {  	s14 =	smul.u32 $0x3E8, s13;
	_ =	sdelay $0x1  }
0x12: {  	s14 =	sadd.s32 s3, s14  }
0x13: {  	s15 =	sshrl.u32 s14, $0x3  }
0x14: {  	s15 =	sadd.s32 s5, s15  }
0x15: {  	[tilespmem:s8], [sflag:$0x1] =	stream.linear.gather [hbm4b:s15+s2], $0x3E8, $0x38;
	[tilespmem:$0x17C00] =	vst v63  }
0x16: {  	_ =	swait.ge [sflag:s9], $0x3E8  }
0x17: {  	s14 =	sshll.u32 s14, $0x1;
	[sflag:s9] =	ssyncset.done $0x0  }
0x18: {  	s14 =	sadd.s32 s4, s14;
	[sflag:s9] =	ssyncadd.s32 $0xFFFFFC18  }
0x19: {  	[tilespmem:s10], [sflag:$0x1] =	stream.linear.gather [hbm4b:s14+s2], $0x3E80, $0x38;
	[tilespmem:$0x17C00] =	vst v63  }
0x1a: {  	_ =	swait.ge [sflag:s9], $0x3E80  }
0x1b: {  	[sflag:s9] =	ssyncset.done $0x0  }
0x1c: {  	s14 =	simm.s32 $0x17801;
	[sflag:s9] =	ssyncadd.s32 $0xFFFFC180  }
0x1d: {  	v1 =	vld [tilespmem:s14+$0xFFFFFFFF];
	_ =	sdelay $0x4  }
0x1e: {  	(v2sf) =	vpush v1, $0x0;
	_ =	sdelay $0xe  }
0x1f: {  	s16 =	spop (v2sf)  }
0x20: {  	s15 =	simm.s32 $0x13910;
	s16 =	sshll.u32 s16, $0x5  }
0x21: {  	v1 =	vld [tilespmem:s15+$0xFFFFFFF0];
	s16 =	sshra.s32 s16, $0x2  }
0x22: {  	v2 =	vld [tilespmem:s16+$0x10];
	_ =	sdelay $0x3  }
0x23: {  	v1 =	vnsel vm0, $0x0, v1  }
0x24: {  	v1 =	vadd.f32 v1, v2;
	_ =	sdelay $0x1  }
0x25: {  	[tilespmem:s16+$0x10] =	vst v1  }
0x26: {  	v1 =	vld [tilespmem:s14+$0x0];
	_ =	sdelay $0x4  }
0x27: {  	(v2sf) =	vpush v1, $0x0;
	_ =	sdelay $0xe  }
0x28: {  	s31 =	spop (v2sf)  }
0x29: {  	s16 =	sshll.u32 s31, $0x5  }
0x2a: {  	v1 =	vld [tilespmem:s15+$0x0];
	s17 =	sshra.s32 s16, $0x2  }
0x2b: {  	v2 =	vld [tilespmem:s17+$0x10];
	_ =	sdelay $0x3  }
0x2c: {  	v1 =	vnsel vm0, $0x0, v1  }
0x2d: {  	s16 =	simm.s32 $0x0;
	v1 =	vadd.f32 v1, v2  }
.LBB2_5:
0x2e: {  	_ = 	snop  }
0x2f: {  	s16 =	sadd.s32 $0x2, s16;
	s15 =	sadd.s32 $0x20, s15;
	s14 =	sadd.s32 $0x2, s14;
	[tilespmem:s17+$0x10] =	vst v1  }
0x30: {  	p0 =	slt.u32 s16, $0x3E6;
	v1 =	vld [tilespmem:s14+$0xFFFFFFFF];
	_ =	sdelay $0x4  }
0x31: {  	(v2sf) =	vpush v1, $0x0;
	_ =	sdelay $0xe  }
0x32: {  	s17 =	spop (v2sf)  }
0x33: {  	s17 =	sshll.u32 s17, $0x5  }
0x34: {  	v1 =	vld [tilespmem:s15+$0xFFFFFFF0];
	s17 =	sshra.s32 s17, $0x2  }
0x35: {  	v2 =	vld [tilespmem:s17+$0x10];
	_ =	sdelay $0x3  }
0x36: {  	v1 =	vnsel vm0, $0x0, v1  }
0x37: {  	v1 =	vadd.f32 v1, v2;
	_ =	sdelay $0x1  }
0x38: {  	[tilespmem:s17+$0x10] =	vst v1  }
0x39: {  	v1 =	vld [tilespmem:s14+$0x0];
	_ =	sdelay $0x4  }
0x3a: {  	(v2sf) =	vpush v1, $0x0;
	_ =	sdelay $0xe  }
0x3b: {  	s17 =	spop (v2sf)  }
0x3c: {  	s17 =	sshll.u32 s17, $0x5  }
0x3d: {  	v1 =	vld [tilespmem:s15+$0x0];
	s17 =	sshra.s32 s17, $0x2  }
0x3e: {  	v2 =	vld [tilespmem:s17+$0x10]  }
.Ltmp1:
0x3f: {  	(pc) =	sbr.rel @p0 .LBB2_5-.Ltmp1, $3  }
0x40: {  	_ =	sdelay $0x1  }
0x41: {  	v1 =	vnsel vm0, $0x0, v1  }
0x42: {  	v1 =	vadd.f32 v1, v2  }
0x43: {  	s13 =	sadd.s32 $0x1, s13  }
0x44: {  	p0 =	sne.s32 s13, $0xA  }
.Ltmp2:
0x45: {  	_ = 	snop;
	(pc) =	sbr.rel @p0 .LBB2_4-.Ltmp2, $2  }
0x46: {  	_ =	sdelay $0x2  }
0x47: {  	[tilespmem:s17+$0x10] =	vst v1  }
0x48: {  	s12 =	sadd.s32 $0x1, s12  }
0x49: {  	p0 =	sne.s32 s12, s7  }
.Ltmp3:
0x4a: {  	_ = 	snop;
	(pc) =	sbr.rel @p0 .LBB2_1-.Ltmp3, $4  }
0x4b: {  	[hbm4b:s6+s2] =	stream.linear.scatter [tilespmem:s11], [sflag:$0x1], $0x13880, $0x38;
	[tilespmem:$0x17C00] =	vst v63  }
0x4c: {  	_ =	swait.ge [sflag:s9], $0x13880  }
0x4d: {  	[sflag:s9] =	ssyncset.done $0x0  }
0x4e: {  	[sflag:s9] =	ssyncadd.s32 $0xFFFEC780  }
0x4f: {  	_ =	sfence.sel $0x180000  }
0x50: {  	[bflag:$0x0] =	sbarrier.arrive $0xFFFF  }
0x51: {  	p0 =	sne.s32 s0, $0x0;
	_ =	strace $0x9000004D  }
0x52: {  	s0 =	sadd.s32 @!p0 $0x100000, s1;
	[bflag:$0x2] =	sbarrier.arrive $0xFFFF  }
0x53: {  	[sflag:s0] =	ssyncadd.tile.s32 @!p0 $0x1;
	_ =	shalt  }
.Lfunc_end2:
_tile_overlayer_lowered:
.L_overlay_start_2:
0x54: {  	(tag) =	ssettag $0x2  }
0x55: {  	s0 =	rddreg [dreg:$0x0];
	s2 =	stileid.u32  }
0x56: {  	s1 =	rddreg [dreg:$0x1];
	p0 =	sne.s32 s2, $0x0  }
0x57: {  	s3 =	rddreg [dreg:$0x2];
	[bflag:$0x3] =	sbarrier.arrive $0xFFFF;
	s2 =	simm.s32 @!p0 $0x1C01  }
0x58: {  	[timem:s3], [sflag:s2] =	dma.local @!p0 [hbm:s0], s1  }
0x59: {  	s0 =	simm.s32 @!p0 $0x1  }
0x5a: {  	_ =	swait.ge @!p0 [sflag:s0], s1  }
0x5b: {  	s1 =	ssub.s32 @!p0 $0x0, s1;
	[sflag:s0] =	ssyncset.done @!p0 $0x0  }
0x5c: {  	[sflag:s0] =	ssyncadd.s32 @!p0 s1  }
0x5d: {  	[bflag:$0x3] =	sbarrier.arrive $0xFFFF  }
0x5e: {  	_ =	shalt  }

// kernel: kernel.20.cloned.1.call-start
scs
__scs_entry_jumppad:
0x0: {  	(pc) =	sbr.rel $0x88, $3  }
0x1: {  	(tag) =	ssettag $0x0;
	lr =	simm.s32 $0x1  }
0x2: {  	[smem:$0x3F88] =	sst lr;
	_ =	strace $0xD0000000  }
0x3: {  	_ = 	snop  }
0x4: {  	_ = 	snop  }
0x5: {  	_ = 	snop  }
0x6: {  	_ = 	snop  }
0x7: {  	_ = 	snop  }
__scs_overlays_trampoline_lowered:
0x8: {  	[smem:$0x3F97] =	sst s0  }
0x9: {  	[smem:$0x3F98] =	sst s1  }
0xa: {  	[smem:$0x3F99] =	sst s2  }
0xb: {  	[smem:$0x3F9A] =	sst s3  }
0xc: {  	[smem:$0x3F9B] =	sst s4  }
0xd: {  	[smem:$0x3F9C] =	sst s5  }
0xe: {  	[smem:$0x3F9D] =	sst s6  }
0xf: {  	[smem:$0x3F9E] =	sst s7  }
0x10: {  	[smem:$0x3F9F] =	sst s8  }
0x11: {  	[smem:$0x3FA0] =	sst s9;
	s0 =	simm.s32 @!p0 $0x0  }
0x12: {  	s1 =	sld [smem:$0x3F86];
	s0 =	simm.s32 @p0 $0x1  }
0x13: {  	[smem:$0x3FA1] =	sst s0;
	s0 =	simm.s32 @!p1 $0x0  }
0x14: {  	s2 =	sld [smem:$0x3F85];
	s0 =	simm.s32 @p1 $0x1  }
0x15: {  	[smem:$0x3FA2] =	sst s0;
	s0 =	simm.s32 @!p2 $0x0  }
0x16: {  	s3 =	sld [smem:$0x3FDB];
	s0 =	simm.s32 @p2 $0x1  }
0x17: {  	s4 =	simm.s32 $0x1BF5;
	[smem:$0x3FA4] =	sst s0  }
0x18: {  	s0 =	sld [smem:$0x3F87];
	_ =	swait.ge [sflag:s4], $0x0  }
0x19: {  	s7 =	sld [smem:$0x3F88]  }
0x1a: {  	s8 =	sadd.s32 $0xFFFFE003, lr  }
0x1b: {  	s9 =	sadd.s32 $0xFFFFFEF7, lr;
	s5 =	simm.s32 $0xFFFFFFFF;
	p2 =	slt.u32 s8, $0xFFFFF086  }
0x1c: {  	p1 =	slt.u32 s9, $0xF7A;
	s5 =	simm.s32 @!p2 $0x0  }
0x1d: {  	s5 =	simm.s32 @p1 $0x1;
	p0 =	seq.s32 s7, s2  }
0x1e: {  	s7 =	smul.u32 @!p0 $0xF7A, s2;
	p2 =	seq.s32 @!p0 s5, $0x0  }
0x1f: {  	s9 =	smul.u32 $0xF7A, s1;
	s8 =	simm.s32 @!p0 $0x1BF5;
	p2 =	por !p2, p0  }
0x20: {  	[sflag:s8] =	ssyncset.s32 @!p0 $0xFFFFF086;
	s6 =	sadd.s32 @!p0 s3, s7;
	s7 =	simm.s32 @!p0 $0x108  }
0x21: {  	s3 =	sadd.s32 s3, s9;
	s6 =	sadd.s32 @!p0 $0x88, s6;
	s7 =	simm.s32 @p2 $0x1082  }
0x22: {  	[simem:s7], [sflag:s8] =	dma.local @!p0 [hbm:s6], $0xF7A  }
0x23: {  	s9 =	sor.u32 $0xD0000000, s2;
	s6 =	simm.s32 $0x108;
	_ =	swait.ge @!p0 [sflag:s8], $0x0  }
0x24: {  	s3 =	sadd.s32 $0x88, s3;
	s6 =	simm.s32 @!p1 $0x1082;
	[sflag:s4] =	ssyncset.s32 $0xFFFFF086  }
0x25: {  	[simem:s6], [sflag:s4] =	dma.local [hbm:s3], $0xF7A  }
0x26: {  	[smem:$0x3F88] =	sst s1;
	(tag) =	ssettag s2;
	_ =	strace s9  }
0x27: {  	s1 =	sld [smem:$0x3F98]  }
0x28: {  	s2 =	sld [smem:$0x3F99]  }
0x29: {  	s4 =	sld [smem:$0x3F9B]  }
0x2a: {  	p0 =	seq.s32 s5, $0x0;
	s5 =	sld [smem:$0x3F9C]  }
0x2b: {  	s6 =	sld [smem:$0x3F9D]  }
0x2c: {  	s7 =	sld [smem:$0x3F9E]  }
0x2d: {  	s3 =	simm.s32 $0x108;
	s8 =	sld [smem:$0x3F9F]  }
0x2e: {  	s3 =	simm.s32 @!p0 $0x1082;
	s9 =	sld [smem:$0x3FA0]  }
0x2f: {  	lr =	sadd.s32 s0, s3;
	s0 =	sld [smem:$0x3F97]  }
0x30: {  	s3 =	sld [smem:$0x3F9A]  }
0x31: {  	[smem:$0x3FA3] =	sst s10  }
0x32: {  	s10 =	sld [smem:$0x3FA1];
	_ =	sdelay $0x3  }
0x33: {  	p0 =	seq.s32 s10, $0x1;
	s10 =	sld [smem:$0x3FA3];
	_ =	sdelay $0x3  }
0x34: {  	[smem:$0x3FA3] =	sst s10  }
0x35: {  	s10 =	sld [smem:$0x3FA2];
	_ =	sdelay $0x3  }
0x36: {  	p1 =	seq.s32 s10, $0x1;
	s10 =	sld [smem:$0x3FA3];
	_ =	sdelay $0x3  }
0x37: {  	[smem:$0x3FA3] =	sst s10  }
0x38: {  	s10 =	sld [smem:$0x3FA4]  }
0x39: {  	_ = 	snop;
	(pc) =	sbr.ind lr, $3  }
0x3a: {  	_ = 	snop  }
0x3b: {  	_ = 	snop  }
0x3c: {  	p2 =	seq.s32 s10, $0x1;
	s10 =	sld [smem:$0x3FA3]  }
0x3d: {  	_ =	shalt  }
0x3e: {  	_ =	shalt  }
0x3f: {  	_ =	shalt  }
0x40: {  	_ =	shalt  }
0x41: {  	_ =	shalt  }
0x42: {  	_ =	shalt  }
0x43: {  	_ =	shalt  }
0x44: {  	_ =	shalt  }
0x45: {  	_ =	shalt  }
0x46: {  	_ =	shalt  }
0x47: {  	_ =	shalt  }
0x48: {  	_ =	shalt  }
0x49: {  	_ =	shalt  }
0x4a: {  	_ =	shalt  }
0x4b: {  	_ =	shalt  }
0x4c: {  	_ =	shalt  }
0x4d: {  	_ =	shalt  }
0x4e: {  	_ =	shalt  }
0x4f: {  	_ =	shalt  }
0x50: {  	_ =	shalt  }
0x51: {  	_ =	shalt  }
0x52: {  	_ =	shalt  }
0x53: {  	_ =	shalt  }
0x54: {  	_ =	shalt  }
0x55: {  	_ =	shalt  }
0x56: {  	_ =	shalt  }
0x57: {  	_ =	shalt  }
0x58: {  	_ =	shalt  }
0x59: {  	_ =	shalt  }
0x5a: {  	_ =	shalt  }
0x5b: {  	_ =	shalt  }
0x5c: {  	_ =	shalt  }
0x5d: {  	_ =	shalt  }
0x5e: {  	_ =	shalt  }
0x5f: {  	_ =	shalt  }
0x60: {  	_ =	shalt  }
0x61: {  	_ =	shalt  }
0x62: {  	_ =	shalt  }
0x63: {  	_ =	shalt  }
0x64: {  	_ =	shalt  }
0x65: {  	_ =	shalt  }
0x66: {  	_ =	shalt  }
0x67: {  	_ =	shalt  }
0x68: {  	_ =	shalt  }
0x69: {  	_ =	shalt  }
0x6a: {  	_ =	shalt  }
0x6b: {  	_ =	shalt  }
0x6c: {  	_ =	shalt  }
0x6d: {  	_ =	shalt  }
0x6e: {  	_ =	shalt  }
0x6f: {  	_ =	shalt  }
0x70: {  	_ =	shalt  }
0x71: {  	_ =	shalt  }
0x72: {  	_ =	shalt  }
0x73: {  	_ =	shalt  }
0x74: {  	_ =	shalt  }
0x75: {  	_ =	shalt  }
0x76: {  	_ =	shalt  }
0x77: {  	_ =	shalt  }
0x78: {  	_ =	shalt  }
0x79: {  	_ =	shalt  }
0x7a: {  	_ =	shalt  }
0x7b: {  	_ =	shalt  }
0x7c: {  	_ =	shalt  }
0x7d: {  	_ =	shalt  }
0x7e: {  	_ =	shalt  }
0x7f: {  	_ =	shalt  }
0x80: {  	_ =	shalt  }
0x81: {  	_ =	shalt  }
0x82: {  	_ =	shalt  }
0x83: {  	_ =	shalt  }
0x84: {  	_ =	shalt  }
0x85: {  	_ =	shalt  }
0x86: {  	_ =	shalt  }
0x87: {  	_ =	shalt  }
.Lfunc_end0:
.L_simem_size_0:
called_computation.4_lowered:
.L_overlay_start_0:
0x88: {  	s2 =	sld [smem:$0x3FD9]  }
0x89: {  	s3 =	sld [smem:$0x3FFE];
	_ =	sdelay $0x1  }
0x8a: {  	s1 =	srdreg.scid  }
0x8b: {  	s0 =	sand.u32 $0x1, s1  }
0x8c: {  	s14 =	sshll.u32 s0, $0xA;
	s2 =	sadd.s32 s3, s2  }
0x8d: {  	s2 =	sadd.s32 s2, s14  }
0x8e: {  	[smem:$0x3FAF] =	sst s2  }
0x8f: {  	_ = 	snop  }
0x90: {  	s2 =	sld [smem:$0x3FD0];
	_ =	sdelay $0x2  }
0x91: {  	s15 =	simm.s32 $0xB;
	s4 =	simm.s32 $0x10  }
0x92: {  	[smem:s4], [sflag:s15] =	dma.local [hbm:s2], $0x1  }
0x93: {  	_ =	swait.eq [sflag:s15], $0x1  }
0x94: {  	[sflag:s15] =	ssyncset.done $0x0  }
0x95: {  	[sflag:s15] =	ssyncadd.s32 $0xFFFFFFFF  }
0x96: {  	s16 =	sld [smem:$0x11];
	(tm) =	ssettm $0x1  }
0x97: {  	s17 =	sld [smem:$0x3FFB];
	_ =	sdelay $0x3  }
0x98: {  	_ =	strace s17  }
0x99: {  	s3 =	sld [smem:$0x3FFC];
	_ =	sdelay $0x3  }
0x9a: {  	_ =	strace s3  }
0x9b: {  	s3 =	sld [smem:$0x3FFD];
	_ =	sdelay $0x3  }
0x9c: {  	_ =	strace s3  }
0x9d: {  	_ =	strace $0x8FFFFFFF  }
0x9e: {  	s18 =	sld [smem:$0x3FDB];
	_ =	sdelay $0x1  }
0x9f: {  	s19 =	simm.s32 $_scs_section_size  }
0xa0: {  	s5 =	simm.s32 $_size__tile_overlayer_lowered;
	s6 =	simm.s32 $_tile_overlayer_lowered  }
0xa1: {  	s22 =	simm.s32 $0x1BFF;
	s21 =	sshll.u32 s6, $0x1;
	s3 =	sadd.s32 s19, s18  }
0xa2: {  	s7 =	simm.s32 $0x0;
	s20 =	sshll.u32 s5, $0x1;
	s5 =	sadd.s32 s21, s3  }
0xa3: {  	[timem:s7], [sflag:s22] =	dma.local [hbm:s5], s20  }
0xa4: {  	_ =	swait.ge [sflag:s22], s20  }
0xa5: {  	s4 =	ssub.s32 $0x0, s20;
	[sflag:s22] =	ssyncset.done $0x0  }
0xa6: {  	[sflag:s22] =	ssyncadd.s32 s4;
	_ =	sdelay $0x1  }
0xa7: {  	s23 =	simm.s32 $0x1B8B  }
0xa8: {  	_ =	swait.ge [sflag:s23], $0x1  }
0xa9: {  	[sflag:s23] =	ssyncset.done $0x0  }
0xaa: {  	s25 =	simm.s32 $0x1B8E;
	s24 =	sld [smem:$0x3FFE];
	[sflag:s23] =	ssyncadd.s32 $0xFFFFFFFF  }
0xab: {  	s26 =	simm.s32 $execute0_lowered;
	[smem:$0x3FD2] =	sst s25  }
0xac: {  	s5 =	sshll.u32 s26, $0x1;
	_ =	strace $0x80000052;
	[dreg:$0x1] =	wrdreg $0xFFFFFFFF  }
0xad: {  	s28 =	simm.s32 $_size_execute0_lowered;
	s3 =	sadd.s32 s3, s5;
	[dreg:$0x0] =	wrdreg $0x0  }
0xae: {  	s5 =	sshll.u32 s28, $0x1;
	[dreg:$0x2] =	wrdreg s3  }
0xaf: {  	[dreg:$0x3] =	wrdreg s5  }
0xb0: {  	[dreg:$0x4] =	wrdreg $0xC0  }
0xb1: {  	_ =	task [dreg:s7], $0x5FFFF  }
0xb2: {  	[dreg:$0x1] =	wrdreg $0xFFFFFFFF  }
0xb3: {  	[dreg:$0x0] =	wrdreg $0x60  }
0xb4: {  	[dreg:$0x2] =	wrdreg s16  }
0xb5: {  	[dreg:$0x3] =	wrdreg s24  }
0xb6: {  	[dreg:$0x4] =	wrdreg $0x9  }
0xb7: {  	_ =	task.clear_ibuf [dreg:s7], $0x5FFFF;
	_ =	strace $0x90000052  }
0xb8: {  	s29 =	simm.s32 $0x9;
	_ =	strace $0x80000054  }
0xb9: {  	_ =	swait.ge [sflag:s29], $0x1  }
0xba: {  	[sflag:s29] =	ssyncadd.s32 $0xFFFFFFFF  }
0xbb: {  	_ =	strace $0x90000054  }
0xbc: {  	_ =	sfence  }
0xbd: {  	s30 =	sld [smem:$0x0];
	_ =	sdelay $0x2  }
0xbe: {  	s31 =	sshll.u32 s1, $0xD;
	s1 =	sshrl.u32 s1, $0x2  }
0xbf: {  	s3 =	sand.u32 $0x4000, s31;
	s1 =	sadd.s32 s1, s30  }
0xc0: {  	s0 =	sor.u32 s3, s0;
	s1 =	sshll.u32 s1, $0x11  }
0xc1: {  	s0 =	sor.u32 s1, s0  }
0xc2: {  	s0 =	sadd.s32 $0x8F2B, s0  }
0xc3: {  	[sflag:s0] =	ssyncadd.remote.s32 $0x1  }
0xc4: {  	_ =	sfence.sel $0xFFFF  }
0xc5: {  	[dreg:$0x0] =	wrdreg $0xFFFFFFFF;
	(pc) =	sbr.abs _section_cstart, $3  }
0xc6: {  	[dreg:$0x1] =	wrdreg $0xFFFFFFFF  }
0xc7: {  	_ =	task.clear_ibuf [dreg:s7], $0x2FFFF;
	_ =	strace $0x9FFFFFFF  }
0xc8: {  	(tm) =	ssettm $0x7FFFFFFF  }
0xc9: {  	_ =	shalt  }
tec
execute0_lowered:
.L_overlay_start_1:
0x0: {  	(tag) =	ssettag $0x1  }
0x1: {  	s1 =	rddreg [dreg:$0x0]  }
0x2: {  	s6 =	rddreg [dreg:$0x1]  }
0x3: {  	s0 =	rddreg [dreg:$0x2];
	s2 =	simm.s32 $0x0  }
0x4: {  	s3 =	srdreg.scid;
	s11 =	simm.s32 $0x50;
	s12 =	simm.s32 $0x100  }
0x5: {  	s13 =	simm.s32 $0x2900;
	s14 =	simm.s32 $0x0;
	[smem:$0x7FF] =	sst s2  }
0x6: {  	s7 =	sand.u32 $0x1, s3;
	s3 =	stileid.u32;
	s4 =	sadd.s32 $0xEC00, s6  }
0x7: {  	s5 =	sadd.s32 $0x4E00, s6;
	s6 =	sadd.s32 $0x18A00, s6;
	s8 =	ssub.s32 $0x2, s7  }
0x8: {  	_ =	strace $0x80000053;
	s10 =	sshll.u32 s3, $0x1;
	s9 =	sshrl.u32 s8, $0x1  }
0x9: {  	s7 =	sor.u32 s7, s10;
	s10 =	simm.s32 $0x80;
	s8 =	ssub.s32 s8, s9  }
0xa: {  	s7 =	smul.u32 $0x2710, s7;
	s9 =	simm.s32 $0x1;
	s8 =	smax.u32 s8, $0x1  }
.LBB2_1:
0xb: {  	s15 =	simm.s32 $0x0  }
.LBB2_2:
0xc: {  	s16 =	smul.u32 $0x50, s15;
	_ =	sdelay $0x1  }
0xd: {  	s16 =	sadd.s32 s7, s16  }
0xe: {  	s17 =	sshrl.u32 s16, $0x3  }
0xf: {  	s18 =	sadd.s32 s4, s17  }
0x10: {  	[tilespmem:s2], [sflag:$0x1] =	stream.linear.gather [hbm4b:s18+s2], $0x50, $0x38;
	[tilespmem:$0x5100] =	vst v63  }
0x11: {  	_ =	swait.ge [sflag:s9], $0x50  }
0x12: {  	[sflag:s9] =	ssyncset.done $0x0  }
0x13: {  	s17 =	sadd.s32 s5, s17;
	[sflag:s9] =	ssyncadd.s32 $0xFFFFFFB0  }
0x14: {  	[tilespmem:s10], [sflag:$0x1] =	stream.linear.gather [hbm4b:s17+s2], $0x50, $0x38;
	[tilespmem:$0x5100] =	vst v63  }
0x15: {  	_ =	swait.ge [sflag:s9], $0x50  }
0x16: {  	[sflag:s9] =	ssyncset.done $0x0  }
0x17: {  	[sflag:s9] =	ssyncadd.s32 $0xFFFFFFB0  }
0x18: {  	[tilespmem:s12], [sflag:$0x1] =	stream.indirect.gather [hbm4b:s1+s11], $0x80, s2, s11, $0xb8;
	[tilespmem:$0x5100] =	vst v63  }
0x19: {  	_ =	swait.ge [sflag:s9], $0x2800  }
0x1a: {  	[sflag:s9] =	ssyncset.done $0x0  }
0x1b: {  	[sflag:s9] =	ssyncadd.s32 $0xFFFFD800  }
0x1c: {  	[tilespmem:s13], [sflag:$0x1] =	stream.indirect.gather [hbm4b:s1+s11], $0x80, s10, s11, $0xb8;
	[tilespmem:$0x5100] =	vst v63  }
0x1d: {  	_ =	swait.ge [sflag:s9], $0x2800  }
0x1e: {  	[sflag:s9] =	ssyncset.done $0x0  }
0x1f: {  	s17 =	simm.s32 $0x180;
	[sflag:s9] =	ssyncadd.s32 $0xFFFFD800  }
0x20: {  	s18 =	simm.s32 $0x2980;
	v0 =	vld [tilespmem:s17+$0xFFFFFF80]  }
0x21: {  	v1 =	vld [tilespmem:s18+$0xFFFFFF80];
	_ =	sdelay $0x4  }
0x22: {  	v0 =	vadd.f32 v1, v0;
	_ =	sdelay $0x1  }
0x23: {  	[tilespmem:s17+$0xFFFFFF80] =	vst v0;
	v0 =	vld [tilespmem:s17+$0xFFFFFF90]  }
0x24: {  	v1 =	vld [tilespmem:s18+$0xFFFFFF90];
	_ =	sdelay $0x4  }
0x25: {  	v0 =	vadd.f32 v1, v0;
	_ =	sdelay $0x1  }
0x26: {  	[tilespmem:s17+$0xFFFFFF90] =	vst v0;
	v0 =	vld [tilespmem:s17+$0xFFFFFFA0]  }
0x27: {  	v1 =	vld [tilespmem:s18+$0xFFFFFFA0];
	_ =	sdelay $0x4  }
0x28: {  	v0 =	vadd.f32 v1, v0;
	_ =	sdelay $0x1  }
0x29: {  	[tilespmem:s17+$0xFFFFFFA0] =	vst v0;
	v0 =	vld [tilespmem:s17+$0xFFFFFFB0]  }
0x2a: {  	v1 =	vld [tilespmem:s18+$0xFFFFFFB0];
	_ =	sdelay $0x4  }
0x2b: {  	v0 =	vadd.f32 v1, v0;
	_ =	sdelay $0x1  }
0x2c: {  	[tilespmem:s17+$0xFFFFFFB0] =	vst v0;
	v0 =	vld [tilespmem:s17+$0xFFFFFFC0]  }
0x2d: {  	v1 =	vld [tilespmem:s18+$0xFFFFFFC0];
	_ =	sdelay $0x4  }
0x2e: {  	v0 =	vadd.f32 v1, v0;
	_ =	sdelay $0x1  }
0x2f: {  	[tilespmem:s17+$0xFFFFFFC0] =	vst v0;
	v0 =	vld [tilespmem:s17+$0xFFFFFFD0]  }
0x30: {  	v1 =	vld [tilespmem:s18+$0xFFFFFFD0];
	_ =	sdelay $0x4  }
0x31: {  	v0 =	vadd.f32 v1, v0;
	_ =	sdelay $0x1  }
0x32: {  	[tilespmem:s17+$0xFFFFFFD0] =	vst v0;
	v0 =	vld [tilespmem:s17+$0xFFFFFFE0]  }
0x33: {  	v1 =	vld [tilespmem:s18+$0xFFFFFFE0];
	_ =	sdelay $0x4  }
0x34: {  	v0 =	vadd.f32 v1, v0;
	_ =	sdelay $0x1  }
0x35: {  	[tilespmem:s17+$0xFFFFFFE0] =	vst v0;
	v0 =	vld [tilespmem:s17+$0xFFFFFFF0]  }
0x36: {  	v1 =	vld [tilespmem:s18+$0xFFFFFFF0];
	_ =	sdelay $0x4  }
0x37: {  	v0 =	vadd.f32 v1, v0;
	_ =	sdelay $0x1  }
0x38: {  	[tilespmem:s17+$0xFFFFFFF0] =	vst v0;
	v0 =	vld [tilespmem:s17+$0x0]  }
0x39: {  	v1 =	vld [tilespmem:s18+$0x0];
	_ =	sdelay $0x4  }
0x3a: {  	v0 =	vadd.f32 v1, v0;
	_ =	sdelay $0x1  }
0x3b: {  	[tilespmem:s17+$0x0] =	vst v0;
	v0 =	vld [tilespmem:s17+$0x10]  }
0x3c: {  	v1 =	vld [tilespmem:s18+$0x10];
	_ =	sdelay $0x4  }
0x3d: {  	v0 =	vadd.f32 v1, v0;
	_ =	sdelay $0x1  }
0x3e: {  	[tilespmem:s17+$0x10] =	vst v0;
	v0 =	vld [tilespmem:s17+$0x20]  }
0x3f: {  	v1 =	vld [tilespmem:s18+$0x20];
	_ =	sdelay $0x4  }
0x40: {  	v0 =	vadd.f32 v1, v0;
	_ =	sdelay $0x1  }
0x41: {  	[tilespmem:s17+$0x20] =	vst v0;
	v0 =	vld [tilespmem:s17+$0x30]  }
0x42: {  	v1 =	vld [tilespmem:s18+$0x30];
	_ =	sdelay $0x4  }
0x43: {  	v0 =	vadd.f32 v1, v0;
	_ =	sdelay $0x1  }
0x44: {  	[tilespmem:s17+$0x30] =	vst v0;
	v0 =	vld [tilespmem:s17+$0x40]  }
0x45: {  	v1 =	vld [tilespmem:s18+$0x40];
	_ =	sdelay $0x4  }
0x46: {  	v0 =	vadd.f32 v1, v0;
	_ =	sdelay $0x1  }
0x47: {  	[tilespmem:s17+$0x40] =	vst v0;
	v0 =	vld [tilespmem:s17+$0x50]  }
0x48: {  	v1 =	vld [tilespmem:s18+$0x50];
	_ =	sdelay $0x4  }
0x49: {  	v0 =	vadd.f32 v1, v0;
	_ =	sdelay $0x1  }
0x4a: {  	[tilespmem:s17+$0x50] =	vst v0;
	v0 =	vld [tilespmem:s17+$0x60]  }
0x4b: {  	v1 =	vld [tilespmem:s18+$0x60];
	_ =	sdelay $0x4  }
0x4c: {  	v0 =	vadd.f32 v1, v0;
	_ =	sdelay $0x1  }
0x4d: {  	[tilespmem:s17+$0x60] =	vst v0;
	v0 =	vld [tilespmem:s17+$0x70]  }
0x4e: {  	v1 =	vld [tilespmem:s18+$0x70];
	_ =	sdelay $0x4  }
0x4f: {  	v0 =	vadd.f32 v1, v0  }
0x50: {  	s19 =	simm.s32 $0x0;
	s20 =	simm.s32 $0x280  }
.LBB2_3:
0x51: {  	v1 =	vld [tilespmem:s20+$0xFFFFFF80];
	[tilespmem:s17+$0x70] =	vst v0;
	s18 =	sadd.s32 $0x100, s18;
	s17 =	smov.u32 s20  }
0x52: {  	s19 =	sadd.s32 $0x2, s19;
	v0 =	vld [tilespmem:s18+$0xFFFFFF80]  }
0x53: {  	p0 =	slt.u32 s19, $0x4E;
	_ =	sdelay $0x3  }
0x54: {  	v0 =	vadd.f32 v0, v1;
	_ =	sdelay $0x1  }
0x55: {  	[tilespmem:s20+$0xFFFFFF80] =	vst v0;
	v0 =	vld [tilespmem:s20+$0xFFFFFF90]  }
0x56: {  	v1 =	vld [tilespmem:s18+$0xFFFFFF90];
	_ =	sdelay $0x4  }
0x57: {  	v0 =	vadd.f32 v1, v0;
	_ =	sdelay $0x1  }
0x58: {  	[tilespmem:s20+$0xFFFFFF90] =	vst v0;
	v0 =	vld [tilespmem:s20+$0xFFFFFFA0]  }
0x59: {  	v1 =	vld [tilespmem:s18+$0xFFFFFFA0];
	_ =	sdelay $0x4  }
0x5a: {  	v0 =	vadd.f32 v1, v0;
	_ =	sdelay $0x1  }
0x5b: {  	[tilespmem:s20+$0xFFFFFFA0] =	vst v0;
	v0 =	vld [tilespmem:s20+$0xFFFFFFB0]  }
0x5c: {  	v1 =	vld [tilespmem:s18+$0xFFFFFFB0];
	_ =	sdelay $0x4  }
0x5d: {  	v0 =	vadd.f32 v1, v0;
	_ =	sdelay $0x1  }
0x5e: {  	[tilespmem:s20+$0xFFFFFFB0] =	vst v0;
	v0 =	vld [tilespmem:s20+$0xFFFFFFC0]  }
0x5f: {  	v1 =	vld [tilespmem:s18+$0xFFFFFFC0];
	_ =	sdelay $0x4  }
0x60: {  	v0 =	vadd.f32 v1, v0;
	_ =	sdelay $0x1  }
0x61: {  	[tilespmem:s20+$0xFFFFFFC0] =	vst v0;
	v0 =	vld [tilespmem:s20+$0xFFFFFFD0]  }
0x62: {  	v1 =	vld [tilespmem:s18+$0xFFFFFFD0];
	_ =	sdelay $0x4  }
0x63: {  	v0 =	vadd.f32 v1, v0;
	_ =	sdelay $0x1  }
0x64: {  	[tilespmem:s20+$0xFFFFFFD0] =	vst v0;
	v0 =	vld [tilespmem:s20+$0xFFFFFFE0]  }
0x65: {  	v1 =	vld [tilespmem:s18+$0xFFFFFFE0];
	_ =	sdelay $0x4  }
0x66: {  	v0 =	vadd.f32 v1, v0;
	_ =	sdelay $0x1  }
0x67: {  	[tilespmem:s20+$0xFFFFFFE0] =	vst v0;
	v0 =	vld [tilespmem:s20+$0xFFFFFFF0]  }
0x68: {  	v1 =	vld [tilespmem:s18+$0xFFFFFFF0];
	_ =	sdelay $0x4  }
0x69: {  	v0 =	vadd.f32 v1, v0;
	_ =	sdelay $0x1  }
0x6a: {  	[tilespmem:s20+$0xFFFFFFF0] =	vst v0;
	v0 =	vld [tilespmem:s20+$0x0]  }
0x6b: {  	v1 =	vld [tilespmem:s18+$0x0];
	_ =	sdelay $0x4  }
0x6c: {  	v0 =	vadd.f32 v1, v0;
	_ =	sdelay $0x1  }
0x6d: {  	[tilespmem:s20+$0x0] =	vst v0;
	v0 =	vld [tilespmem:s20+$0x10]  }
0x6e: {  	v1 =	vld [tilespmem:s18+$0x10];
	_ =	sdelay $0x4  }
0x6f: {  	v0 =	vadd.f32 v1, v0;
	_ =	sdelay $0x1  }
0x70: {  	[tilespmem:s20+$0x10] =	vst v0;
	v0 =	vld [tilespmem:s20+$0x20]  }
0x71: {  	v1 =	vld [tilespmem:s18+$0x20];
	_ =	sdelay $0x4  }
0x72: {  	v0 =	vadd.f32 v1, v0;
	_ =	sdelay $0x1  }
0x73: {  	[tilespmem:s20+$0x20] =	vst v0;
	v0 =	vld [tilespmem:s20+$0x30]  }
0x74: {  	v1 =	vld [tilespmem:s18+$0x30];
	_ =	sdelay $0x4  }
0x75: {  	v0 =	vadd.f32 v1, v0;
	_ =	sdelay $0x1  }
0x76: {  	[tilespmem:s20+$0x30] =	vst v0;
	v0 =	vld [tilespmem:s20+$0x40]  }
0x77: {  	v1 =	vld [tilespmem:s18+$0x40];
	_ =	sdelay $0x4  }
0x78: {  	v0 =	vadd.f32 v1, v0;
	_ =	sdelay $0x1  }
0x79: {  	[tilespmem:s20+$0x40] =	vst v0;
	v0 =	vld [tilespmem:s20+$0x50]  }
0x7a: {  	v1 =	vld [tilespmem:s18+$0x50];
	_ =	sdelay $0x4  }
0x7b: {  	v0 =	vadd.f32 v1, v0;
	_ =	sdelay $0x1  }
0x7c: {  	[tilespmem:s20+$0x50] =	vst v0;
	v0 =	vld [tilespmem:s20+$0x60]  }
0x7d: {  	v1 =	vld [tilespmem:s18+$0x60];
	_ =	sdelay $0x4  }
0x7e: {  	v0 =	vadd.f32 v1, v0;
	_ =	sdelay $0x1  }
0x7f: {  	[tilespmem:s20+$0x60] =	vst v0;
	v0 =	vld [tilespmem:s20+$0x70]  }
0x80: {  	v1 =	vld [tilespmem:s18+$0x70];
	_ =	sdelay $0x1  }
.Ltmp0:
0x81: {  	(pc) =	sbr.rel @p0 .LBB2_3-.Ltmp0, $3  }
0x82: {  	_ =	sdelay $0x1  }
0x83: {  	v0 =	vadd.f32 v1, v0  }
0x84: {  	s20 =	sadd.s32 $0x100, s20  }
0x85: {  	s15 =	sadd.s32 $0x1, s15  }
0x86: {  	s16 =	sshll.u32 s16, $0x4;
	p0 =	sne.s32 s15, $0x7D  }
.Ltmp1:
0x87: {  	[tilespmem:s17+$0x70] =	vst v0;
	s16 =	sadd.s32 s6, s16;
	(pc) =	sbr.rel @p0 .LBB2_2-.Ltmp1, $4  }
0x88: {  	[hbm4b:s16+s2] =	stream.linear.scatter [tilespmem:s12], [sflag:$0x1], $0x2800, $0x38;
	[tilespmem:$0x5100] =	vst v63  }
0x89: {  	_ =	swait.ge [sflag:s9], $0x2800  }
0x8a: {  	[sflag:s9] =	ssyncset.done $0x0  }
0x8b: {  	[sflag:s9] =	ssyncadd.s32 $0xFFFFD800  }
0x8c: {  	s14 =	sadd.s32 $0x1, s14  }
0x8d: {  	p0 =	sne.s32 s14, s8  }
.Ltmp2:
0x8e: {  	_ = 	snop;
	(pc) =	sbr.rel @p0 .LBB2_1-.Ltmp2, $1  }
0x8f: {  	_ =	sdelay $0x3  }
0x90: {  	_ =	sfence.sel $0x180000  }
0x91: {  	[bflag:$0x0] =	sbarrier.arrive $0xFFFF  }
0x92: {  	p0 =	sne.s32 s3, $0x0;
	_ =	strace $0x90000053  }
0x93: {  	s0 =	sadd.s32 @!p0 $0x100000, s0;
	[bflag:$0x2] =	sbarrier.arrive $0xFFFF  }
0x94: {  	[sflag:s0] =	ssyncadd.tile.s32 @!p0 $0x1;
	_ =	shalt  }
.Lfunc_end2:
_tile_overlayer_lowered:
.L_overlay_start_2:
0x95: {  	(tag) =	ssettag $0x2  }
0x96: {  	s0 =	rddreg [dreg:$0x0];
	s2 =	stileid.u32  }
0x97: {  	s1 =	rddreg [dreg:$0x1];
	p0 =	sne.s32 s2, $0x0  }
0x98: {  	s3 =	rddreg [dreg:$0x2];
	[bflag:$0x3] =	sbarrier.arrive $0xFFFF;
	s2 =	simm.s32 @!p0 $0x1C01  }
0x99: {  	[timem:s3], [sflag:s2] =	dma.local @!p0 [hbm:s0], s1  }
0x9a: {  	s0 =	simm.s32 @!p0 $0x1  }
0x9b: {  	_ =	swait.ge @!p0 [sflag:s0], s1  }
0x9c: {  	s1 =	ssub.s32 @!p0 $0x0, s1;
	[sflag:s0] =	ssyncset.done @!p0 $0x0  }
0x9d: {  	[sflag:s0] =	ssyncadd.s32 @!p0 s1  }
0x9e: {  	[bflag:$0x3] =	sbarrier.arrive $0xFFFF  }
0x9f: {  	_ =	shalt  }

// kernel: sparse-core-data-format-call.cloned.1.call-start
scs
called_computation_lowered:
.L_overlay_start_0:
0x0: {  	s1 =	sld [smem:$0x3FD9]  }
0x1: {  	s2 =	sld [smem:$0x3FFE];
	_ =	sdelay $0x1  }
0x2: {  	s3 =	srdreg.scid  }
0x3: {  	s0 =	sand.u32 $0x1, s3  }
0x4: {  	s17 =	sshll.u32 s0, $0xA;
	s1 =	sadd.s32 s2, s1  }
0x5: {  	s1 =	sadd.s32 s1, s17  }
0x6: {  	[smem:$0x3FAF] =	sst s1  }
0x7: {  	_ = 	snop  }
0x8: {  	(tm) =	ssettm $0x1  }
0x9: {  	s18 =	sld [smem:$0x3FFB];
	_ =	sdelay $0x3  }
0xa: {  	_ =	strace s18  }
0xb: {  	s1 =	sld [smem:$0x3FFC];
	_ =	sdelay $0x3  }
0xc: {  	_ =	strace s1  }
0xd: {  	s1 =	sld [smem:$0x3FFD];
	_ =	sdelay $0x3  }
0xe: {  	_ =	strace s1  }
0xf: {  	_ =	strace $0x8FFFFFFF  }
0x10: {  	s19 =	sld [smem:$0x3FDB];
	_ =	sdelay $0x1  }
0x11: {  	s20 =	simm.s32 $_scs_section_size  }
0x12: {  	s4 =	simm.s32 $_size__tile_overlayer_lowered;
	s5 =	simm.s32 $_tile_overlayer_lowered  }
0x13: {  	s23 =	simm.s32 $0x1BFF;
	s22 =	sshll.u32 s5, $0x1;
	s1 =	sadd.s32 s20, s19  }
0x14: {  	s6 =	simm.s32 $0x0;
	s21 =	sshll.u32 s4, $0x1;
	s4 =	sadd.s32 s22, s1  }
0x15: {  	[timem:s6], [sflag:s23] =	dma.local [hbm:s4], s21  }
0x16: {  	_ =	swait.ge [sflag:s23], s21  }
0x17: {  	s2 =	ssub.s32 $0x0, s21;
	[sflag:s23] =	ssyncset.done $0x0  }
0x18: {  	[sflag:s23] =	ssyncadd.s32 s2;
	_ =	sdelay $0x1  }
0x19: {  	s24 =	simm.s32 $0x1B8B  }
0x1a: {  	_ =	swait.ge [sflag:s24], $0x1  }
0x1b: {  	[sflag:s24] =	ssyncset.done $0x0  }
0x1c: {  	s26 =	simm.s32 $0x1B8E;
	s25 =	sld [smem:$0x3FFE];
	[sflag:s24] =	ssyncadd.s32 $0xFFFFFFFF  }
0x1d: {  	s27 =	simm.s32 $execute0_lowered;
	[smem:$0x3FD2] =	sst s26  }
0x1e: {  	s4 =	sshll.u32 s27, $0x1;
	_ =	strace $0x80000049;
	[dreg:$0x1] =	wrdreg $0xFFFFFFFF  }
0x1f: {  	s28 =	simm.s32 $_size_execute0_lowered;
	s1 =	sadd.s32 s1, s4;
	[dreg:$0x0] =	wrdreg $0x0  }
0x20: {  	s4 =	sshll.u32 s28, $0x1;
	[dreg:$0x2] =	wrdreg s1  }
0x21: {  	[dreg:$0x3] =	wrdreg s4  }
0x22: {  	[dreg:$0x4] =	wrdreg $0xC0  }
0x23: {  	_ =	task [dreg:s6], $0x5FFFF  }
0x24: {  	[dreg:$0x1] =	wrdreg $0xFFFFFFFF  }
0x25: {  	[dreg:$0x0] =	wrdreg $0x60  }
0x26: {  	[dreg:$0x2] =	wrdreg s25  }
0x27: {  	[dreg:$0x3] =	wrdreg $0xA  }
0x28: {  	_ =	task.clear_ibuf [dreg:s6], $0x4FFFF;
	_ =	strace $0x90000049  }
0x29: {  	s29 =	simm.s32 $0xA;
	_ =	strace $0x8000004B  }
0x2a: {  	_ =	swait.ge [sflag:s29], $0x1  }
0x2b: {  	[sflag:s29] =	ssyncadd.s32 $0xFFFFFFFF  }
0x2c: {  	_ =	strace $0x9000004B  }
0x2d: {  	_ =	sfence  }
0x2e: {  	s30 =	sld [smem:$0x0];
	_ =	sdelay $0x2  }
0x2f: {  	s31 =	sshll.u32 s3, $0xD;
	s3 =	sshrl.u32 s3, $0x2  }
0x30: {  	s2 =	sand.u32 $0x4000, s31;
	s1 =	sadd.s32 s3, s30  }
0x31: {  	s0 =	sor.u32 s2, s0;
	s1 =	sshll.u32 s1, $0x11  }
0x32: {  	s0 =	sor.u32 s1, s0  }
0x33: {  	s0 =	sadd.s32 $0x8F2B, s0  }
0x34: {  	[sflag:s0] =	ssyncadd.remote.s32 $0x1  }
0x35: {  	_ =	sfence.sel $0xFFFF  }
0x36: {  	[dreg:$0x0] =	wrdreg $0xFFFFFFFF;
	(pc) =	sbr.abs _section_cstart, $3  }
0x37: {  	[dreg:$0x1] =	wrdreg $0xFFFFFFFF  }
0x38: {  	_ =	task.clear_ibuf [dreg:s6], $0x2FFFF;
	_ =	strace $0x9FFFFFFF  }
0x39: {  	(tm) =	ssettm $0x7FFFFFFF  }
tec
execute0_lowered:
.L_overlay_start_1:
0x0: {  	(tag) =	ssettag $0x1  }
0x1: {  	s0 =	rddreg [dreg:$0x0]  }
0x2: {  	s1 =	stileid.u32;
	s2 =	srdreg.scid  }
0x3: {  	_ =	strace $0x8000004A;
	s31 =	simm.s32 $0x2;
	s19 =	simm.s32 $0x0  }
0x4: {  	s12 =	simm.s32 $0x80;
	s17 =	simm.s32 $0x0;
	s18 =	simm.s32 $0x0  }
0x5: {  	s14 =	simm.s32 $0x0;
	s16 =	simm.s32 $0x0;
	s3 =	sshll.u32 s1, $0x2  }
0x6: {  	s4 =	sshll.u32 s1, $0x7;
	s5 =	sshll.u32 s2, $0xB;
	s2 =	sand.u32 $0xC, s3  }
0x7: {  	s4 =	sor.u32 s4, s5;
	s3 =	sadd.s32 $0x103000, s0;
	s5 =	sadd.s32 $0xAEE200, s0  }
0x8: {  	s4 =	sand.u32 $0xE00, s4;
	s6 =	ssub.s32 $0x10, s2;
	s15 =	smov.u32 s2  }
0x9: {  	s7 =	sand.u32 $0xC, s6;
	s8 =	ssub.s32 $0x4E200, s4;
	s10 =	sshrl.u32 s6, $0x4  }
0xa: {  	p0 =	sne.s32 s7, $0x0;
	s7 =	simm.s32 $0x1;
	s9 =	sand.u32 $0xE00, s8  }
0xb: {  	s7 =	simm.s32 @!p0 $0x0;
	p0 =	sne.s32 s9, $0x0;
	s9 =	simm.s32 $0x1  }
.Ltmp0:
0xc: {  	s8 =	sshrl.u32 s8, $0xC;
	s9 =	simm.s32 @!p0 $0x0;
	(pc) =	sbr.rel .LBB1_1-.Ltmp0, $4  }
0xd: {  	s6 =	simm.s32 $0x1;
	s7 =	sadd.s32 s7, s10;
	s8 =	sadd.s32 s9, s8  }
0xe: {  	s13 =	smov.u32 s4;
	[sflag:s6] =	ssyncpa.u1 $0x0;
	s7 =	smul.u32 s7, s8  }
0xf: {  	[sflag:s31] =	ssyncpa.u1 $0x0;
	s10 =	sadd.s32 $0x1994200, s0;
	p0 =	por $0x0, $0x0  }
0x10: {  	s9 =	sadd.s32 $0x14B2200, s0;
	s8 =	sadd.s32 $0xFD0200, s0;
	s11 =	sadd.s32 $0x1, s7  }
.LBB1_7:
0x11: {  	s0 =	sadd.s32 $0x1000, s13  }
0x12: {  	s1 =	sadd.s32 $0x8, s14;
	s20 =	smov.u32 s14;
	p2 =	sgt.s32 s0, $0x4E1FF  }
0x13: {  	s20 =	smov.u32 @p2 s1  }
0x14: {  	s17 =	sadd.s32 $0x10, s15;
	s21 =	smov.u32 s15;
	p3 =	sgt.s32 s20, $0x7  }
0x15: {  	s21 =	smov.u32 @p3 s17  }
0x16: {  	s0 =	smov.u32 @p2 s4;
	p2 =	sgt.s32 s21, $0xF  }
0x17: {  	p1 =	slt.u32 s16, $0x2;
	s21 =	smov.u32 @p2 s2;
	p2 =	sne.s32 s16, s11  }
.Ltmp1:
0x18: {  	s1 =	simm.s32 @!p1 $0x2;
	(pc) =	sbr.rel @!p2 .LBB1_8-.Ltmp1, $4  }
0x19: {  	s19 =	smov.u32 s13;
	s18 =	smov.u32 s15;
	_ =	swait.ge @!p1 [sflag:s1], $0x4000  }
0x1a: {  	p0 =	por !p0, !p0;
	s13 =	smov.u32 s0;
	[sflag:s1] =	ssyncset.done @!p1 $0x0  }
0x1b: {  	s20 =	simm.s32 @p3 $0x0;
	s17 =	smov.u32 s14;
	[sflag:s1] =	ssyncadd.s32 @!p1 $0xFFFFC000  }
0x1c: {  	s14 =	smov.u32 s20;
	s16 =	sadd.s32 $0x1, s16;
	s15 =	smov.u32 s21  }
.LBB1_1:
0x1d: {  	p1 =	sge.u32 s16, s7  }
0x1e: {  	s0 =	sshrl.u32 @!p1 s14, $0x3  }
0x1f: {  	s20 =	sshll.u32 @!p1 s13, $0x3;
	s0 =	smul.u32 @!p1 $0x271000, s0  }
0x20: {  	s21 =	sshll.u32 @!p1 s14, $0x7;
	s20 =	sand.u32 @!p1 $0xFFFFFC00, s20  }
0x21: {  	s0 =	sadd.s32 @!p1 s0, s20;
	s20 =	sand.u32 @!p1 $0x380, s21  }
0x22: {  	s21 =	sand.u32 @!p1 $0x7F, s13;
	s0 =	sor.u32 @!p1 s20, s0  }
0x23: {  	s20 =	sor.u32 @!p1 s21, s0  }
0x24: {  	s21 =	smulhi.u32 @!p1 $0xD1B71759, s20  }
0x25: {  	s0 =	smulhi.u32 @!p1 $0xD1B71759, s0  }
0x26: {  	s21 =	sshrl.u32 @!p1 s21, $0x12  }
0x27: {  	s31 =	sadd.s32 $0xFFFFFFFF, s16;
	s0 =	sshrl.u32 @!p1 s0, $0x12;
	s21 =	smul.u32 @!p1 $0x4E200, s21  }
0x28: {  	s22 =	sxor.u32 @!p1 $0xFFFFFFFF, s16;
	s23 =	smul.u32 @!p1 $0x4E200, s15;
	s0 =	sand.u32 @!p1 $0x7, s0  }
0x29: {  	s22 =	sshll.u32 @!p1 s22, $0xE;
	s0 =	smul.u32 @!p1 $0x9C40, s0;
	s20 =	ssub.s32 @!p1 s20, s21  }
0x2a: {  	s21 =	sand.u32 @!p1 $0x4000, s22;
	s22 =	sadd.s32 @!p1 s3, s23;
	s23 =	sand.u32 @!p1 $0x7, s20  }
0x2b: {  	s20 =	sshrl.u32 @!p1 s20, $0x3;
	s0 =	sadd.s32 @!p1 s0, s22;
	s22 =	sshll.u32 @!p1 s23, $0x12  }
0x2c: {  	s0 =	sadd.s32 @!p1 s20, s0;
	s20 =	sor.u32 @!p1 $0x1000, s22;
	s22 =	simm.s32 @!p1 $0x271000  }
0x2d: {  	[tilespmem:s21], [sflag:$0x1] =	stream.strided.gather @!p1 [hbm4b:s0+s20], $0x4000, s22, s20, $0x38;
	[tilespmem:$0x11000] =	vst v63  }
0x2e: {  	p1 =	sge.u32 s31, s7  }
.Ltmp2:
0x2f: {  	_ = 	snop;
	(pc) =	sbr.rel @p1 .LBB1_7-.Ltmp2, $1  }
0x30: {  	_ =	sdelay $0x3  }
0x31: {  	s0 =	simm.s32 $0x1  }
0x32: {  	s0 =	simm.s32 @!p0 $0x0  }
0x33: {  	s21 =	sand.u32 $0x1, s16;
	_ =	swait.ge [sflag:s6], $0x4000;
	s20 =	smul.u32 $0x12000, s0  }
0x34: {  	s26 =	simm.s32 $0x0;
	s25 =	smul.u32 $0x12000, s21;
	[sflag:s6] =	ssyncset.done $0x0  }
0x35: {  	s24 =	sshll.u32 s21, $0xE;
	s0 =	sshll.u32 s0, $0xE;
	s20 =	sshrl.u32 s20, $0x2  }
0x36: {  	[sflag:s6] =	ssyncadd.s32 $0xFFFFC000;
	s22 =	sor.u32 $0x8000, s20;
	s20 =	sshrl.u32 s25, $0x2  }
0x37: {  	s23 =	sor.u32 $0x810, s0;
	s25 =	simm.s32 $0x0;
	s21 =	sor.u32 $0x8000, s20  }
.LBB1_3:
0x38: {  	v4 =	vld [tilespmem:s23+$0xFFFFF7F0]  }
0x39: {  	s0 =	sshll.u32 s26, $0xC;
	v5 =	vld [tilespmem:s23+$0xFFFFF800]  }
0x3a: {  	s1 =	sand.u32 $0x200, s25;
	v6 =	vld [tilespmem:s23+$0xFFFFF810];
	v0 =	vmov s0  }
0x3b: {  	s27 =	sand.u32 $0x180, s25;
	v7 =	vld [tilespmem:s23+$0xFFFFF820];
	s0 =	sadd.s32 s1, s24  }
0x3c: {  	v8 =	vld [tilespmem:s23+$0x50];
	s0 =	sadd.s32 s27, s0;
	s27 =	sadd.s32 $0x0, s22  }
0x3d: {  	[tilespmem:s27+$0x0 ss:$0x9] =	vst.msk $0xffff, v4;
	v4 =	vld [tilespmem:s23+$0xFFFFF860]  }
0x3e: {  	[tilespmem:s27+$0x90 ss:$0x9] =	vst.msk $0xffff, v5;
	v5 =	vld [tilespmem:s23+$0xFFFFFC00]  }
0x3f: {  	v1 =	vld.idx.msk [tilespmem:v0+s0+$0xC00 ss:$0x1], $0xffff  }
0x40: {  	[tilespmem:s27+$0x120 ss:$0x9] =	vst.msk $0xffff, v6;
	v2 =	vld.idx.msk [tilespmem:v0+s0+$0x400 ss:$0x1], $0xffff  }
0x41: {  	[tilespmem:s27+$0x1B0 ss:$0x9] =	vst.msk $0xffff, v7;
	v3 =	vld.idx.msk [tilespmem:v0+s0+$0x800 ss:$0x1], $0xffff  }
0x42: {  	v6 =	vld [tilespmem:s23+$0xFFFFFC10];
	[tilespmem:s27+$0xC60 ss:$0x9] =	vst.msk $0xffff, v8  }
0x43: {  	v7 =	vld [tilespmem:s23+$0x40];
	[tilespmem:s27+$0x3F0 ss:$0x9] =	vst.msk $0xffff, v4  }
0x44: {  	[tilespmem:s27+$0xD80 ss:$0x9] =	vst.msk $0xffff, v1;
	v1 =	vld [tilespmem:s23+$0xFFFFF830]  }
0x45: {  	[tilespmem:s27+$0x480 ss:$0x9] =	vst.msk $0xffff, v2;
	v2 =	vld [tilespmem:s23+$0xFFFFF840]  }
0x46: {  	[tilespmem:s27+$0x900 ss:$0x9] =	vst.msk $0xffff, v3;
	v3 =	vld [tilespmem:s23+$0xFFFFF850]  }
0x47: {  	v4 =	vld [tilespmem:s23+$0xFFFFFC50];
	[tilespmem:s27+$0x510 ss:$0x9] =	vst.msk $0xffff, v5  }
0x48: {  	v5 =	vld [tilespmem:s23+$0xFFFFFC60];
	[tilespmem:s27+$0x5A0 ss:$0x9] =	vst.msk $0xffff, v6  }
0x49: {  	[tilespmem:s27+$0x240 ss:$0x9] =	vst.msk $0xffff, v1;
	v1 =	vld [tilespmem:s23+$0xFFFFFC20]  }
0x4a: {  	[tilespmem:s27+$0x2D0 ss:$0x9] =	vst.msk $0xffff, v2;
	v2 =	vld [tilespmem:s23+$0xFFFFFC30]  }
0x4b: {  	[tilespmem:s27+$0x360 ss:$0x9] =	vst.msk $0xffff, v3;
	v3 =	vld [tilespmem:s23+$0xFFFFFC40]  }
0x4c: {  	v6 =	vld [tilespmem:s23+$0x0];
	[tilespmem:s27+$0xBD0 ss:$0x9] =	vst.msk $0xffff, v7  }
0x4d: {  	[tilespmem:s27+$0x870 ss:$0x9] =	vst.msk $0xffff, v5;
	v5 =	vld [tilespmem:s23+$0x60]  }
0x4e: {  	[tilespmem:s27+$0x630 ss:$0x9] =	vst.msk $0xffff, v1;
	v1 =	vld [tilespmem:s23+$0x10]  }
0x4f: {  	[tilespmem:s27+$0x6C0 ss:$0x9] =	vst.msk $0xffff, v2;
	v2 =	vld [tilespmem:s23+$0x20]  }
0x50: {  	[tilespmem:s27+$0x750 ss:$0x9] =	vst.msk $0xffff, v3;
	v3 =	vld [tilespmem:s23+$0x30]  }
0x51: {  	[tilespmem:s27+$0x7E0 ss:$0x9] =	vst.msk $0xffff, v4;
	v4 =	vld [tilespmem:s23+$0x400]  }
0x52: {  	[tilespmem:s27+$0x990 ss:$0x9] =	vst.msk $0xffff, v6;
	v6 =	vld [tilespmem:s23+$0x440]  }
0x53: {  	[tilespmem:s27+$0xA20 ss:$0x9] =	vst.msk $0xffff, v1;
	v1 =	vld [tilespmem:s23+$0x410]  }
0x54: {  	s30 =	simm.s32 $0x80;
	s28 =	simm.s32 $0x4;
	[tilespmem:s27+$0xAB0 ss:$0x9] =	vst.msk $0xffff, v2;
	v2 =	vld [tilespmem:s23+$0x420]  }
0x55: {  	s31 =	simm.s32 $0x8;
	s29 =	smov.u32 s23;
	s0 =	sand.u32 $0x200, s30;
	[tilespmem:s27+$0xB40 ss:$0x9] =	vst.msk $0xffff, v3;
	v3 =	vld [tilespmem:s23+$0x430]  }
.LBB1_4:
0x56: {  	p1 =	sne.s32 s31, $0x1C;
	s1 =	sand.u32 $0x180, s30;
	s0 =	sadd.s32 s0, s24;
	[tilespmem:s27+$0xCF0 ss:$0x9] =	vst.msk $0xffff, v5;
	v5 =	vld [tilespmem:s29+$0x450]  }
0x57: {  	s0 =	sadd.s32 s1, s0;
	[tilespmem:s27+$0xE10 ss:$0x9] =	vst.msk $0xffff, v4;
	v4 =	vld [tilespmem:s29+$0x460]  }
0x58: {  	v7 =	vld.idx.msk [tilespmem:v0+s0+$0xC00 ss:$0x1], $0xffff;
	[tilespmem:s27+$0xEA0 ss:$0x9] =	vst.msk $0xffff, v1  }
0x59: {  	v1 =	vld.idx.msk [tilespmem:v0+s0+$0x400 ss:$0x1], $0xffff;
	[tilespmem:s27+$0xF30 ss:$0x9] =	vst.msk $0xffff, v2  }
0x5a: {  	s29 =	sadd.s32 $0x80, s29;
	v2 =	vld.idx.msk [tilespmem:v0+s0+$0x800 ss:$0x1], $0xffff;
	[tilespmem:s27+$0xFC0 ss:$0x9] =	vst.msk $0xffff, v3  }
0x5b: {  	v3 =	vld [tilespmem:s29+$0xFFFFF7F0];
	[tilespmem:s27+$0x1050 ss:$0x9] =	vst.msk $0xffff, v6  }
0x5c: {  	s0 =	sshra.s32 s28, $0x2;
	s28 =	smov.u32 s31;
	v6 =	vld [tilespmem:s29+$0xFFFFF800];
	[tilespmem:s27+$0x10E0 ss:$0x9] =	vst.msk $0xffff, v5  }
0x5d: {  	v5 =	vld [tilespmem:s29+$0xFFFFF810];
	[tilespmem:s27+$0x1170 ss:$0x9] =	vst.msk $0xffff, v4;
	s27 =	sadd.s32 s0, s22  }
0x5e: {  	v4 =	vld [tilespmem:s29+$0xFFFFF820];
	[tilespmem:s27+$0xD80 ss:$0x9] =	vst.msk $0xffff, v7  }
0x5f: {  	v7 =	vld [tilespmem:s29+$0xFFFFF830];
	[tilespmem:s27+$0x480 ss:$0x9] =	vst.msk $0xffff, v1  }
0x60: {  	v1 =	vld [tilespmem:s29+$0xFFFFF840];
	[tilespmem:s27+$0x900 ss:$0x9] =	vst.msk $0xffff, v2  }
0x61: {  	[tilespmem:s27+$0x0 ss:$0x9] =	vst.msk $0xffff, v3;
	v2 =	vld [tilespmem:s29+$0xFFFFF850]  }
0x62: {  	[tilespmem:s27+$0x90 ss:$0x9] =	vst.msk $0xffff, v6;
	v3 =	vld [tilespmem:s29+$0xFFFFF860]  }
0x63: {  	[tilespmem:s27+$0x120 ss:$0x9] =	vst.msk $0xffff, v5;
	v5 =	vld [tilespmem:s29+$0xFFFFFC00]  }
0x64: {  	[tilespmem:s27+$0x1B0 ss:$0x9] =	vst.msk $0xffff, v4;
	v4 =	vld [tilespmem:s29+$0xFFFFFC10]  }
0x65: {  	[tilespmem:s27+$0x240 ss:$0x9] =	vst.msk $0xffff, v7;
	v6 =	vld [tilespmem:s29+$0xFFFFFC20]  }
0x66: {  	[tilespmem:s27+$0x2D0 ss:$0x9] =	vst.msk $0xffff, v1;
	v1 =	vld [tilespmem:s29+$0xFFFFFC30]  }
0x67: {  	[tilespmem:s27+$0x360 ss:$0x9] =	vst.msk $0xffff, v2;
	v2 =	vld [tilespmem:s29+$0xFFFFFC40]  }
0x68: {  	[tilespmem:s27+$0x3F0 ss:$0x9] =	vst.msk $0xffff, v3;
	v3 =	vld [tilespmem:s29+$0xFFFFFC50]  }
0x69: {  	[tilespmem:s27+$0x510 ss:$0x9] =	vst.msk $0xffff, v5;
	v5 =	vld [tilespmem:s29+$0xFFFFFC60]  }
0x6a: {  	[tilespmem:s27+$0x5A0 ss:$0x9] =	vst.msk $0xffff, v4;
	v4 =	vld [tilespmem:s29+$0x0]  }
0x6b: {  	[tilespmem:s27+$0x630 ss:$0x9] =	vst.msk $0xffff, v6;
	v6 =	vld [tilespmem:s29+$0x10]  }
0x6c: {  	[tilespmem:s27+$0x6C0 ss:$0x9] =	vst.msk $0xffff, v1;
	v1 =	vld [tilespmem:s29+$0x20]  }
0x6d: {  	[tilespmem:s27+$0x750 ss:$0x9] =	vst.msk $0xffff, v2;
	v2 =	vld [tilespmem:s29+$0x30]  }
0x6e: {  	[tilespmem:s27+$0x7E0 ss:$0x9] =	vst.msk $0xffff, v3;
	v3 =	vld [tilespmem:s29+$0x40]  }
0x6f: {  	[tilespmem:s27+$0x870 ss:$0x9] =	vst.msk $0xffff, v5;
	v7 =	vld [tilespmem:s29+$0x50]  }
0x70: {  	[tilespmem:s27+$0x990 ss:$0x9] =	vst.msk $0xffff, v4;
	v5 =	vld [tilespmem:s29+$0x60]  }
.Ltmp3:
0x71: {  	[tilespmem:s27+$0xA20 ss:$0x9] =	vst.msk $0xffff, v6;
	v4 =	vld [tilespmem:s29+$0x400];
	(pc) =	sbr.rel @p1 .LBB1_4-.Ltmp3, $4  }
0x72: {  	[tilespmem:s27+$0xAB0 ss:$0x9] =	vst.msk $0xffff, v1;
	v1 =	vld [tilespmem:s29+$0x410]  }
0x73: {  	[tilespmem:s27+$0xB40 ss:$0x9] =	vst.msk $0xffff, v2;
	v2 =	vld [tilespmem:s29+$0x420]  }
0x74: {  	s30 =	sadd.s32 $0x80, s30;
	[tilespmem:s27+$0xBD0 ss:$0x9] =	vst.msk $0xffff, v3;
	v3 =	vld [tilespmem:s29+$0x430]  }
0x75: {  	s31 =	sadd.s32 $0x4, s31;
	s0 =	sand.u32 $0x200, s30;
	[tilespmem:s27+$0xC60 ss:$0x9] =	vst.msk $0xffff, v7;
	v6 =	vld [tilespmem:s29+$0x440]  }
0x76: {  	[tilespmem:s27+$0xCF0 ss:$0x9] =	vst.msk $0xffff, v5  }
0x77: {  	v30 =	vld [tilespmem:s29+$0x450];
	[tilespmem:s27+$0xE10 ss:$0x9] =	vst.msk $0xffff, v4  }
0x78: {  	s1 =	sand.u32 $0x180, s30;
	v31 =	vld [tilespmem:s29+$0x460];
	s30 =	sadd.s32 $0x80, s29;
	[tilespmem:s27+$0xEA0 ss:$0x9] =	vst.msk $0xffff, v1  }
0x79: {  	v35 =	vld [tilespmem:s30+$0xFFFFF7F0];
	[tilespmem:s27+$0xF30 ss:$0x9] =	vst.msk $0xffff, v2  }
0x7a: {  	v36 =	vld [tilespmem:s30+$0xFFFFF800];
	[tilespmem:s27+$0xFC0 ss:$0x9] =	vst.msk $0xffff, v3  }
0x7b: {  	v37 =	vld [tilespmem:s30+$0xFFFFF810];
	[tilespmem:s27+$0x1050 ss:$0x9] =	vst.msk $0xffff, v6  }
0x7c: {  	s0 =	sadd.s32 s0, s24;
	s31 =	sshra.s32 s28, $0x2;
	v38 =	vld [tilespmem:s30+$0xFFFFF820];
	[tilespmem:s27+$0x10E0 ss:$0x9] =	vst.msk $0xffff, v30  }
0x7d: {  	s0 =	sadd.s32 s1, s0;
	s1 =	sadd.s32 s31, s22;
	v39 =	vld [tilespmem:s30+$0xFFFFF830];
	[tilespmem:s27+$0x1170 ss:$0x9] =	vst.msk $0xffff, v31  }
0x7e: {  	v40 =	vld [tilespmem:s30+$0xFFFFF840];
	[tilespmem:s1+$0x0 ss:$0x9] =	vst.msk $0xffff, v35  }
0x7f: {  	v41 =	vld [tilespmem:s30+$0xFFFFF850];
	[tilespmem:s1+$0x90 ss:$0x9] =	vst.msk $0xffff, v36  }
0x80: {  	v42 =	vld [tilespmem:s30+$0xFFFFF860];
	[tilespmem:s1+$0x120 ss:$0x9] =	vst.msk $0xffff, v37  }
0x81: {  	v43 =	vld [tilespmem:s30+$0xFFFFFC00];
	[tilespmem:s1+$0x1B0 ss:$0x9] =	vst.msk $0xffff, v38  }
0x82: {  	v44 =	vld [tilespmem:s30+$0xFFFFFC10];
	[tilespmem:s1+$0x240 ss:$0x9] =	vst.msk $0xffff, v39  }
0x83: {  	v45 =	vld [tilespmem:s30+$0xFFFFFC20];
	[tilespmem:s1+$0x2D0 ss:$0x9] =	vst.msk $0xffff, v40  }
0x84: {  	v46 =	vld [tilespmem:s30+$0xFFFFFC30];
	[tilespmem:s1+$0x360 ss:$0x9] =	vst.msk $0xffff, v41  }
0x85: {  	v47 =	vld [tilespmem:s30+$0xFFFFFC40];
	[tilespmem:s1+$0x3F0 ss:$0x9] =	vst.msk $0xffff, v42  }
0x86: {  	v48 =	vld [tilespmem:s30+$0xFFFFFC50];
	[tilespmem:s1+$0x510 ss:$0x9] =	vst.msk $0xffff, v43  }
0x87: {  	v49 =	vld [tilespmem:s30+$0xFFFFFC60];
	[tilespmem:s1+$0x5A0 ss:$0x9] =	vst.msk $0xffff, v44  }
0x88: {  	v50 =	vld [tilespmem:s30+$0x0];
	[tilespmem:s1+$0x630 ss:$0x9] =	vst.msk $0xffff, v45  }
0x89: {  	v51 =	vld [tilespmem:s30+$0x10];
	[tilespmem:s1+$0x6C0 ss:$0x9] =	vst.msk $0xffff, v46  }
0x8a: {  	v52 =	vld [tilespmem:s30+$0x20];
	[tilespmem:s1+$0x750 ss:$0x9] =	vst.msk $0xffff, v47  }
0x8b: {  	v53 =	vld [tilespmem:s30+$0x30];
	[tilespmem:s1+$0x7E0 ss:$0x9] =	vst.msk $0xffff, v48  }
0x8c: {  	v54 =	vld [tilespmem:s30+$0x40];
	[tilespmem:s1+$0x870 ss:$0x9] =	vst.msk $0xffff, v49  }
0x8d: {  	v55 =	vld [tilespmem:s30+$0x50];
	[tilespmem:s1+$0x990 ss:$0x9] =	vst.msk $0xffff, v50  }
0x8e: {  	v56 =	vld [tilespmem:s30+$0x60];
	[tilespmem:s1+$0xA20 ss:$0x9] =	vst.msk $0xffff, v51  }
0x8f: {  	v57 =	vld [tilespmem:s30+$0x400];
	[tilespmem:s1+$0xAB0 ss:$0x9] =	vst.msk $0xffff, v52  }
0x90: {  	v58 =	vld [tilespmem:s30+$0x410];
	[tilespmem:s1+$0xB40 ss:$0x9] =	vst.msk $0xffff, v53  }
0x91: {  	v59 =	vld [tilespmem:s30+$0x420];
	[tilespmem:s1+$0xBD0 ss:$0x9] =	vst.msk $0xffff, v54  }
0x92: {  	v60 =	vld [tilespmem:s30+$0x430];
	[tilespmem:s1+$0xC60 ss:$0x9] =	vst.msk $0xffff, v55  }
0x93: {  	v61 =	vld [tilespmem:s30+$0x440];
	[tilespmem:s1+$0xCF0 ss:$0x9] =	vst.msk $0xffff, v56  }
0x94: {  	v62 =	vld [tilespmem:s30+$0x450];
	[tilespmem:s1+$0xE10 ss:$0x9] =	vst.msk $0xffff, v57  }
0x95: {  	v63 =	vld [tilespmem:s30+$0x460];
	[tilespmem:s1+$0xEA0 ss:$0x9] =	vst.msk $0xffff, v58  }
0x96: {  	v32 =	vld.idx.msk [tilespmem:v0+s0+$0xC00 ss:$0x1], $0xffff;
	[tilespmem:s1+$0xF30 ss:$0x9] =	vst.msk $0xffff, v59  }
0x97: {  	s26 =	sadd.s32 $0x1, s26;
	v33 =	vld.idx.msk [tilespmem:v0+s0+$0x400 ss:$0x1], $0xffff;
	[tilespmem:s1+$0xFC0 ss:$0x9] =	vst.msk $0xffff, v60  }
0x98: {  	p1 =	sne.s32 s26, $0x4;
	v34 =	vld.idx.msk [tilespmem:v0+s0+$0x800 ss:$0x1], $0xffff;
	[tilespmem:s1+$0x1050 ss:$0x9] =	vst.msk $0xffff, v61  }
.Ltmp4:
0x99: {  	[tilespmem:s1+$0x10E0 ss:$0x9] =	vst.msk $0xffff, v62;
	(pc) =	sbr.rel @p1 .LBB1_3-.Ltmp4, $4  }
0x9a: {  	[tilespmem:s1+$0x1170 ss:$0x9] =	vst.msk $0xffff, v63  }
0x9b: {  	[tilespmem:s1+$0xD80 ss:$0x9] =	vst.msk $0xffff, v32  }
0x9c: {  	[tilespmem:s1+$0x480 ss:$0x9] =	vst.msk $0xffff, v33  }
0x9d: {  	s23 =	sadd.s32 $0x1000, s23;
	s22 =	sadd.s32 $0x1200, s22;
	[tilespmem:s1+$0x900 ss:$0x9] =	vst.msk $0xffff, v34  }
0x9e: {  	s0 =	sshll.u32 s19, $0x7;
	s1 =	sshll.u32 s17, $0x3  }
0x9f: {  	s19 =	sand.u32 $0xFFFFFC00, s0;
	s1 =	sand.u32 $0xFFFFFC00, s1  }
0xa0: {  	s0 =	sand.u32 $0x380, s0;
	s1 =	sadd.s32 s1, s19  }
0xa1: {  	s0 =	sor.u32 s0, s1  }
0xa2: {  	s0 =	sshrl.u32 s0, $0x7  }
0xa3: {  	s22 =	smulhi.u32 $0x1A36E2F, s0;
	_ =	sdelay $0x1  }
0xa4: {  	s1 =	sshrl.u32 s22, $0xB  }
0xa5: {  	s1 =	smul.u32 $0x4E200, s1;
	_ =	sdelay $0x1  }
0xa6: {  	s23 =	smul.u32 $0x4E2000, s18;
	s0 =	ssub.s32 s0, s1  }
0xa7: {  	s0 =	sshll.u32 s0, $0x4  }
0xa8: {  	s24 =	sshrl.u32 s17, $0x3;
	s26 =	sand.u32 $0x7, s17;
	s25 =	sadd.s32 s23, s0  }
0xa9: {  	s18 =	sand.u32 $0xF, s24;
	s17 =	sshll.u32 s26, $0x12;
	s19 =	sadd.s32 s5, s25  }
0xaa: {  	s17 =	sor.u32 $0x8, s17;
	s27 =	sadd.s32 s23, s8;
	s19 =	sadd.s32 s18, s19  }
0xab: {  	[hbm4b:s19+s17] =	stream.strided.scatter [tilespmem:s21], [sflag:$0x2], $0x1000, s12, s17, $0x0;
	[tilespmem:$0x11000] =	vst v63  }
0xac: {  	s19 =	sadd.s32 s18, s27  }
0xad: {  	s28 =	sadd.s32 $0x9200, s20;
	s29 =	sadd.s32 s23, s9;
	s19 =	sadd.s32 s0, s19  }
0xae: {  	[hbm4b:s19+s17] =	stream.strided.scatter [tilespmem:s28], [sflag:$0x2], $0x1000, s12, s17, $0x0;
	[tilespmem:$0x11000] =	vst v63  }
.Ltmp5:
0xaf: {  	s1 =	sadd.s32 s23, s10;
	s19 =	sadd.s32 s18, s29;
	(pc) =	sbr.rel .LBB1_7-.Ltmp5, $4  }
0xb0: {  	s30 =	sadd.s32 $0xA400, s20;
	s1 =	sadd.s32 s18, s1;
	s19 =	sadd.s32 s0, s19  }
0xb1: {  	[hbm4b:s19+s17] =	stream.strided.scatter [tilespmem:s30], [sflag:$0x2], $0x1000, s12, s17, $0x0;
	[tilespmem:$0x11000] =	vst v63  }
0xb2: {  	s31 =	sadd.s32 $0xB600, s20;
	s0 =	sadd.s32 s0, s1  }
0xb3: {  	[hbm4b:s0+s17] =	stream.strided.scatter [tilespmem:s31], [sflag:$0x2], $0x1000, s12, s17, $0x0;
	[tilespmem:$0x11000] =	vst v63  }
.LBB1_8:
0xb4: {  	_ =	sfence.sel $0x180000  }
0xb5: {  	s0 =	simm.s32 $0x1;
	[bflag:$0x0] =	sbarrier.arrive $0xFFFF  }
0xb6: {  	s30 =	simm.s32 $0x2;
	[sflag:s0] =	ssyncpa.u1 $0x1  }
0xb7: {  	[sflag:s30] =	ssyncpa.u1 $0x1  }
0xb8: {  	_ =	strace $0x9000004A  }
0xb9: {  	s31 =	stileid.u32;
	[bflag:$0x2] =	sbarrier.arrive $0xFFFF  }
0xba: {  	p0 =	sne.s32 s31, $0x0;
	s0 =	rddreg [dreg:$0x1]  }
0xbb: {  	s0 =	sadd.s32 @!p0 $0x100000, s0  }
0xbc: {  	[sflag:s0] =	ssyncadd.tile.s32 @!p0 $0x1;
	_ =	shalt  }
.Lfunc_end1:
_tile_overlayer_lowered:
.L_overlay_start_2:
0xbd: {  	(tag) =	ssettag $0x2  }
0xbe: {  	s0 =	rddreg [dreg:$0x0];
	s2 =	stileid.u32  }
0xbf: {  	s1 =	rddreg [dreg:$0x1];
	p0 =	sne.s32 s2, $0x0  }
0xc0: {  	s3 =	rddreg [dreg:$0x2];
	[bflag:$0x3] =	sbarrier.arrive $0xFFFF;
	s2 =	simm.s32 @!p0 $0x1C01  }
0xc1: {  	[timem:s3], [sflag:s2] =	dma.local @!p0 [hbm:s0], s1  }
0xc2: {  	s0 =	simm.s32 @!p0 $0x1  }
0xc3: {  	_ =	swait.ge @!p0 [sflag:s0], s1  }
0xc4: {  	s1 =	ssub.s32 @!p0 $0x0, s1;
	[sflag:s0] =	ssyncset.done @!p0 $0x0  }
0xc5: {  	[sflag:s0] =	ssyncadd.s32 @!p0 s1  }
0xc6: {  	[bflag:$0x3] =	sbarrier.arrive $0xFFFF  }
0xc7: {  	_ =	shalt  }

</sc_bundles>
